<compile_context>
chip_gen: v7x
topology: tpu7x:2x2x1
jax: 0.10.2.dev20260603
libtpu: 0.0.44.dev20260713+nightly
codegen_flags: <defaults>
</compile_context>

<pallas_src>
import numpy as np

import jax
import jax.numpy as jnp
from jax import lax
from jax.experimental import pallas as pl
from jax.experimental.pallas import tpu as pltpu
from jax.experimental.pallas import tpu_sc as plsc

N_RAY = 92160
N_INT = 128
N_ROW = 512
N_COL = 512

NC = 2
NS = 16
LANES = 16
NW = NC * NS
RPW = N_RAY // NW
CHUNK = 96
NCHUNK = RPW // CHUNK
PAIRS = NCHUNK // 2
G = CHUNK // LANES
SLOTS = G * N_INT
NROWS = SLOTS * LANES // 128
UNROLL = 8

MAGIC = np.float32(12582912.0)
IMAGIC = np.int32(0x4B400000)


def _rsqrt(u):
    i = lax.bitcast_convert_type(u, jnp.int32)
    i = np.int32(0x5F3759DF) - lax.shift_right_logical(i, 1)
    y = lax.bitcast_convert_type(i, jnp.float32)
    half = np.float32(0.5) * u
    for _ in range(3):
        y = y * (np.float32(1.5) - half * y * y)
    return y


def _sc_body(t_hbm, img_hbm, sx_hbm, sy_hbm, ex_hbm, ey_hbm, scal_hbm,
             out_hbm, t_v, idx_a, idx_b, vals_a, vals_b, w_a, w_b,
             sx_v, sy_v, ex_v, ey_v, scal_v, out_v, sem_a, sem_b):
    wid = lax.axis_index("s") * NC + lax.axis_index("c")
    wbase = wid * RPW
    pltpu.sync_copy(scal_hbm, scal_v)
    a00 = scal_v[0]
    a01 = scal_v[1]
    a10 = scal_v[2]
    a11 = scal_v[3]
    b0 = scal_v[4]
    b1 = scal_v[5]
    iota = lax.iota(jnp.int32, LANES)
    zeros_i = jnp.zeros((LANES,), jnp.int32)
    zeros_f = jnp.zeros((LANES,), jnp.float32)

    def stage(c):
        base = wbase + c * CHUNK
        pltpu.sync_copy(t_hbm.at[pl.ds(base * N_INT, CHUNK * N_INT)], t_v)
        pltpu.sync_copy(sx_hbm.at[pl.ds(base, CHUNK)], sx_v)
        pltpu.sync_copy(sy_hbm.at[pl.ds(base, CHUNK)], sy_v)
        pltpu.sync_copy(ex_hbm.at[pl.ds(base, CHUNK)], ex_v)
        pltpu.sync_copy(ey_hbm.at[pl.ds(base, CHUNK)], ey_v)

    def pass1(idx_v, vals_v, w_v, sem):
        def group_body(g, _):
            sx = sx_v[pl.ds(g * LANES, LANES)]
            sy = sy_v[pl.ds(g * LANES, LANES)]
            dx = ex_v[pl.ds(g * LANES, LANES)] - sx
            dy = ey_v[pl.ds(g * LANES, LANES)] - sy
            u = dx * dx + dy * dy
            length = u * _rsqrt(u)
            ivec0 = (g * LANES + iota) * N_INT
            t0 = plsc.load_gather(t_v, [ivec0])
            x0 = sx + t0 * dx
            y0 = sy + t0 * dy

            @plsc.parallel_loop(0, N_INT - 1, unroll=UNROLL,
                                carry=(ivec0, t0, x0, y0))
            def _(i, carry):
                ivec, tc, xc, yc = carry
                ivn = ivec + 1
                tn = plsc.load_gather(t_v, [ivn])
                xn = sx + tn * dx
                yn = sy + tn * dy
                mx = np.float32(0.5) * (xc + xn)
                my = np.float32(0.5) * (yc + yn)
                mxs = mx - b0
                mys = my - b1
                rowf = a00 * mxs + a01 * mys
                colf = a10 * mxs + a11 * mys
                ri = lax.bitcast_convert_type(rowf + MAGIC,
                                              jnp.int32) - IMAGIC
                ci = lax.bitcast_convert_type(colf + MAGIC,
                                              jnp.int32) - IMAGIC
                valid = (lax.bitcast_convert_type(ri | ci, jnp.uint32)
                         < np.uint32(N_COL))
                flat = (ri << 9) | ci
                w = (tn - tc) * length
                idx = jnp.where(valid, flat, 0)
                w = jnp.where(valid, w, np.float32(0.0))
                s = g * N_INT + i
                idx_v[s >> 3, pl.ds((s & 7) * LANES, LANES)] = idx
                w_v[pl.ds(s * LANES, LANES)] = w
                return ivn, tn, xn, yn

            idx_v[g * LANES + 15, pl.ds(112, LANES)] = zeros_i
            w_v[pl.ds((g * N_INT + N_INT - 1) * LANES, LANES)] = zeros_f
            for r in range(LANES):
                j = g * LANES + r
                pltpu.async_copy(img_hbm.at[idx_v.at[j]],
                                 vals_v.at[pl.ds(j * 128, 128)], sem)
            return 0

        lax.fori_loop(0, G, group_body, 0)

    def drain(vals_v, sem):
        pltpu.make_async_copy(img_hbm.at[pl.ds(0, SLOTS * LANES)], vals_v,
                              sem).wait()

    def pass3(c, vals_v, w_v):
        def acc_group(g, _):
            def acc_block(ib, acc):
                accs = list(acc)
                for u in range(UNROLL):
                    s = g * N_INT + ib * UNROLL + u
                    v = vals_v[pl.ds(s * LANES, LANES)]
                    wv = w_v[pl.ds(s * LANES, LANES)]
                    accs[u % 4] = accs[u % 4] + v * wv
                return tuple(accs)

            acc = lax.fori_loop(0, N_INT // UNROLL, acc_block,
                                (zeros_f,) * 4)
            out_v[pl.ds(g * LANES, LANES)] = ((acc[0] + acc[1])
                                              + (acc[2] + acc[3]))
            return 0

        lax.fori_loop(0, G, acc_group, 0)
        pltpu.sync_copy(out_v, out_hbm.at[pl.ds(wbase + c * CHUNK, CHUNK)])

    stage(0)
    pass1(idx_a, vals_a, w_a, sem_a)

    def pair_body(kk, _):
        cb = 2 * kk + 1
        stage(cb)
        pass1(idx_b, vals_b, w_b, sem_b)
        drain(vals_a, sem_a)
        pass3(cb - 1, vals_a, w_a)

        @pl.when(kk < PAIRS - 1)
        def _():
            stage(cb + 1)
            pass1(idx_a, vals_a, w_a, sem_a)

        drain(vals_b, sem_b)
        pass3(cb, vals_b, w_b)
        return 0

    lax.fori_loop(0, PAIRS, pair_body, 0)


@jax.jit
def kernel(image, t_sorted, M, b, src, dst):
    M_inv = jnp.linalg.inv(M)
    scal = jnp.stack([
        jnp.broadcast_to(M_inv[0, 0], (LANES,)),
        jnp.broadcast_to(M_inv[0, 1], (LANES,)),
        jnp.broadcast_to(M_inv[1, 0], (LANES,)),
        jnp.broadcast_to(M_inv[1, 1], (LANES,)),
        jnp.broadcast_to(b[0], (LANES,)),
        jnp.broadcast_to(b[1], (LANES,)),
    ]).astype(jnp.float32)
    img_flat = image.reshape(-1)
    sx = src[:, 0]
    sy = src[:, 1]
    ex = dst[:, 0]
    ey = dst[:, 1]

    mesh = plsc.VectorSubcoreMesh(core_axis_name="c", subcore_axis_name="s")
    run = pl.kernel(
        _sc_body,
        out_type=jax.ShapeDtypeStruct((N_RAY,), jnp.float32),
        mesh=mesh,
        compiler_params=pltpu.CompilerParams(needs_layout_passes=False),
        scratch_types=[
            pltpu.VMEM((CHUNK * N_INT,), jnp.float32),
            pltpu.VMEM((NROWS, 128), jnp.int32),
            pltpu.VMEM((NROWS, 128), jnp.int32),
            pltpu.VMEM((SLOTS * LANES,), jnp.float32),
            pltpu.VMEM((SLOTS * LANES,), jnp.float32),
            pltpu.VMEM((SLOTS * LANES,), jnp.float32),
            pltpu.VMEM((SLOTS * LANES,), jnp.float32),
            pltpu.VMEM((CHUNK,), jnp.float32),
            pltpu.VMEM((CHUNK,), jnp.float32),
            pltpu.VMEM((CHUNK,), jnp.float32),
            pltpu.VMEM((CHUNK,), jnp.float32),
            pltpu.VMEM((8, LANES), jnp.float32),
            pltpu.VMEM((CHUNK,), jnp.float32),
            pltpu.SemaphoreType.DMA,
            pltpu.SemaphoreType.DMA,
        ],
    )
    return run(t_sorted.reshape(-1), img_flat, sx, sy, ex, ey,
               jnp.pad(scal, ((0, 2), (0, 0))))

# --- scband reference (transcript-rebuilt; emitter-appended) ---
"""Pipeline reference for scband-ctprojector2-d-36369783063165 (READ-ONLY COPY).

The authoritative reference and input builder live on the scoring server;
editing this copy changes nothing except your own understanding.
"""

import jax, jax.numpy as jnp
import numpy as np

N_RAY = 92160
N_INT = 128
N_ROW = 512
N_COL = 512


def setup_inputs(seed: int = 0) -> dict:
    key = jax.random.key(seed)
    k1, k2, k3, k4 = jax.random.split(key, 4)
    image = jax.random.normal(k1, (N_ROW, N_COL), dtype=jnp.float32)
    # sorted intersection parameters t in [0, 1) along each ray
    t_sorted = jnp.sort(jax.random.uniform(k2, (N_RAY, N_INT), dtype=jnp.float32), axis=1)
    # geometry transform: identity pixel grid, zero offset
    M = jnp.eye(2, dtype=jnp.float32)
    b = jnp.zeros((2,), dtype=jnp.float32)
    # ray endpoints inside the image domain [0, 512)
    src = jax.random.uniform(k3, (N_RAY, 2), dtype=jnp.float32) * N_ROW
    dst = jax.random.uniform(k4, (N_RAY, 2), dtype=jnp.float32) * N_ROW
    return {"image": image, "t_sorted": t_sorted, "M": M, "b": b, "src": src, "dst": dst}


def reference(image, t_sorted, M, b, src, dst):
    # forward_project_2d_torch translated to jax: vectorized line-integral projector
    n_row, n_col = image.shape
    M_inv = jnp.linalg.inv(M)
    # pts_xy: [n_ray, n_int, 2]
    pts_xy = src[:, None, :] + t_sorted[:, :, None] * (dst - src)[:, None, :]
    x0 = pts_xy[:, :-1, 0]
    x1 = pts_xy[:, 1:, 0]
    y0 = pts_xy[:, :-1, 1]
    y1 = pts_xy[:, 1:, 1]
    inf_mask = jnp.isinf(x0) | jnp.isinf(x1) | jnp.isinf(y0) | jnp.isinf(y1)
    seg_len = jnp.sqrt((x1 - x0) ** 2 + (y1 - y0) ** 2)
    mx = 0.5 * (x0 + x1)
    my = 0.5 * (y0 + y1)
    mx_shift = mx - b[0]
    my_shift = my - b[1]
    rowf = M_inv[0, 0] * mx_shift + M_inv[0, 1] * my_shift
    colf = M_inv[1, 0] * mx_shift + M_inv[1, 1] * my_shift
    row_idx = jnp.round(rowf).astype(jnp.int32)
    col_idx = jnp.round(colf).astype(jnp.int32)
    out_of_bounds = (row_idx < 0) | (row_idx >= n_row) | (col_idx < 0) | (col_idx >= n_col)
    valid_mask = (~inf_mask) & (~out_of_bounds)
    image_flat = image.reshape(-1)
    flat_idx = row_idx * n_col + col_idx
    flat_idx_clamped = jnp.where(valid_mask, flat_idx, 0)
    pixel_vals = jnp.take(image_flat, flat_idx_clamped)
    pixel_vals = jnp.where(valid_mask, pixel_vals, 0.0)
    segment_val = pixel_vals * seg_len
    segment_val = jnp.where(valid_mask, segment_val, 0.0)
    line_integrals = segment_val.sum(axis=1)
    return line_integrals

if __name__ == "__main__":
    import jax
    _d = setup_inputs()
    print(jax.jit(kernel)(*tuple(_d.values())))

</pallas_src>

<mosaic_0001>
#map = affine_map<(d0, d1) -> (0)>
#map1 = affine_map<(d0, d1) -> (0, 0)>
module attributes {stable_mosaic.version = 14 : i64} {
  func.func @_sc_body(%arg0: i32, %arg1: i32, %arg2: memref<11796480xf32, #tpu.memory_space<hbm>>, %arg3: memref<262144xf32, #tpu.memory_space<hbm>>, %arg4: memref<92160xf32, #tpu.memory_space<hbm>>, %arg5: memref<92160xf32, #tpu.memory_space<hbm>>, %arg6: memref<92160xf32, #tpu.memory_space<hbm>>, %arg7: memref<92160xf32, #tpu.memory_space<hbm>>, %arg8: memref<8x16xf32, #tpu.memory_space<hbm>>, %arg9: memref<92160xf32, #tpu.memory_space<hbm>>, %arg10: memref<12288xf32, #tpu.memory_space<vmem>>, %arg11: memref<96x128xi32, #tpu.memory_space<vmem>>, %arg12: memref<96x128xi32, #tpu.memory_space<vmem>>, %arg13: memref<12288xf32, #tpu.memory_space<vmem>>, %arg14: memref<12288xf32, #tpu.memory_space<vmem>>, %arg15: memref<12288xf32, #tpu.memory_space<vmem>>, %arg16: memref<12288xf32, #tpu.memory_space<vmem>>, %arg17: memref<96xf32, #tpu.memory_space<vmem>>, %arg18: memref<96xf32, #tpu.memory_space<vmem>>, %arg19: memref<96xf32, #tpu.memory_space<vmem>>, %arg20: memref<96xf32, #tpu.memory_space<vmem>>, %arg21: memref<8x16xf32, #tpu.memory_space<vmem>>, %arg22: memref<96xf32, #tpu.memory_space<vmem>>, %arg23: memref<!tpu.dma_semaphore, #tpu.memory_space<semaphore_mem>>, %arg24: memref<!tpu.dma_semaphore, #tpu.memory_space<semaphore_mem>>) attributes {dimension_semantics = [#tpu.dimension_semantics<core_parallel>, #tpu.dimension_semantics<subcore_parallel>], iteration_bounds = array<i64: 2, 16>, scalar_prefetch = 0 : i64, scratch_operands = 15 : i64, tpu.core_type = #tpu.core_type<sc_vector_subcore>, window_params = [{transform_indices = #map}, {transform_indices = #map}, {transform_indices = #map}, {transform_indices = #map}, {transform_indices = #map}, {transform_indices = #map}, {transform_indices = #map1}, {transform_indices = #map}]} {
    %mul3A = arith.constant 2 : i32
    %mul3A_0 = arith.muli %arg1, %mul3A : i32
    %add3A = arith.addi %mul3A_0, %arg0 : i32
    %mul3A_1 = arith.constant 2880 : i32
    %mul3A_2 = arith.muli %add3A, %mul3A_1 : i32
    "tpu.region"() ({
      %run_scoped3A = tpu.sem_alloc : memref<!tpu.dma_semaphore, #tpu.memory_space<semaphore_mem>>
      tpu.enqueue_dma source(%arg8 : memref<8x16xf32, #tpu.memory_space<hbm>>) target(%arg21 : memref<8x16xf32, #tpu.memory_space<vmem>>) target_semaphore(%run_scoped3A : memref<!tpu.dma_semaphore, #tpu.memory_space<semaphore_mem>>)
      tpu.wait_dma2 semaphore(%run_scoped3A : memref<!tpu.dma_semaphore, #tpu.memory_space<semaphore_mem>>) src(%arg8 : memref<8x16xf32, #tpu.memory_space<hbm>>) dst(%arg21 : memref<8x16xf32, #tpu.memory_space<vmem>>)
      tpu.yield
    }) : () -> ()
    %get3A = arith.constant 0 : i32
    %get3A_3 = arith.index_cast %get3A : i32 to index
    %get3A_4 = arith.constant 0 : index
    %get3A_5 = tpu.vector_load %arg21[%get3A_3, %get3A_4] {strides = array<i32>} : memref<8x16xf32, #tpu.memory_space<vmem>>, vector<16xf32>,
    %get3A_6 = arith.constant 1 : i32
    %get3A_7 = arith.index_cast %get3A_6 : i32 to index
    %get3A_8 = arith.constant 0 : index
    %get3A_9 = tpu.vector_load %arg21[%get3A_7, %get3A_8] {strides = array<i32>} : memref<8x16xf32, #tpu.memory_space<vmem>>, vector<16xf32>,
    %get3A_10 = arith.constant 2 : i32
    %get3A_11 = arith.index_cast %get3A_10 : i32 to index
    %get3A_12 = arith.constant 0 : index
    %get3A_13 = tpu.vector_load %arg21[%get3A_11, %get3A_12] {strides = array<i32>} : memref<8x16xf32, #tpu.memory_space<vmem>>, vector<16xf32>,
    %get3A_14 = arith.constant 3 : i32
    %get3A_15 = arith.index_cast %get3A_14 : i32 to index
    %get3A_16 = arith.constant 0 : index
    %get3A_17 = tpu.vector_load %arg21[%get3A_15, %get3A_16] {strides = array<i32>} : memref<8x16xf32, #tpu.memory_space<vmem>>, vector<16xf32>,
    %get3A_18 = arith.constant 4 : i32
    %get3A_19 = arith.index_cast %get3A_18 : i32 to index
    %get3A_20 = arith.constant 0 : index
    %get3A_21 = tpu.vector_load %arg21[%get3A_19, %get3A_20] {strides = array<i32>} : memref<8x16xf32, #tpu.memory_space<vmem>>, vector<16xf32>,
    %get3A_22 = arith.constant 5 : i32
    %get3A_23 = arith.index_cast %get3A_22 : i32 to index
    %get3A_24 = arith.constant 0 : index
    %get3A_25 = tpu.vector_load %arg21[%get3A_23, %get3A_24] {strides = array<i32>} : memref<8x16xf32, #tpu.memory_space<vmem>>, vector<16xf32>,
    %iota3A = tpu.iota {dimensions = array<i32: 0>} : vector<16xi32>
    %broadcast_in_dim3A = arith.constant 0 : i32
    %broadcast_in_dim3A_26 = vector.broadcast %broadcast_in_dim3A : i32 to vector<16xi32>
    %broadcast_in_dim3A_27 = arith.constant 0.000000e+00 : f32
    %broadcast_in_dim3A_28 = vector.broadcast %broadcast_in_dim3A_27 : f32 to vector<16xf32>
    %add3A_29 = arith.constant 0 : i32
    %add3A_30 = arith.addi %mul3A_2, %add3A_29 : i32
    %mul3A_31 = arith.constant 128 : i32
    %mul3A_32 = arith.muli %add3A_30, %mul3A_31 : i32
    "tpu.region"() ({
      %run_scoped3A = tpu.sem_alloc : memref<!tpu.dma_semaphore, #tpu.memory_space<semaphore_mem>>
      %dma_start3A = tpu.memref_slice %arg2[%mul3A_32] : memref<11796480xf32, #tpu.memory_space<hbm>> -> memref<12288xf32, #tpu.memory_space<hbm>>
      %dma_start3A_46 = tpu.memref_slice %arg2[%mul3A_32] : memref<11796480xf32, #tpu.memory_space<hbm>> -> memref<12288xf32, #tpu.memory_space<hbm>>
      tpu.enqueue_dma source(%dma_start3A_46 : memref<12288xf32, #tpu.memory_space<hbm>>) target(%arg10 : memref<12288xf32, #tpu.memory_space<vmem>>) target_semaphore(%run_scoped3A : memref<!tpu.dma_semaphore, #tpu.memory_space<semaphore_mem>>)
      %dma_wait3A = tpu.memref_slice %arg2[%mul3A_32] : memref<11796480xf32, #tpu.memory_space<hbm>> -> memref<12288xf32, #tpu.memory_space<hbm>>
      %dma_wait3A_47 = tpu.memref_slice %arg2[%mul3A_32] : memref<11796480xf32, #tpu.memory_space<hbm>> -> memref<12288xf32, #tpu.memory_space<hbm>>
      tpu.wait_dma2 semaphore(%run_scoped3A : memref<!tpu.dma_semaphore, #tpu.memory_space<semaphore_mem>>) src(%dma_wait3A_47 : memref<12288xf32, #tpu.memory_space<hbm>>) dst(%arg10 : memref<12288xf32, #tpu.memory_space<vmem>>)
      tpu.yield
    }) : () -> ()
    "tpu.region"() ({
      %run_scoped3A = tpu.sem_alloc : memref<!tpu.dma_semaphore, #tpu.memory_space<semaphore_mem>>
      %dma_start3A = tpu.memref_slice %arg4[%add3A_30] : memref<92160xf32, #tpu.memory_space<hbm>> -> memref<96xf32, #tpu.memory_space<hbm>>
      %dma_start3A_46 = tpu.memref_slice %arg4[%add3A_30] : memref<92160xf32, #tpu.memory_space<hbm>> -> memref<96xf32, #tpu.memory_space<hbm>>
      tpu.enqueue_dma source(%dma_start3A_46 : memref<96xf32, #tpu.memory_space<hbm>>) target(%arg17 : memref<96xf32, #tpu.memory_space<vmem>>) target_semaphore(%run_scoped3A : memref<!tpu.dma_semaphore, #tpu.memory_space<semaphore_mem>>)
      %dma_wait3A = tpu.memref_slice %arg4[%add3A_30] : memref<92160xf32, #tpu.memory_space<hbm>> -> memref<96xf32, #tpu.memory_space<hbm>>
      %dma_wait3A_47 = tpu.memref_slice %arg4[%add3A_30] : memref<92160xf32, #tpu.memory_space<hbm>> -> memref<96xf32, #tpu.memory_space<hbm>>
      tpu.wait_dma2 semaphore(%run_scoped3A : memref<!tpu.dma_semaphore, #tpu.memory_space<semaphore_mem>>) src(%dma_wait3A_47 : memref<96xf32, #tpu.memory_space<hbm>>) dst(%arg17 : memref<96xf32, #tpu.memory_space<vmem>>)
      tpu.yield
    }) : () -> ()
    "tpu.region"() ({
      %run_scoped3A = tpu.sem_alloc : memref<!tpu.dma_semaphore, #tpu.memory_space<semaphore_mem>>
      %dma_start3A = tpu.memref_slice %arg5[%add3A_30] : memref<92160xf32, #tpu.memory_space<hbm>> -> memref<96xf32, #tpu.memory_space<hbm>>
      %dma_start3A_46 = tpu.memref_slice %arg5[%add3A_30] : memref<92160xf32, #tpu.memory_space<hbm>> -> memref<96xf32, #tpu.memory_space<hbm>>
      tpu.enqueue_dma source(%dma_start3A_46 : memref<96xf32, #tpu.memory_space<hbm>>) target(%arg18 : memref<96xf32, #tpu.memory_space<vmem>>) target_semaphore(%run_scoped3A : memref<!tpu.dma_semaphore, #tpu.memory_space<semaphore_mem>>)
      %dma_wait3A = tpu.memref_slice %arg5[%add3A_30] : memref<92160xf32, #tpu.memory_space<hbm>> -> memref<96xf32, #tpu.memory_space<hbm>>
      %dma_wait3A_47 = tpu.memref_slice %arg5[%add3A_30] : memref<92160xf32, #tpu.memory_space<hbm>> -> memref<96xf32, #tpu.memory_space<hbm>>
      tpu.wait_dma2 semaphore(%run_scoped3A : memref<!tpu.dma_semaphore, #tpu.memory_space<semaphore_mem>>) src(%dma_wait3A_47 : memref<96xf32, #tpu.memory_space<hbm>>) dst(%arg18 : memref<96xf32, #tpu.memory_space<vmem>>)
      tpu.yield
    }) : () -> ()
    "tpu.region"() ({
      %run_scoped3A = tpu.sem_alloc : memref<!tpu.dma_semaphore, #tpu.memory_space<semaphore_mem>>
      %dma_start3A = tpu.memref_slice %arg6[%add3A_30] : memref<92160xf32, #tpu.memory_space<hbm>> -> memref<96xf32, #tpu.memory_space<hbm>>
      %dma_start3A_46 = tpu.memref_slice %arg6[%add3A_30] : memref<92160xf32, #tpu.memory_space<hbm>> -> memref<96xf32, #tpu.memory_space<hbm>>
      tpu.enqueue_dma source(%dma_start3A_46 : memref<96xf32, #tpu.memory_space<hbm>>) target(%arg19 : memref<96xf32, #tpu.memory_space<vmem>>) target_semaphore(%run_scoped3A : memref<!tpu.dma_semaphore, #tpu.memory_space<semaphore_mem>>)
      %dma_wait3A = tpu.memref_slice %arg6[%add3A_30] : memref<92160xf32, #tpu.memory_space<hbm>> -> memref<96xf32, #tpu.memory_space<hbm>>
      %dma_wait3A_47 = tpu.memref_slice %arg6[%add3A_30] : memref<92160xf32, #tpu.memory_space<hbm>> -> memref<96xf32, #tpu.memory_space<hbm>>
      tpu.wait_dma2 semaphore(%run_scoped3A : memref<!tpu.dma_semaphore, #tpu.memory_space<semaphore_mem>>) src(%dma_wait3A_47 : memref<96xf32, #tpu.memory_space<hbm>>) dst(%arg19 : memref<96xf32, #tpu.memory_space<vmem>>)
      tpu.yield
    }) : () -> ()
    "tpu.region"() ({
      %run_scoped3A = tpu.sem_alloc : memref<!tpu.dma_semaphore, #tpu.memory_space<semaphore_mem>>
      %dma_start3A = tpu.memref_slice %arg7[%add3A_30] : memref<92160xf32, #tpu.memory_space<hbm>> -> memref<96xf32, #tpu.memory_space<hbm>>
      %dma_start3A_46 = tpu.memref_slice %arg7[%add3A_30] : memref<92160xf32, #tpu.memory_space<hbm>> -> memref<96xf32, #tpu.memory_space<hbm>>
      tpu.enqueue_dma source(%dma_start3A_46 : memref<96xf32, #tpu.memory_space<hbm>>) target(%arg20 : memref<96xf32, #tpu.memory_space<vmem>>) target_semaphore(%run_scoped3A : memref<!tpu.dma_semaphore, #tpu.memory_space<semaphore_mem>>)
      %dma_wait3A = tpu.memref_slice %arg7[%add3A_30] : memref<92160xf32, #tpu.memory_space<hbm>> -> memref<96xf32, #tpu.memory_space<hbm>>
      %dma_wait3A_47 = tpu.memref_slice %arg7[%add3A_30] : memref<92160xf32, #tpu.memory_space<hbm>> -> memref<96xf32, #tpu.memory_space<hbm>>
      tpu.wait_dma2 semaphore(%run_scoped3A : memref<!tpu.dma_semaphore, #tpu.memory_space<semaphore_mem>>) src(%dma_wait3A_47 : memref<96xf32, #tpu.memory_space<hbm>>) dst(%arg20 : memref<96xf32, #tpu.memory_space<vmem>>)
      tpu.yield
    }) : () -> ()
    %scan3A = arith.constant 0 : i32
    %scan3A_33 = arith.constant 0 : i32
    %scan3A_34 = arith.constant 6 : i32
    %scan3A_35 = arith.addi %scan3A_33, %scan3A_34 : i32
    %scan3A_36 = arith.constant 1 : i32
    %scan3A_37 = scf.for %scan3A_46 = %scan3A_33 to %scan3A_35 step %scan3A_36 iter_args(%scan3A_47 = %scan3A) -> (i32)  : i32 {
      %mul3A_48 = arith.constant 16 : i32
      %mul3A_49 = arith.muli %scan3A_46, %mul3A_48 : i32
      %get3A_50 = arith.index_cast %mul3A_49 : i32 to index
      %get3A_51 = tpu.vector_load %arg17[%get3A_50] {strides = array<i32>} : memref<96xf32, #tpu.memory_space<vmem>>, vector<16xf32>,
      %mul3A_52 = arith.constant 16 : i32
      %mul3A_53 = arith.muli %scan3A_46, %mul3A_52 : i32
      %get3A_54 = arith.index_cast %mul3A_53 : i32 to index
      %get3A_55 = tpu.vector_load %arg18[%get3A_54] {strides = array<i32>} : memref<96xf32, #tpu.memory_space<vmem>>, vector<16xf32>,
      %mul3A_56 = arith.constant 16 : i32
      %mul3A_57 = arith.muli %scan3A_46, %mul3A_56 : i32
      %get3A_58 = arith.index_cast %mul3A_57 : i32 to index
      %get3A_59 = tpu.vector_load %arg19[%get3A_58] {strides = array<i32>} : memref<96xf32, #tpu.memory_space<vmem>>, vector<16xf32>,
      %sub3A = arith.subf %get3A_59, %get3A_51 : vector<16xf32>
      %mul3A_60 = arith.constant 16 : i32
      %mul3A_61 = arith.muli %scan3A_46, %mul3A_60 : i32
      %get3A_62 = arith.index_cast %mul3A_61 : i32 to index
      %get3A_63 = tpu.vector_load %arg20[%get3A_62] {strides = array<i32>} : memref<96xf32, #tpu.memory_space<vmem>>, vector<16xf32>,
      %sub3A_64 = arith.subf %get3A_63, %get3A_55 : vector<16xf32>
      %mul3A_65 = arith.mulf %sub3A, %sub3A : vector<16xf32>
      %mul3A_66 = arith.mulf %sub3A_64, %sub3A_64 : vector<16xf32>
      %add3A_67 = arith.addf %mul3A_65, %mul3A_66 : vector<16xf32>
      %bitcast_convert_type3A = tpu.bitcast %add3A_67 : vector<16xf32> -> vector<16xi32>
      %shift_right_logical3A = arith.constant 1 : i32
      %shift_right_logical3A_68 = vector.broadcast %shift_right_logical3A : i32 to vector<16xi32>
      %shift_right_logical3A_69 = arith.shrui %bitcast_convert_type3A, %shift_right_logical3A_68 : vector<16xi32>
      %sub3A_70 = arith.constant 1597463007 : i32
      %sub3A_71 = vector.broadcast %sub3A_70 : i32 to vector<16xi32>
      %sub3A_72 = arith.subi %sub3A_71, %shift_right_logical3A_69 : vector<16xi32>
      %bitcast_convert_type3A_73 = tpu.bitcast %sub3A_72 : vector<16xi32> -> vector<16xf32>
      %mul3A_74 = arith.constant 5.000000e-01 : f32
      %mul3A_75 = vector.broadcast %mul3A_74 : f32 to vector<16xf32>
      %mul3A_76 = arith.mulf %mul3A_75, %add3A_67 : vector<16xf32>
      %mul3A_77 = arith.mulf %mul3A_76, %bitcast_convert_type3A_73 : vector<16xf32>
      %mul3A_78 = arith.mulf %mul3A_77, %bitcast_convert_type3A_73 : vector<16xf32>
      %sub3A_79 = arith.constant 1.500000e+00 : f32
      %sub3A_80 = vector.broadcast %sub3A_79 : f32 to vector<16xf32>
      %sub3A_81 = arith.subf %sub3A_80, %mul3A_78 : vector<16xf32>
      %mul3A_82 = arith.mulf %bitcast_convert_type3A_73, %sub3A_81 : vector<16xf32>
      %mul3A_83 = arith.mulf %mul3A_76, %mul3A_82 : vector<16xf32>
      %mul3A_84 = arith.mulf %mul3A_83, %mul3A_82 : vector<16xf32>
      %sub3A_85 = arith.constant 1.500000e+00 : f32
      %sub3A_86 = vector.broadcast %sub3A_85 : f32 to vector<16xf32>
      %sub3A_87 = arith.subf %sub3A_86, %mul3A_84 : vector<16xf32>
      %mul3A_88 = arith.mulf %mul3A_82, %sub3A_87 : vector<16xf32>
      %mul3A_89 = arith.mulf %mul3A_76, %mul3A_88 : vector<16xf32>
      %mul3A_90 = arith.mulf %mul3A_89, %mul3A_88 : vector<16xf32>
      %sub3A_91 = arith.constant 1.500000e+00 : f32
      %sub3A_92 = vector.broadcast %sub3A_91 : f32 to vector<16xf32>
      %sub3A_93 = arith.subf %sub3A_92, %mul3A_90 : vector<16xf32>
      %mul3A_94 = arith.mulf %mul3A_88, %sub3A_93 : vector<16xf32>
      %mul3A_95 = arith.mulf %add3A_67, %mul3A_94 : vector<16xf32>
      %mul3A_96 = arith.constant 16 : i32
      %mul3A_97 = arith.muli %scan3A_46, %mul3A_96 : i32
      %add3A_98 = vector.broadcast %mul3A_97 : i32 to vector<16xi32>
      %add3A_99 = arith.addi %add3A_98, %iota3A : vector<16xi32>
      %mul3A_100 = arith.constant 128 : i32
      %mul3A_101 = vector.broadcast %mul3A_100 : i32 to vector<16xi32>
      %mul3A_102 = arith.muli %add3A_99, %mul3A_101 : vector<16xi32>
      %gather3A = tpu.vector_load_idx %arg10[%mul3A_102] : memref<12288xf32, #tpu.memory_space<vmem>>[vector<16xi32>], vector<16xf32>,
      %mul3A_103 = arith.mulf %gather3A, %sub3A : vector<16xf32>
      %add3A_104 = arith.addf %get3A_51, %mul3A_103 : vector<16xf32>
      %mul3A_105 = arith.mulf %gather3A, %sub3A_64 : vector<16xf32>
      %add3A_106 = arith.addf %get3A_55, %mul3A_105 : vector<16xf32>
      %parallel_loop3A = arith.constant 0 : i32
      %parallel_loop3A_107 = arith.constant 127 : i32
      %parallel_loop3A_108 = arith.constant 1 : i32
      %parallel_loop3A_109:4 = scf.for %parallel_loop3A_318 = %parallel_loop3A to %parallel_loop3A_107 step %parallel_loop3A_108 iter_args(%parallel_loop3A_319 = %mul3A_102, %parallel_loop3A_320 = %gather3A, %parallel_loop3A_321 = %add3A_104, %parallel_loop3A_322 = %add3A_106) -> (vector<16xi32>, vector<16xf32>, vector<16xf32>, vector<16xf32>)  : i32 {
        %parallel_loop3A_323 = arith.constant 1 : i32
        %parallel_loop3A_324 = vector.broadcast %parallel_loop3A_323 : i32 to vector<16xi32>
        %parallel_loop3A_325 = arith.addi %parallel_loop3A_319, %parallel_loop3A_324 : vector<16xi32>
        %parallel_loop3A_326 = tpu.vector_load_idx %arg10[%parallel_loop3A_325] : memref<12288xf32, #tpu.memory_space<vmem>>[vector<16xi32>], vector<16xf32>,
        %parallel_loop3A_327 = arith.mulf %parallel_loop3A_326, %sub3A : vector<16xf32>
        %parallel_loop3A_328 = arith.addf %get3A_51, %parallel_loop3A_327 : vector<16xf32>
        %parallel_loop3A_329 = arith.mulf %parallel_loop3A_326, %sub3A_64 : vector<16xf32>
        %parallel_loop3A_330 = arith.addf %get3A_55, %parallel_loop3A_329 : vector<16xf32>
        %parallel_loop3A_331 = arith.addf %parallel_loop3A_321, %parallel_loop3A_328 : vector<16xf32>
        %parallel_loop3A_332 = arith.constant 5.000000e-01 : f32
        %parallel_loop3A_333 = vector.broadcast %parallel_loop3A_332 : f32 to vector<16xf32>
        %parallel_loop3A_334 = arith.mulf %parallel_loop3A_333, %parallel_loop3A_331 : vector<16xf32>
        %parallel_loop3A_335 = arith.addf %parallel_loop3A_322, %parallel_loop3A_330 : vector<16xf32>
        %parallel_loop3A_336 = arith.constant 5.000000e-01 : f32
        %parallel_loop3A_337 = vector.broadcast %parallel_loop3A_336 : f32 to vector<16xf32>
        %parallel_loop3A_338 = arith.mulf %parallel_loop3A_337, %parallel_loop3A_335 : vector<16xf32>
        %parallel_loop3A_339 = arith.subf %parallel_loop3A_334, %get3A_21 : vector<16xf32>
        %parallel_loop3A_340 = arith.subf %parallel_loop3A_338, %get3A_25 : vector<16xf32>
        %parallel_loop3A_341 = arith.mulf %get3A_5, %parallel_loop3A_339 : vector<16xf32>
        %parallel_loop3A_342 = arith.mulf %get3A_9, %parallel_loop3A_340 : vector<16xf32>
        %parallel_loop3A_343 = arith.addf %parallel_loop3A_341, %parallel_loop3A_342 : vector<16xf32>
        %parallel_loop3A_344 = arith.mulf %get3A_13, %parallel_loop3A_339 : vector<16xf32>
        %parallel_loop3A_345 = arith.mulf %get3A_17, %parallel_loop3A_340 : vector<16xf32>
        %parallel_loop3A_346 = arith.addf %parallel_loop3A_344, %parallel_loop3A_345 : vector<16xf32>
        %parallel_loop3A_347 = arith.constant 0x4B400000 : f32
        %parallel_loop3A_348 = vector.broadcast %parallel_loop3A_347 : f32 to vector<16xf32>
        %parallel_loop3A_349 = arith.addf %parallel_loop3A_343, %parallel_loop3A_348 : vector<16xf32>
        %parallel_loop3A_350 = tpu.bitcast %parallel_loop3A_349 : vector<16xf32> -> vector<16xi32>
        %parallel_loop3A_351 = arith.constant 1262485504 : i32
        %parallel_loop3A_352 = vector.broadcast %parallel_loop3A_351 : i32 to vector<16xi32>
        %parallel_loop3A_353 = arith.subi %parallel_loop3A_350, %parallel_loop3A_352 : vector<16xi32>
        %parallel_loop3A_354 = arith.constant 0x4B400000 : f32
        %parallel_loop3A_355 = vector.broadcast %parallel_loop3A_354 : f32 to vector<16xf32>
        %parallel_loop3A_356 = arith.addf %parallel_loop3A_346, %parallel_loop3A_355 : vector<16xf32>
        %parallel_loop3A_357 = tpu.bitcast %parallel_loop3A_356 : vector<16xf32> -> vector<16xi32>
        %parallel_loop3A_358 = arith.constant 1262485504 : i32
        %parallel_loop3A_359 = vector.broadcast %parallel_loop3A_358 : i32 to vector<16xi32>
        %parallel_loop3A_360 = arith.subi %parallel_loop3A_357, %parallel_loop3A_359 : vector<16xi32>
        %parallel_loop3A_361 = arith.ori %parallel_loop3A_353, %parallel_loop3A_360 : vector<16xi32>
        %parallel_loop3A_362 = tpu.bitcast %parallel_loop3A_361 : vector<16xi32> -> vector<16xi32>
        %parallel_loop3A_363 = arith.constant 512 : i32
        %parallel_loop3A_364 = vector.broadcast %parallel_loop3A_363 : i32 to vector<16xi32>
        %parallel_loop3A_365 = arith.cmpi ult, %parallel_loop3A_362, %parallel_loop3A_364 : vector<16xi32>
        %parallel_loop3A_366 = arith.constant 9 : i32
        %parallel_loop3A_367 = vector.broadcast %parallel_loop3A_366 : i32 to vector<16xi32>
        %parallel_loop3A_368 = arith.shli %parallel_loop3A_353, %parallel_loop3A_367 : vector<16xi32>
        %parallel_loop3A_369 = arith.ori %parallel_loop3A_368, %parallel_loop3A_360 : vector<16xi32>
        %parallel_loop3A_370 = arith.subf %parallel_loop3A_326, %parallel_loop3A_320 : vector<16xf32>
        %parallel_loop3A_371 = arith.mulf %parallel_loop3A_370, %mul3A_95 : vector<16xf32>
        %parallel_loop3A_372 = arith.constant 0 : i32
        %parallel_loop3A_373 = vector.broadcast %parallel_loop3A_372 : i32 to vector<16xi32>
        %parallel_loop3A_374 = arith.select %parallel_loop3A_365, %parallel_loop3A_369, %parallel_loop3A_373 : vector<16xi1>, vector<16xi32>
        %parallel_loop3A_375 = arith.constant 0.000000e+00 : f32
        %parallel_loop3A_376 = vector.broadcast %parallel_loop3A_375 : f32 to vector<16xf32>
        %parallel_loop3A_377 = arith.select %parallel_loop3A_365, %parallel_loop3A_371, %parallel_loop3A_376 : vector<16xi1>, vector<16xf32>
        %parallel_loop3A_378 = arith.constant 128 : i32
        %parallel_loop3A_379 = arith.muli %scan3A_46, %parallel_loop3A_378 : i32
        %parallel_loop3A_380 = arith.addi %parallel_loop3A_379, %parallel_loop3A_318 : i32
        %parallel_loop3A_381 = arith.constant 3 : i32
        %parallel_loop3A_382 = arith.shrsi %parallel_loop3A_380, %parallel_loop3A_381 : i32
        %parallel_loop3A_383 = arith.constant 7 : i32
        %parallel_loop3A_384 = arith.andi %parallel_loop3A_380, %parallel_loop3A_383 : i32
        %parallel_loop3A_385 = arith.constant 16 : i32
        %parallel_loop3A_386 = arith.muli %parallel_loop3A_384, %parallel_loop3A_385 : i32
        %parallel_loop3A_387 = arith.index_cast %parallel_loop3A_382 : i32 to index
        %parallel_loop3A_388 = arith.index_cast %parallel_loop3A_386 : i32 to index
        %parallel_loop3A_389 = tpu.vector_load %arg11[%parallel_loop3A_387, %parallel_loop3A_388] {strides = array<i32>} : memref<96x128xi32, #tpu.memory_space<vmem>>, vector<16xi32>,
        tpu.vector_store %arg11[%parallel_loop3A_387, %parallel_loop3A_388], %parallel_loop3A_374 {strides = array<i32>} : memref<96x128xi32, #tpu.memory_space<vmem>>, vector<16xi32>,
        %parallel_loop3A_390 = arith.constant 16 : i32
        %parallel_loop3A_391 = arith.muli %parallel_loop3A_380, %parallel_loop3A_390 : i32
        %parallel_loop3A_392 = arith.index_cast %parallel_loop3A_391 : i32 to index
        %parallel_loop3A_393 = tpu.vector_load %arg15[%parallel_loop3A_392] {strides = array<i32>} : memref<12288xf32, #tpu.memory_space<vmem>>, vector<16xf32>,
        tpu.vector_store %arg15[%parallel_loop3A_392], %parallel_loop3A_377 {strides = array<i32>} : memref<12288xf32, #tpu.memory_space<vmem>>, vector<16xf32>,
        scf.yield %parallel_loop3A_325, %parallel_loop3A_326, %parallel_loop3A_328, %parallel_loop3A_330 : vector<16xi32>, vector<16xf32>, vector<16xf32>, vector<16xf32>
      } {sc.loop_unroll_factor = 8 : i64, sc.parallel_access}
      %mul3A_110 = arith.constant 16 : i32
      %mul3A_111 = arith.muli %scan3A_46, %mul3A_110 : i32
      %add3A_112 = arith.constant 15 : i32
      %add3A_113 = arith.addi %mul3A_111, %add3A_112 : i32
      %swap3A = arith.index_cast %add3A_113 : i32 to index
      %swap3A_114 = arith.constant 112 : index
      %swap3A_115 = tpu.vector_load %arg11[%swap3A, %swap3A_114] {strides = array<i32>} : memref<96x128xi32, #tpu.memory_space<vmem>>, vector<16xi32>,
      tpu.vector_store %arg11[%swap3A, %swap3A_114], %broadcast_in_dim3A_26 {strides = array<i32>} : memref<96x128xi32, #tpu.memory_space<vmem>>, vector<16xi32>,
      %mul3A_116 = arith.constant 128 : i32
      %mul3A_117 = arith.muli %scan3A_46, %mul3A_116 : i32
      %add3A_118 = arith.constant 128 : i32
      %add3A_119 = arith.addi %mul3A_117, %add3A_118 : i32
      %sub3A_120 = arith.constant 1 : i32
      %sub3A_121 = arith.subi %add3A_119, %sub3A_120 : i32
      %mul3A_122 = arith.constant 16 : i32
      %mul3A_123 = arith.muli %sub3A_121, %mul3A_122 : i32
      %swap3A_124 = arith.index_cast %mul3A_123 : i32 to index
      %swap3A_125 = tpu.vector_load %arg15[%swap3A_124] {strides = array<i32>} : memref<12288xf32, #tpu.memory_space<vmem>>, vector<16xf32>,
      tpu.vector_store %arg15[%swap3A_124], %broadcast_in_dim3A_28 {strides = array<i32>} : memref<12288xf32, #tpu.memory_space<vmem>>, vector<16xf32>,
      %mul3A_126 = arith.constant 16 : i32
      %mul3A_127 = arith.muli %scan3A_46, %mul3A_126 : i32
      %add3A_128 = arith.constant 0 : i32
      %add3A_129 = arith.addi %mul3A_127, %add3A_128 : i32
      %mul3A_130 = arith.constant 128 : i32
      %mul3A_131 = arith.muli %add3A_129, %mul3A_130 : i32
      %dma_start3A = tpu.memref_slice %arg13[%mul3A_131] : memref<12288xf32, #tpu.memory_space<vmem>> -> memref<128xf32, #tpu.memory_space<vmem>>
      %dma_start3A_132 = arith.constant 0 : i32
      %dma_start3A_133 = tpu.memref_slice %arg11[%add3A_129, %dma_start3A_132] : memref<96x128xi32, #tpu.memory_space<vmem>> -> memref<1x128xi32, #tpu.memory_space<vmem>>
      %dma_start3A_134 = tpu.memref_squeeze %dma_start3A_133 : memref<1x128xi32, #tpu.memory_space<vmem>> -> memref<128xi32, #tpu.memory_space<vmem>>
      %dma_start3A_135 = arith.constant 0 : i32
      %dma_start3A_136 = tpu.memref_slice %arg3[%dma_start3A_135] : memref<262144xf32, #tpu.memory_space<hbm>> -> memref<262144xf32, #tpu.memory_space<hbm>>
      tpu.enqueue_indirect_dma source(%dma_start3A_136 : memref<262144xf32, #tpu.memory_space<hbm>>) target(%dma_start3A : memref<128xf32, #tpu.memory_space<vmem>>) offsets(%dma_start3A_134 : memref<128xi32, #tpu.memory_space<vmem>>) semaphore(%arg23 : memref<!tpu.dma_semaphore, #tpu.memory_space<semaphore_mem>>)
      %mul3A_137 = arith.constant 16 : i32
      %mul3A_138 = arith.muli %scan3A_46, %mul3A_137 : i32
      %add3A_139 = arith.constant 1 : i32
      %add3A_140 = arith.addi %mul3A_138, %add3A_139 : i32
      %mul3A_141 = arith.constant 128 : i32
      %mul3A_142 = arith.muli %add3A_140, %mul3A_141 : i32
      %dma_start3A_143 = tpu.memref_slice %arg13[%mul3A_142] : memref<12288xf32, #tpu.memory_space<vmem>> -> memref<128xf32, #tpu.memory_space<vmem>>
      %dma_start3A_144 = arith.constant 0 : i32
      %dma_start3A_145 = tpu.memref_slice %arg11[%add3A_140, %dma_start3A_144] : memref<96x128xi32, #tpu.memory_space<vmem>> -> memref<1x128xi32, #tpu.memory_space<vmem>>
      %dma_start3A_146 = tpu.memref_squeeze %dma_start3A_145 : memref<1x128xi32, #tpu.memory_space<vmem>> -> memref<128xi32, #tpu.memory_space<vmem>>
      %dma_start3A_147 = arith.constant 0 : i32
      %dma_start3A_148 = tpu.memref_slice %arg3[%dma_start3A_147] : memref<262144xf32, #tpu.memory_space<hbm>> -> memref<262144xf32, #tpu.memory_space<hbm>>
      tpu.enqueue_indirect_dma source(%dma_start3A_148 : memref<262144xf32, #tpu.memory_space<hbm>>) target(%dma_start3A_143 : memref<128xf32, #tpu.memory_space<vmem>>) offsets(%dma_start3A_146 : memref<128xi32, #tpu.memory_space<vmem>>) semaphore(%arg23 : memref<!tpu.dma_semaphore, #tpu.memory_space<semaphore_mem>>)
      %mul3A_149 = arith.constant 16 : i32
      %mul3A_150 = arith.muli %scan3A_46, %mul3A_149 : i32
      %add3A_151 = arith.constant 2 : i32
      %add3A_152 = arith.addi %mul3A_150, %add3A_151 : i32
      %mul3A_153 = arith.constant 128 : i32
      %mul3A_154 = arith.muli %add3A_152, %mul3A_153 : i32
      %dma_start3A_155 = tpu.memref_slice %arg13[%mul3A_154] : memref<12288xf32, #tpu.memory_space<vmem>> -> memref<128xf32, #tpu.memory_space<vmem>>
      %dma_start3A_156 = arith.constant 0 : i32
      %dma_start3A_157 = tpu.memref_slice %arg11[%add3A_152, %dma_start3A_156] : memref<96x128xi32, #tpu.memory_space<vmem>> -> memref<1x128xi32, #tpu.memory_space<vmem>>
      %dma_start3A_158 = tpu.memref_squeeze %dma_start3A_157 : memref<1x128xi32, #tpu.memory_space<vmem>> -> memref<128xi32, #tpu.memory_space<vmem>>
      %dma_start3A_159 = arith.constant 0 : i32
      %dma_start3A_160 = tpu.memref_slice %arg3[%dma_start3A_159] : memref<262144xf32, #tpu.memory_space<hbm>> -> memref<262144xf32, #tpu.memory_space<hbm>>
      tpu.enqueue_indirect_dma source(%dma_start3A_160 : memref<262144xf32, #tpu.memory_space<hbm>>) target(%dma_start3A_155 : memref<128xf32, #tpu.memory_space<vmem>>) offsets(%dma_start3A_158 : memref<128xi32, #tpu.memory_space<vmem>>) semaphore(%arg23 : memref<!tpu.dma_semaphore, #tpu.memory_space<semaphore_mem>>)
      %mul3A_161 = arith.constant 16 : i32
      %mul3A_162 = arith.muli %scan3A_46, %mul3A_161 : i32
      %add3A_163 = arith.constant 3 : i32
      %add3A_164 = arith.addi %mul3A_162, %add3A_163 : i32
      %mul3A_165 = arith.constant 128 : i32
      %mul3A_166 = arith.muli %add3A_164, %mul3A_165 : i32
      %dma_start3A_167 = tpu.memref_slice %arg13[%mul3A_166] : memref<12288xf32, #tpu.memory_space<vmem>> -> memref<128xf32, #tpu.memory_space<vmem>>
      %dma_start3A_168 = arith.constant 0 : i32
      %dma_start3A_169 = tpu.memref_slice %arg11[%add3A_164, %dma_start3A_168] : memref<96x128xi32, #tpu.memory_space<vmem>> -> memref<1x128xi32, #tpu.memory_space<vmem>>
      %dma_start3A_170 = tpu.memref_squeeze %dma_start3A_169 : memref<1x128xi32, #tpu.memory_space<vmem>> -> memref<128xi32, #tpu.memory_space<vmem>>
      %dma_start3A_171 = arith.constant 0 : i32
      %dma_start3A_172 = tpu.memref_slice %arg3[%dma_start3A_171] : memref<262144xf32, #tpu.memory_space<hbm>> -> memref<262144xf32, #tpu.memory_space<hbm>>
      tpu.enqueue_indirect_dma source(%dma_start3A_172 : memref<262144xf32, #tpu.memory_space<hbm>>) target(%dma_start3A_167 : memref<128xf32, #tpu.memory_space<vmem>>) offsets(%dma_start3A_170 : memref<128xi32, #tpu.memory_space<vmem>>) semaphore(%arg23 : memref<!tpu.dma_semaphore, #tpu.memory_space<semaphore_mem>>)
      %mul3A_173 = arith.constant 16 : i32
      %mul3A_174 = arith.muli %scan3A_46, %mul3A_173 : i32
      %add3A_175 = arith.constant 4 : i32
      %add3A_176 = arith.addi %mul3A_174, %add3A_175 : i32
      %mul3A_177 = arith.constant 128 : i32
      %mul3A_178 = arith.muli %add3A_176, %mul3A_177 : i32
      %dma_start3A_179 = tpu.memref_slice %arg13[%mul3A_178] : memref<12288xf32, #tpu.memory_space<vmem>> -> memref<128xf32, #tpu.memory_space<vmem>>
      %dma_start3A_180 = arith.constant 0 : i32
      %dma_start3A_181 = tpu.memref_slice %arg11[%add3A_176, %dma_start3A_180] : memref<96x128xi32, #tpu.memory_space<vmem>> -> memref<1x128xi32, #tpu.memory_space<vmem>>
      %dma_start3A_182 = tpu.memref_squeeze %dma_start3A_181 : memref<1x128xi32, #tpu.memory_space<vmem>> -> memref<128xi32, #tpu.memory_space<vmem>>
      %dma_start3A_183 = arith.constant 0 : i32
      %dma_start3A_184 = tpu.memref_slice %arg3[%dma_start3A_183] : memref<262144xf32, #tpu.memory_space<hbm>> -> memref<262144xf32, #tpu.memory_space<hbm>>
      tpu.enqueue_indirect_dma source(%dma_start3A_184 : memref<262144xf32, #tpu.memory_space<hbm>>) target(%dma_start3A_179 : memref<128xf32, #tpu.memory_space<vmem>>) offsets(%dma_start3A_182 : memref<128xi32, #tpu.memory_space<vmem>>) semaphore(%arg23 : memref<!tpu.dma_semaphore, #tpu.memory_space<semaphore_mem>>)
      %mul3A_185 = arith.constant 16 : i32
      %mul3A_186 = arith.muli %scan3A_46, %mul3A_185 : i32
      %add3A_187 = arith.constant 5 : i32
      %add3A_188 = arith.addi %mul3A_186, %add3A_187 : i32
      %mul3A_189 = arith.constant 128 : i32
      %mul3A_190 = arith.muli %add3A_188, %mul3A_189 : i32
      %dma_start3A_191 = tpu.memref_slice %arg13[%mul3A_190] : memref<12288xf32, #tpu.memory_space<vmem>> -> memref<128xf32, #tpu.memory_space<vmem>>
      %dma_start3A_192 = arith.constant 0 : i32
      %dma_start3A_193 = tpu.memref_slice %arg11[%add3A_188, %dma_start3A_192] : memref<96x128xi32, #tpu.memory_space<vmem>> -> memref<1x128xi32, #tpu.memory_space<vmem>>
      %dma_start3A_194 = tpu.memref_squeeze %dma_start3A_193 : memref<1x128xi32, #tpu.memory_space<vmem>> -> memref<128xi32, #tpu.memory_space<vmem>>
      %dma_start3A_195 = arith.constant 0 : i32
      %dma_start3A_196 = tpu.memref_slice %arg3[%dma_start3A_195] : memref<262144xf32, #tpu.memory_space<hbm>> -> memref<262144xf32, #tpu.memory_space<hbm>>
      tpu.enqueue_indirect_dma source(%dma_start3A_196 : memref<262144xf32, #tpu.memory_space<hbm>>) target(%dma_start3A_191 : memref<128xf32, #tpu.memory_space<vmem>>) offsets(%dma_start3A_194 : memref<128xi32, #tpu.memory_space<vmem>>) semaphore(%arg23 : memref<!tpu.dma_semaphore, #tpu.memory_space<semaphore_mem>>)
      %mul3A_197 = arith.constant 16 : i32
      %mul3A_198 = arith.muli %scan3A_46, %mul3A_197 : i32
      %add3A_199 = arith.constant 6 : i32
      %add3A_200 = arith.addi %mul3A_198, %add3A_199 : i32
      %mul3A_201 = arith.constant 128 : i32
      %mul3A_202 = arith.muli %add3A_200, %mul3A_201 : i32
      %dma_start3A_203 = tpu.memref_slice %arg13[%mul3A_202] : memref<12288xf32, #tpu.memory_space<vmem>> -> memref<128xf32, #tpu.memory_space<vmem>>
      %dma_start3A_204 = arith.constant 0 : i32
      %dma_start3A_205 = tpu.memref_slice %arg11[%add3A_200, %dma_start3A_204] : memref<96x128xi32, #tpu.memory_space<vmem>> -> memref<1x128xi32, #tpu.memory_space<vmem>>
      %dma_start3A_206 = tpu.memref_squeeze %dma_start3A_205 : memref<1x128xi32, #tpu.memory_space<vmem>> -> memref<128xi32, #tpu.memory_space<vmem>>
      %dma_start3A_207 = arith.constant 0 : i32
      %dma_start3A_208 = tpu.memref_slice %arg3[%dma_start3A_207] : memref<262144xf32, #tpu.memory_space<hbm>> -> memref<262144xf32, #tpu.memory_space<hbm>>
      tpu.enqueue_indirect_dma source(%dma_start3A_208 : memref<262144xf32, #tpu.memory_space<hbm>>) target(%dma_start3A_203 : memref<128xf32, #tpu.memory_space<vmem>>) offsets(%dma_start3A_206 : memref<128xi32, #tpu.memory_space<vmem>>) semaphore(%arg23 : memref<!tpu.dma_semaphore, #tpu.memory_space<semaphore_mem>>)
      %mul3A_209 = arith.constant 16 : i32
      %mul3A_210 = arith.muli %scan3A_46, %mul3A_209 : i32
      %add3A_211 = arith.constant 7 : i32
      %add3A_212 = arith.addi %mul3A_210, %add3A_211 : i32
      %mul3A_213 = arith.constant 128 : i32
      %mul3A_214 = arith.muli %add3A_212, %mul3A_213 : i32
      %dma_start3A_215 = tpu.memref_slice %arg13[%mul3A_214] : memref<12288xf32, #tpu.memory_space<vmem>> -> memref<128xf32, #tpu.memory_space<vmem>>
      %dma_start3A_216 = arith.constant 0 : i32
      %dma_start3A_217 = tpu.memref_slice %arg11[%add3A_212, %dma_start3A_216] : memref<96x128xi32, #tpu.memory_space<vmem>> -> memref<1x128xi32, #tpu.memory_space<vmem>>
      %dma_start3A_218 = tpu.memref_squeeze %dma_start3A_217 : memref<1x128xi32, #tpu.memory_space<vmem>> -> memref<128xi32, #tpu.memory_space<vmem>>
      %dma_start3A_219 = arith.constant 0 : i32
      %dma_start3A_220 = tpu.memref_slice %arg3[%dma_start3A_219] : memref<262144xf32, #tpu.memory_space<hbm>> -> memref<262144xf32, #tpu.memory_space<hbm>>
      tpu.enqueue_indirect_dma source(%dma_start3A_220 : memref<262144xf32, #tpu.memory_space<hbm>>) target(%dma_start3A_215 : memref<128xf32, #tpu.memory_space<vmem>>) offsets(%dma_start3A_218 : memref<128xi32, #tpu.memory_space<vmem>>) semaphore(%arg23 : memref<!tpu.dma_semaphore, #tpu.memory_space<semaphore_mem>>)
      %mul3A_221 = arith.constant 16 : i32
      %mul3A_222 = arith.muli %scan3A_46, %mul3A_221 : i32
      %add3A_223 = arith.constant 8 : i32
      %add3A_224 = arith.addi %mul3A_222, %add3A_223 : i32
      %mul3A_225 = arith.constant 128 : i32
      %mul3A_226 = arith.muli %add3A_224, %mul3A_225 : i32
      %dma_start3A_227 = tpu.memref_slice %arg13[%mul3A_226] : memref<12288xf32, #tpu.memory_space<vmem>> -> memref<128xf32, #tpu.memory_space<vmem>>
      %dma_start3A_228 = arith.constant 0 : i32
      %dma_start3A_229 = tpu.memref_slice %arg11[%add3A_224, %dma_start3A_228] : memref<96x128xi32, #tpu.memory_space<vmem>> -> memref<1x128xi32, #tpu.memory_space<vmem>>
      %dma_start3A_230 = tpu.memref_squeeze %dma_start3A_229 : memref<1x128xi32, #tpu.memory_space<vmem>> -> memref<128xi32, #tpu.memory_space<vmem>>
      %dma_start3A_231 = arith.constant 0 : i32
      %dma_start3A_232 = tpu.memref_slice %arg3[%dma_start3A_231] : memref<262144xf32, #tpu.memory_space<hbm>> -> memref<262144xf32, #tpu.memory_space<hbm>>
      tpu.enqueue_indirect_dma source(%dma_start3A_232 : memref<262144xf32, #tpu.memory_space<hbm>>) target(%dma_start3A_227 : memref<128xf32, #tpu.memory_space<vmem>>) offsets(%dma_start3A_230 : memref<128xi32, #tpu.memory_space<vmem>>) semaphore(%arg23 : memref<!tpu.dma_semaphore, #tpu.memory_space<semaphore_mem>>)
      %mul3A_233 = arith.constant 16 : i32
      %mul3A_234 = arith.muli %scan3A_46, %mul3A_233 : i32
      %add3A_235 = arith.constant 9 : i32
      %add3A_236 = arith.addi %mul3A_234, %add3A_235 : i32
      %mul3A_237 = arith.constant 128 : i32
      %mul3A_238 = arith.muli %add3A_236, %mul3A_237 : i32
      %dma_start3A_239 = tpu.memref_slice %arg13[%mul3A_238] : memref<12288xf32, #tpu.memory_space<vmem>> -> memref<128xf32, #tpu.memory_space<vmem>>
      %dma_start3A_240 = arith.constant 0 : i32
      %dma_start3A_241 = tpu.memref_slice %arg11[%add3A_236, %dma_start3A_240] : memref<96x128xi32, #tpu.memory_space<vmem>> -> memref<1x128xi32, #tpu.memory_space<vmem>>
      %dma_start3A_242 = tpu.memref_squeeze %dma_start3A_241 : memref<1x128xi32, #tpu.memory_space<vmem>> -> memref<128xi32, #tpu.memory_space<vmem>>
      %dma_start3A_243 = arith.constant 0 : i32
      %dma_start3A_244 = tpu.memref_slice %arg3[%dma_start3A_243] : memref<262144xf32, #tpu.memory_space<hbm>> -> memref<262144xf32, #tpu.memory_space<hbm>>
      tpu.enqueue_indirect_dma source(%dma_start3A_244 : memref<262144xf32, #tpu.memory_space<hbm>>) target(%dma_start3A_239 : memref<128xf32, #tpu.memory_space<vmem>>) offsets(%dma_start3A_242 : memref<128xi32, #tpu.memory_space<vmem>>) semaphore(%arg23 : memref<!tpu.dma_semaphore, #tpu.memory_space<semaphore_mem>>)
      %mul3A_245 = arith.constant 16 : i32
      %mul3A_246 = arith.muli %scan3A_46, %mul3A_245 : i32
      %add3A_247 = arith.constant 10 : i32
      %add3A_248 = arith.addi %mul3A_246, %add3A_247 : i32
      %mul3A_249 = arith.constant 128 : i32
      %mul3A_250 = arith.muli %add3A_248, %mul3A_249 : i32
      %dma_start3A_251 = tpu.memref_slice %arg13[%mul3A_250] : memref<12288xf32, #tpu.memory_space<vmem>> -> memref<128xf32, #tpu.memory_space<vmem>>
      %dma_start3A_252 = arith.constant 0 : i32
      %dma_start3A_253 = tpu.memref_slice %arg11[%add3A_248, %dma_start3A_252] : memref<96x128xi32, #tpu.memory_space<vmem>> -> memref<1x128xi32, #tpu.memory_space<vmem>>
      %dma_start3A_254 = tpu.memref_squeeze %dma_start3A_253 : memref<1x128xi32, #tpu.memory_space<vmem>> -> memref<128xi32, #tpu.memory_space<vmem>>
      %dma_start3A_255 = arith.constant 0 : i32
      %dma_start3A_256 = tpu.memref_slice %arg3[%dma_start3A_255] : memref<262144xf32, #tpu.memory_space<hbm>> -> memref<262144xf32, #tpu.memory_space<hbm>>
      tpu.enqueue_indirect_dma source(%dma_start3A_256 : memref<262144xf32, #tpu.memory_space<hbm>>) target(%dma_start3A_251 : memref<128xf32, #tpu.memory_space<vmem>>) offsets(%dma_start3A_254 : memref<128xi32, #tpu.memory_space<vmem>>) semaphore(%arg23 : memref<!tpu.dma_semaphore, #tpu.memory_space<semaphore_mem>>)
      %mul3A_257 = arith.constant 16 : i32
      %mul3A_258 = arith.muli %scan3A_46, %mul3A_257 : i32
      %add3A_259 = arith.constant 11 : i32
      %add3A_260 = arith.addi %mul3A_258, %add3A_259 : i32
      %mul3A_261 = arith.constant 128 : i32
      %mul3A_262 = arith.muli %add3A_260, %mul3A_261 : i32
      %dma_start3A_263 = tpu.memref_slice %arg13[%mul3A_262] : memref<12288xf32, #tpu.memory_space<vmem>> -> memref<128xf32, #tpu.memory_space<vmem>>
      %dma_start3A_264 = arith.constant 0 : i32
      %dma_start3A_265 = tpu.memref_slice %arg11[%add3A_260, %dma_start3A_264] : memref<96x128xi32, #tpu.memory_space<vmem>> -> memref<1x128xi32, #tpu.memory_space<vmem>>
      %dma_start3A_266 = tpu.memref_squeeze %dma_start3A_265 : memref<1x128xi32, #tpu.memory_space<vmem>> -> memref<128xi32, #tpu.memory_space<vmem>>
      %dma_start3A_267 = arith.constant 0 : i32
      %dma_start3A_268 = tpu.memref_slice %arg3[%dma_start3A_267] : memref<262144xf32, #tpu.memory_space<hbm>> -> memref<262144xf32, #tpu.memory_space<hbm>>
      tpu.enqueue_indirect_dma source(%dma_start3A_268 : memref<262144xf32, #tpu.memory_space<hbm>>) target(%dma_start3A_263 : memref<128xf32, #tpu.memory_space<vmem>>) offsets(%dma_start3A_266 : memref<128xi32, #tpu.memory_space<vmem>>) semaphore(%arg23 : memref<!tpu.dma_semaphore, #tpu.memory_space<semaphore_mem>>)
      %mul3A_269 = arith.constant 16 : i32
      %mul3A_270 = arith.muli %scan3A_46, %mul3A_269 : i32
      %add3A_271 = arith.constant 12 : i32
      %add3A_272 = arith.addi %mul3A_270, %add3A_271 : i32
      %mul3A_273 = arith.constant 128 : i32
      %mul3A_274 = arith.muli %add3A_272, %mul3A_273 : i32
      %dma_start3A_275 = tpu.memref_slice %arg13[%mul3A_274] : memref<12288xf32, #tpu.memory_space<vmem>> -> memref<128xf32, #tpu.memory_space<vmem>>
      %dma_start3A_276 = arith.constant 0 : i32
      %dma_start3A_277 = tpu.memref_slice %arg11[%add3A_272, %dma_start3A_276] : memref<96x128xi32, #tpu.memory_space<vmem>> -> memref<1x128xi32, #tpu.memory_space<vmem>>
      %dma_start3A_278 = tpu.memref_squeeze %dma_start3A_277 : memref<1x128xi32, #tpu.memory_space<vmem>> -> memref<128xi32, #tpu.memory_space<vmem>>
      %dma_start3A_279 = arith.constant 0 : i32
      %dma_start3A_280 = tpu.memref_slice %arg3[%dma_start3A_279] : memref<262144xf32, #tpu.memory_space<hbm>> -> memref<262144xf32, #tpu.memory_space<hbm>>
      tpu.enqueue_indirect_dma source(%dma_start3A_280 : memref<262144xf32, #tpu.memory_space<hbm>>) target(%dma_start3A_275 : memref<128xf32, #tpu.memory_space<vmem>>) offsets(%dma_start3A_278 : memref<128xi32, #tpu.memory_space<vmem>>) semaphore(%arg23 : memref<!tpu.dma_semaphore, #tpu.memory_space<semaphore_mem>>)
      %mul3A_281 = arith.constant 16 : i32
      %mul3A_282 = arith.muli %scan3A_46, %mul3A_281 : i32
      %add3A_283 = arith.constant 13 : i32
      %add3A_284 = arith.addi %mul3A_282, %add3A_283 : i32
      %mul3A_285 = arith.constant 128 : i32
      %mul3A_286 = arith.muli %add3A_284, %mul3A_285 : i32
      %dma_start3A_287 = tpu.memref_slice %arg13[%mul3A_286] : memref<12288xf32, #tpu.memory_space<vmem>> -> memref<128xf32, #tpu.memory_space<vmem>>
      %dma_start3A_288 = arith.constant 0 : i32
      %dma_start3A_289 = tpu.memref_slice %arg11[%add3A_284, %dma_start3A_288] : memref<96x128xi32, #tpu.memory_space<vmem>> -> memref<1x128xi32, #tpu.memory_space<vmem>>
      %dma_start3A_290 = tpu.memref_squeeze %dma_start3A_289 : memref<1x128xi32, #tpu.memory_space<vmem>> -> memref<128xi32, #tpu.memory_space<vmem>>
      %dma_start3A_291 = arith.constant 0 : i32
      %dma_start3A_292 = tpu.memref_slice %arg3[%dma_start3A_291] : memref<262144xf32, #tpu.memory_space<hbm>> -> memref<262144xf32, #tpu.memory_space<hbm>>
      tpu.enqueue_indirect_dma source(%dma_start3A_292 : memref<262144xf32, #tpu.memory_space<hbm>>) target(%dma_start3A_287 : memref<128xf32, #tpu.memory_space<vmem>>) offsets(%dma_start3A_290 : memref<128xi32, #tpu.memory_space<vmem>>) semaphore(%arg23 : memref<!tpu.dma_semaphore, #tpu.memory_space<semaphore_mem>>)
      %mul3A_293 = arith.constant 16 : i32
      %mul3A_294 = arith.muli %scan3A_46, %mul3A_293 : i32
      %add3A_295 = arith.constant 14 : i32
      %add3A_296 = arith.addi %mul3A_294, %add3A_295 : i32
      %mul3A_297 = arith.constant 128 : i32
      %mul3A_298 = arith.muli %add3A_296, %mul3A_297 : i32
      %dma_start3A_299 = tpu.memref_slice %arg13[%mul3A_298] : memref<12288xf32, #tpu.memory_space<vmem>> -> memref<128xf32, #tpu.memory_space<vmem>>
      %dma_start3A_300 = arith.constant 0 : i32
      %dma_start3A_301 = tpu.memref_slice %arg11[%add3A_296, %dma_start3A_300] : memref<96x128xi32, #tpu.memory_space<vmem>> -> memref<1x128xi32, #tpu.memory_space<vmem>>
      %dma_start3A_302 = tpu.memref_squeeze %dma_start3A_301 : memref<1x128xi32, #tpu.memory_space<vmem>> -> memref<128xi32, #tpu.memory_space<vmem>>
      %dma_start3A_303 = arith.constant 0 : i32
      %dma_start3A_304 = tpu.memref_slice %arg3[%dma_start3A_303] : memref<262144xf32, #tpu.memory_space<hbm>> -> memref<262144xf32, #tpu.memory_space<hbm>>
      tpu.enqueue_indirect_dma source(%dma_start3A_304 : memref<262144xf32, #tpu.memory_space<hbm>>) target(%dma_start3A_299 : memref<128xf32, #tpu.memory_space<vmem>>) offsets(%dma_start3A_302 : memref<128xi32, #tpu.memory_space<vmem>>) semaphore(%arg23 : memref<!tpu.dma_semaphore, #tpu.memory_space<semaphore_mem>>)
      %mul3A_305 = arith.constant 16 : i32
      %mul3A_306 = arith.muli %scan3A_46, %mul3A_305 : i32
      %add3A_307 = arith.constant 15 : i32
      %add3A_308 = arith.addi %mul3A_306, %add3A_307 : i32
      %mul3A_309 = arith.constant 128 : i32
      %mul3A_310 = arith.muli %add3A_308, %mul3A_309 : i32
      %dma_start3A_311 = tpu.memref_slice %arg13[%mul3A_310] : memref<12288xf32, #tpu.memory_space<vmem>> -> memref<128xf32, #tpu.memory_space<vmem>>
      %dma_start3A_312 = arith.constant 0 : i32
      %dma_start3A_313 = tpu.memref_slice %arg11[%add3A_308, %dma_start3A_312] : memref<96x128xi32, #tpu.memory_space<vmem>> -> memref<1x128xi32, #tpu.memory_space<vmem>>
      %dma_start3A_314 = tpu.memref_squeeze %dma_start3A_313 : memref<1x128xi32, #tpu.memory_space<vmem>> -> memref<128xi32, #tpu.memory_space<vmem>>
      %dma_start3A_315 = arith.constant 0 : i32
      %dma_start3A_316 = tpu.memref_slice %arg3[%dma_start3A_315] : memref<262144xf32, #tpu.memory_space<hbm>> -> memref<262144xf32, #tpu.memory_space<hbm>>
      tpu.enqueue_indirect_dma source(%dma_start3A_316 : memref<262144xf32, #tpu.memory_space<hbm>>) target(%dma_start3A_311 : memref<128xf32, #tpu.memory_space<vmem>>) offsets(%dma_start3A_314 : memref<128xi32, #tpu.memory_space<vmem>>) semaphore(%arg23 : memref<!tpu.dma_semaphore, #tpu.memory_space<semaphore_mem>>)
      %scan3A_317 = arith.constant 0 : i32
      scf.yield %scan3A_317 : i32
    }
    %scan3A_38 = arith.constant 6 : i32
    %scan3A_39 = arith.constant 0 : i32
    %scan3A_40 = arith.constant 0 : i32
    %scan3A_41 = arith.constant 15 : i32
    %scan3A_42 = arith.addi %scan3A_40, %scan3A_41 : i32
    %scan3A_43 = arith.constant 1 : i32
    %scan3A_44 = scf.for %scan3A_46 = %scan3A_40 to %scan3A_42 step %scan3A_43 iter_args(%scan3A_47 = %scan3A_39) -> (i32)  : i32 {
      %mul3A_48 = arith.constant 2 : i32
      %mul3A_49 = arith.muli %mul3A_48, %scan3A_46 : i32
      %add3A_50 = arith.constant 1 : i32
      %add3A_51 = arith.addi %mul3A_49, %add3A_50 : i32
      %mul3A_52 = arith.constant 96 : i32
      %mul3A_53 = arith.muli %add3A_51, %mul3A_52 : i32
      %add3A_54 = arith.addi %mul3A_2, %mul3A_53 : i32
      %mul3A_55 = arith.constant 128 : i32
      %mul3A_56 = arith.muli %add3A_54, %mul3A_55 : i32
      "tpu.region"() ({
        %run_scoped3A = tpu.sem_alloc : memref<!tpu.dma_semaphore, #tpu.memory_space<semaphore_mem>>
        %dma_start3A = tpu.memref_slice %arg2[%mul3A_56] : memref<11796480xf32, #tpu.memory_space<hbm>> -> memref<12288xf32, #tpu.memory_space<hbm>>
        %dma_start3A_95 = tpu.memref_slice %arg2[%mul3A_56] : memref<11796480xf32, #tpu.memory_space<hbm>> -> memref<12288xf32, #tpu.memory_space<hbm>>
        tpu.enqueue_dma source(%dma_start3A_95 : memref<12288xf32, #tpu.memory_space<hbm>>) target(%arg10 : memref<12288xf32, #tpu.memory_space<vmem>>) target_semaphore(%run_scoped3A : memref<!tpu.dma_semaphore, #tpu.memory_space<semaphore_mem>>)
        %dma_wait3A_96 = tpu.memref_slice %arg2[%mul3A_56] : memref<11796480xf32, #tpu.memory_space<hbm>> -> memref<12288xf32, #tpu.memory_space<hbm>>
        %dma_wait3A_97 = tpu.memref_slice %arg2[%mul3A_56] : memref<11796480xf32, #tpu.memory_space<hbm>> -> memref<12288xf32, #tpu.memory_space<hbm>>
        tpu.wait_dma2 semaphore(%run_scoped3A : memref<!tpu.dma_semaphore, #tpu.memory_space<semaphore_mem>>) src(%dma_wait3A_97 : memref<12288xf32, #tpu.memory_space<hbm>>) dst(%arg10 : memref<12288xf32, #tpu.memory_space<vmem>>)
        tpu.yield
      }) : () -> ()
      "tpu.region"() ({
        %run_scoped3A = tpu.sem_alloc : memref<!tpu.dma_semaphore, #tpu.memory_space<semaphore_mem>>
        %dma_start3A = tpu.memref_slice %arg4[%add3A_54] : memref<92160xf32, #tpu.memory_space<hbm>> -> memref<96xf32, #tpu.memory_space<hbm>>
        %dma_start3A_95 = tpu.memref_slice %arg4[%add3A_54] : memref<92160xf32, #tpu.memory_space<hbm>> -> memref<96xf32, #tpu.memory_space<hbm>>
        tpu.enqueue_dma source(%dma_start3A_95 : memref<96xf32, #tpu.memory_space<hbm>>) target(%arg17 : memref<96xf32, #tpu.memory_space<vmem>>) target_semaphore(%run_scoped3A : memref<!tpu.dma_semaphore, #tpu.memory_space<semaphore_mem>>)
        %dma_wait3A_96 = tpu.memref_slice %arg4[%add3A_54] : memref<92160xf32, #tpu.memory_space<hbm>> -> memref<96xf32, #tpu.memory_space<hbm>>
        %dma_wait3A_97 = tpu.memref_slice %arg4[%add3A_54] : memref<92160xf32, #tpu.memory_space<hbm>> -> memref<96xf32, #tpu.memory_space<hbm>>
        tpu.wait_dma2 semaphore(%run_scoped3A : memref<!tpu.dma_semaphore, #tpu.memory_space<semaphore_mem>>) src(%dma_wait3A_97 : memref<96xf32, #tpu.memory_space<hbm>>) dst(%arg17 : memref<96xf32, #tpu.memory_space<vmem>>)
        tpu.yield
      }) : () -> ()
      "tpu.region"() ({
        %run_scoped3A = tpu.sem_alloc : memref<!tpu.dma_semaphore, #tpu.memory_space<semaphore_mem>>
        %dma_start3A = tpu.memref_slice %arg5[%add3A_54] : memref<92160xf32, #tpu.memory_space<hbm>> -> memref<96xf32, #tpu.memory_space<hbm>>
        %dma_start3A_95 = tpu.memref_slice %arg5[%add3A_54] : memref<92160xf32, #tpu.memory_space<hbm>> -> memref<96xf32, #tpu.memory_space<hbm>>
        tpu.enqueue_dma source(%dma_start3A_95 : memref<96xf32, #tpu.memory_space<hbm>>) target(%arg18 : memref<96xf32, #tpu.memory_space<vmem>>) target_semaphore(%run_scoped3A : memref<!tpu.dma_semaphore, #tpu.memory_space<semaphore_mem>>)
        %dma_wait3A_96 = tpu.memref_slice %arg5[%add3A_54] : memref<92160xf32, #tpu.memory_space<hbm>> -> memref<96xf32, #tpu.memory_space<hbm>>
        %dma_wait3A_97 = tpu.memref_slice %arg5[%add3A_54] : memref<92160xf32, #tpu.memory_space<hbm>> -> memref<96xf32, #tpu.memory_space<hbm>>
        tpu.wait_dma2 semaphore(%run_scoped3A : memref<!tpu.dma_semaphore, #tpu.memory_space<semaphore_mem>>) src(%dma_wait3A_97 : memref<96xf32, #tpu.memory_space<hbm>>) dst(%arg18 : memref<96xf32, #tpu.memory_space<vmem>>)
        tpu.yield
      }) : () -> ()
      "tpu.region"() ({
        %run_scoped3A = tpu.sem_alloc : memref<!tpu.dma_semaphore, #tpu.memory_space<semaphore_mem>>
        %dma_start3A = tpu.memref_slice %arg6[%add3A_54] : memref<92160xf32, #tpu.memory_space<hbm>> -> memref<96xf32, #tpu.memory_space<hbm>>
        %dma_start3A_95 = tpu.memref_slice %arg6[%add3A_54] : memref<92160xf32, #tpu.memory_space<hbm>> -> memref<96xf32, #tpu.memory_space<hbm>>
        tpu.enqueue_dma source(%dma_start3A_95 : memref<96xf32, #tpu.memory_space<hbm>>) target(%arg19 : memref<96xf32, #tpu.memory_space<vmem>>) target_semaphore(%run_scoped3A : memref<!tpu.dma_semaphore, #tpu.memory_space<semaphore_mem>>)
        %dma_wait3A_96 = tpu.memref_slice %arg6[%add3A_54] : memref<92160xf32, #tpu.memory_space<hbm>> -> memref<96xf32, #tpu.memory_space<hbm>>
        %dma_wait3A_97 = tpu.memref_slice %arg6[%add3A_54] : memref<92160xf32, #tpu.memory_space<hbm>> -> memref<96xf32, #tpu.memory_space<hbm>>
        tpu.wait_dma2 semaphore(%run_scoped3A : memref<!tpu.dma_semaphore, #tpu.memory_space<semaphore_mem>>) src(%dma_wait3A_97 : memref<96xf32, #tpu.memory_space<hbm>>) dst(%arg19 : memref<96xf32, #tpu.memory_space<vmem>>)
        tpu.yield
      }) : () -> ()
      "tpu.region"() ({
        %run_scoped3A = tpu.sem_alloc : memref<!tpu.dma_semaphore, #tpu.memory_space<semaphore_mem>>
        %dma_start3A = tpu.memref_slice %arg7[%add3A_54] : memref<92160xf32, #tpu.memory_space<hbm>> -> memref<96xf32, #tpu.memory_space<hbm>>
        %dma_start3A_95 = tpu.memref_slice %arg7[%add3A_54] : memref<92160xf32, #tpu.memory_space<hbm>> -> memref<96xf32, #tpu.memory_space<hbm>>
        tpu.enqueue_dma source(%dma_start3A_95 : memref<96xf32, #tpu.memory_space<hbm>>) target(%arg20 : memref<96xf32, #tpu.memory_space<vmem>>) target_semaphore(%run_scoped3A : memref<!tpu.dma_semaphore, #tpu.memory_space<semaphore_mem>>)
        %dma_wait3A_96 = tpu.memref_slice %arg7[%add3A_54] : memref<92160xf32, #tpu.memory_space<hbm>> -> memref<96xf32, #tpu.memory_space<hbm>>
        %dma_wait3A_97 = tpu.memref_slice %arg7[%add3A_54] : memref<92160xf32, #tpu.memory_space<hbm>> -> memref<96xf32, #tpu.memory_space<hbm>>
        tpu.wait_dma2 semaphore(%run_scoped3A : memref<!tpu.dma_semaphore, #tpu.memory_space<semaphore_mem>>) src(%dma_wait3A_97 : memref<96xf32, #tpu.memory_space<hbm>>) dst(%arg20 : memref<96xf32, #tpu.memory_space<vmem>>)
        tpu.yield
      }) : () -> ()
      %scan3A_57 = arith.constant 0 : i32
      %scan3A_58 = arith.constant 0 : i32
      %scan3A_59 = arith.constant 6 : i32
      %scan3A_60 = arith.addi %scan3A_58, %scan3A_59 : i32
      %scan3A_61 = arith.constant 1 : i32
      %scan3A_62 = scf.for %scan3A_95 = %scan3A_58 to %scan3A_60 step %scan3A_61 iter_args(%scan3A_96 = %scan3A_57) -> (i32)  : i32 {
        %mul3A_97 = arith.constant 16 : i32
        %mul3A_98 = arith.muli %scan3A_95, %mul3A_97 : i32
        %get3A_99 = arith.index_cast %mul3A_98 : i32 to index
        %get3A_100 = tpu.vector_load %arg17[%get3A_99] {strides = array<i32>} : memref<96xf32, #tpu.memory_space<vmem>>, vector<16xf32>,
        %mul3A_101 = arith.constant 16 : i32
        %mul3A_102 = arith.muli %scan3A_95, %mul3A_101 : i32
        %get3A_103 = arith.index_cast %mul3A_102 : i32 to index
        %get3A_104 = tpu.vector_load %arg18[%get3A_103] {strides = array<i32>} : memref<96xf32, #tpu.memory_space<vmem>>, vector<16xf32>,
        %mul3A_105 = arith.constant 16 : i32
        %mul3A_106 = arith.muli %scan3A_95, %mul3A_105 : i32
        %get3A_107 = arith.index_cast %mul3A_106 : i32 to index
        %get3A_108 = tpu.vector_load %arg19[%get3A_107] {strides = array<i32>} : memref<96xf32, #tpu.memory_space<vmem>>, vector<16xf32>,
        %sub3A_109 = arith.subf %get3A_108, %get3A_100 : vector<16xf32>
        %mul3A_110 = arith.constant 16 : i32
        %mul3A_111 = arith.muli %scan3A_95, %mul3A_110 : i32
        %get3A_112 = arith.index_cast %mul3A_111 : i32 to index
        %get3A_113 = tpu.vector_load %arg20[%get3A_112] {strides = array<i32>} : memref<96xf32, #tpu.memory_space<vmem>>, vector<16xf32>,
        %sub3A_114 = arith.subf %get3A_113, %get3A_104 : vector<16xf32>
        %mul3A_115 = arith.mulf %sub3A_109, %sub3A_109 : vector<16xf32>
        %mul3A_116 = arith.mulf %sub3A_114, %sub3A_114 : vector<16xf32>
        %add3A_117 = arith.addf %mul3A_115, %mul3A_116 : vector<16xf32>
        %bitcast_convert_type3A = tpu.bitcast %add3A_117 : vector<16xf32> -> vector<16xi32>
        %shift_right_logical3A = arith.constant 1 : i32
        %shift_right_logical3A_118 = vector.broadcast %shift_right_logical3A : i32 to vector<16xi32>
        %shift_right_logical3A_119 = arith.shrui %bitcast_convert_type3A, %shift_right_logical3A_118 : vector<16xi32>
        %sub3A_120 = arith.constant 1597463007 : i32
        %sub3A_121 = vector.broadcast %sub3A_120 : i32 to vector<16xi32>
        %sub3A_122 = arith.subi %sub3A_121, %shift_right_logical3A_119 : vector<16xi32>
        %bitcast_convert_type3A_123 = tpu.bitcast %sub3A_122 : vector<16xi32> -> vector<16xf32>
        %mul3A_124 = arith.constant 5.000000e-01 : f32
        %mul3A_125 = vector.broadcast %mul3A_124 : f32 to vector<16xf32>
        %mul3A_126 = arith.mulf %mul3A_125, %add3A_117 : vector<16xf32>
        %mul3A_127 = arith.mulf %mul3A_126, %bitcast_convert_type3A_123 : vector<16xf32>
        %mul3A_128 = arith.mulf %mul3A_127, %bitcast_convert_type3A_123 : vector<16xf32>
        %sub3A_129 = arith.constant 1.500000e+00 : f32
        %sub3A_130 = vector.broadcast %sub3A_129 : f32 to vector<16xf32>
        %sub3A_131 = arith.subf %sub3A_130, %mul3A_128 : vector<16xf32>
        %mul3A_132 = arith.mulf %bitcast_convert_type3A_123, %sub3A_131 : vector<16xf32>
        %mul3A_133 = arith.mulf %mul3A_126, %mul3A_132 : vector<16xf32>
        %mul3A_134 = arith.mulf %mul3A_133, %mul3A_132 : vector<16xf32>
        %sub3A_135 = arith.constant 1.500000e+00 : f32
        %sub3A_136 = vector.broadcast %sub3A_135 : f32 to vector<16xf32>
        %sub3A_137 = arith.subf %sub3A_136, %mul3A_134 : vector<16xf32>
        %mul3A_138 = arith.mulf %mul3A_132, %sub3A_137 : vector<16xf32>
        %mul3A_139 = arith.mulf %mul3A_126, %mul3A_138 : vector<16xf32>
        %mul3A_140 = arith.mulf %mul3A_139, %mul3A_138 : vector<16xf32>
        %sub3A_141 = arith.constant 1.500000e+00 : f32
        %sub3A_142 = vector.broadcast %sub3A_141 : f32 to vector<16xf32>
        %sub3A_143 = arith.subf %sub3A_142, %mul3A_140 : vector<16xf32>
        %mul3A_144 = arith.mulf %mul3A_138, %sub3A_143 : vector<16xf32>
        %mul3A_145 = arith.mulf %add3A_117, %mul3A_144 : vector<16xf32>
        %mul3A_146 = arith.constant 16 : i32
        %mul3A_147 = arith.muli %scan3A_95, %mul3A_146 : i32
        %add3A_148 = vector.broadcast %mul3A_147 : i32 to vector<16xi32>
        %add3A_149 = arith.addi %add3A_148, %iota3A : vector<16xi32>
        %mul3A_150 = arith.constant 128 : i32
        %mul3A_151 = vector.broadcast %mul3A_150 : i32 to vector<16xi32>
        %mul3A_152 = arith.muli %add3A_149, %mul3A_151 : vector<16xi32>
        %gather3A = tpu.vector_load_idx %arg10[%mul3A_152] : memref<12288xf32, #tpu.memory_space<vmem>>[vector<16xi32>], vector<16xf32>,
        %mul3A_153 = arith.mulf %gather3A, %sub3A_109 : vector<16xf32>
        %add3A_154 = arith.addf %get3A_100, %mul3A_153 : vector<16xf32>
        %mul3A_155 = arith.mulf %gather3A, %sub3A_114 : vector<16xf32>
        %add3A_156 = arith.addf %get3A_104, %mul3A_155 : vector<16xf32>
        %parallel_loop3A = arith.constant 0 : i32
        %parallel_loop3A_157 = arith.constant 127 : i32
        %parallel_loop3A_158 = arith.constant 1 : i32
        %parallel_loop3A_159:4 = scf.for %parallel_loop3A_368 = %parallel_loop3A to %parallel_loop3A_157 step %parallel_loop3A_158 iter_args(%parallel_loop3A_369 = %mul3A_152, %parallel_loop3A_370 = %gather3A, %parallel_loop3A_371 = %add3A_154, %parallel_loop3A_372 = %add3A_156) -> (vector<16xi32>, vector<16xf32>, vector<16xf32>, vector<16xf32>)  : i32 {
          %parallel_loop3A_373 = arith.constant 1 : i32
          %parallel_loop3A_374 = vector.broadcast %parallel_loop3A_373 : i32 to vector<16xi32>
          %parallel_loop3A_375 = arith.addi %parallel_loop3A_369, %parallel_loop3A_374 : vector<16xi32>
          %parallel_loop3A_376 = tpu.vector_load_idx %arg10[%parallel_loop3A_375] : memref<12288xf32, #tpu.memory_space<vmem>>[vector<16xi32>], vector<16xf32>,
          %parallel_loop3A_377 = arith.mulf %parallel_loop3A_376, %sub3A_109 : vector<16xf32>
          %parallel_loop3A_378 = arith.addf %get3A_100, %parallel_loop3A_377 : vector<16xf32>
          %parallel_loop3A_379 = arith.mulf %parallel_loop3A_376, %sub3A_114 : vector<16xf32>
          %parallel_loop3A_380 = arith.addf %get3A_104, %parallel_loop3A_379 : vector<16xf32>
          %parallel_loop3A_381 = arith.addf %parallel_loop3A_371, %parallel_loop3A_378 : vector<16xf32>
          %parallel_loop3A_382 = arith.constant 5.000000e-01 : f32
          %parallel_loop3A_383 = vector.broadcast %parallel_loop3A_382 : f32 to vector<16xf32>
          %parallel_loop3A_384 = arith.mulf %parallel_loop3A_383, %parallel_loop3A_381 : vector<16xf32>
          %parallel_loop3A_385 = arith.addf %parallel_loop3A_372, %parallel_loop3A_380 : vector<16xf32>
          %parallel_loop3A_386 = arith.constant 5.000000e-01 : f32
          %parallel_loop3A_387 = vector.broadcast %parallel_loop3A_386 : f32 to vector<16xf32>
          %parallel_loop3A_388 = arith.mulf %parallel_loop3A_387, %parallel_loop3A_385 : vector<16xf32>
          %parallel_loop3A_389 = arith.subf %parallel_loop3A_384, %get3A_21 : vector<16xf32>
          %parallel_loop3A_390 = arith.subf %parallel_loop3A_388, %get3A_25 : vector<16xf32>
          %parallel_loop3A_391 = arith.mulf %get3A_5, %parallel_loop3A_389 : vector<16xf32>
          %parallel_loop3A_392 = arith.mulf %get3A_9, %parallel_loop3A_390 : vector<16xf32>
          %parallel_loop3A_393 = arith.addf %parallel_loop3A_391, %parallel_loop3A_392 : vector<16xf32>
          %parallel_loop3A_394 = arith.mulf %get3A_13, %parallel_loop3A_389 : vector<16xf32>
          %parallel_loop3A_395 = arith.mulf %get3A_17, %parallel_loop3A_390 : vector<16xf32>
          %parallel_loop3A_396 = arith.addf %parallel_loop3A_394, %parallel_loop3A_395 : vector<16xf32>
          %parallel_loop3A_397 = arith.constant 0x4B400000 : f32
          %parallel_loop3A_398 = vector.broadcast %parallel_loop3A_397 : f32 to vector<16xf32>
          %parallel_loop3A_399 = arith.addf %parallel_loop3A_393, %parallel_loop3A_398 : vector<16xf32>
          %parallel_loop3A_400 = tpu.bitcast %parallel_loop3A_399 : vector<16xf32> -> vector<16xi32>
          %parallel_loop3A_401 = arith.constant 1262485504 : i32
          %parallel_loop3A_402 = vector.broadcast %parallel_loop3A_401 : i32 to vector<16xi32>
          %parallel_loop3A_403 = arith.subi %parallel_loop3A_400, %parallel_loop3A_402 : vector<16xi32>
          %parallel_loop3A_404 = arith.constant 0x4B400000 : f32
          %parallel_loop3A_405 = vector.broadcast %parallel_loop3A_404 : f32 to vector<16xf32>
          %parallel_loop3A_406 = arith.addf %parallel_loop3A_396, %parallel_loop3A_405 : vector<16xf32>
          %parallel_loop3A_407 = tpu.bitcast %parallel_loop3A_406 : vector<16xf32> -> vector<16xi32>
          %parallel_loop3A_408 = arith.constant 1262485504 : i32
          %parallel_loop3A_409 = vector.broadcast %parallel_loop3A_408 : i32 to vector<16xi32>
          %parallel_loop3A_410 = arith.subi %parallel_loop3A_407, %parallel_loop3A_409 : vector<16xi32>
          %parallel_loop3A_411 = arith.ori %parallel_loop3A_403, %parallel_loop3A_410 : vector<16xi32>
          %parallel_loop3A_412 = tpu.bitcast %parallel_loop3A_411 : vector<16xi32> -> vector<16xi32>
          %parallel_loop3A_413 = arith.constant 512 : i32
          %parallel_loop3A_414 = vector.broadcast %parallel_loop3A_413 : i32 to vector<16xi32>
          %parallel_loop3A_415 = arith.cmpi ult, %parallel_loop3A_412, %parallel_loop3A_414 : vector<16xi32>
          %parallel_loop3A_416 = arith.constant 9 : i32
          %parallel_loop3A_417 = vector.broadcast %parallel_loop3A_416 : i32 to vector<16xi32>
          %parallel_loop3A_418 = arith.shli %parallel_loop3A_403, %parallel_loop3A_417 : vector<16xi32>
          %parallel_loop3A_419 = arith.ori %parallel_loop3A_418, %parallel_loop3A_410 : vector<16xi32>
          %parallel_loop3A_420 = arith.subf %parallel_loop3A_376, %parallel_loop3A_370 : vector<16xf32>
          %parallel_loop3A_421 = arith.mulf %parallel_loop3A_420, %mul3A_145 : vector<16xf32>
          %parallel_loop3A_422 = arith.constant 0 : i32
          %parallel_loop3A_423 = vector.broadcast %parallel_loop3A_422 : i32 to vector<16xi32>
          %parallel_loop3A_424 = arith.select %parallel_loop3A_415, %parallel_loop3A_419, %parallel_loop3A_423 : vector<16xi1>, vector<16xi32>
          %parallel_loop3A_425 = arith.constant 0.000000e+00 : f32
          %parallel_loop3A_426 = vector.broadcast %parallel_loop3A_425 : f32 to vector<16xf32>
          %parallel_loop3A_427 = arith.select %parallel_loop3A_415, %parallel_loop3A_421, %parallel_loop3A_426 : vector<16xi1>, vector<16xf32>
          %parallel_loop3A_428 = arith.constant 128 : i32
          %parallel_loop3A_429 = arith.muli %scan3A_95, %parallel_loop3A_428 : i32
          %parallel_loop3A_430 = arith.addi %parallel_loop3A_429, %parallel_loop3A_368 : i32
          %parallel_loop3A_431 = arith.constant 3 : i32
          %parallel_loop3A_432 = arith.shrsi %parallel_loop3A_430, %parallel_loop3A_431 : i32
          %parallel_loop3A_433 = arith.constant 7 : i32
          %parallel_loop3A_434 = arith.andi %parallel_loop3A_430, %parallel_loop3A_433 : i32
          %parallel_loop3A_435 = arith.constant 16 : i32
          %parallel_loop3A_436 = arith.muli %parallel_loop3A_434, %parallel_loop3A_435 : i32
          %parallel_loop3A_437 = arith.index_cast %parallel_loop3A_432 : i32 to index
          %parallel_loop3A_438 = arith.index_cast %parallel_loop3A_436 : i32 to index
          %parallel_loop3A_439 = tpu.vector_load %arg12[%parallel_loop3A_437, %parallel_loop3A_438] {strides = array<i32>} : memref<96x128xi32, #tpu.memory_space<vmem>>, vector<16xi32>,
          tpu.vector_store %arg12[%parallel_loop3A_437, %parallel_loop3A_438], %parallel_loop3A_424 {strides = array<i32>} : memref<96x128xi32, #tpu.memory_space<vmem>>, vector<16xi32>,
          %parallel_loop3A_440 = arith.constant 16 : i32
          %parallel_loop3A_441 = arith.muli %parallel_loop3A_430, %parallel_loop3A_440 : i32
          %parallel_loop3A_442 = arith.index_cast %parallel_loop3A_441 : i32 to index
          %parallel_loop3A_443 = tpu.vector_load %arg16[%parallel_loop3A_442] {strides = array<i32>} : memref<12288xf32, #tpu.memory_space<vmem>>, vector<16xf32>,
          tpu.vector_store %arg16[%parallel_loop3A_442], %parallel_loop3A_427 {strides = array<i32>} : memref<12288xf32, #tpu.memory_space<vmem>>, vector<16xf32>,
          scf.yield %parallel_loop3A_375, %parallel_loop3A_376, %parallel_loop3A_378, %parallel_loop3A_380 : vector<16xi32>, vector<16xf32>, vector<16xf32>, vector<16xf32>
        } {sc.loop_unroll_factor = 8 : i64, sc.parallel_access}
        %mul3A_160 = arith.constant 16 : i32
        %mul3A_161 = arith.muli %scan3A_95, %mul3A_160 : i32
        %add3A_162 = arith.constant 15 : i32
        %add3A_163 = arith.addi %mul3A_161, %add3A_162 : i32
        %swap3A = arith.index_cast %add3A_163 : i32 to index
        %swap3A_164 = arith.constant 112 : index
        %swap3A_165 = tpu.vector_load %arg12[%swap3A, %swap3A_164] {strides = array<i32>} : memref<96x128xi32, #tpu.memory_space<vmem>>, vector<16xi32>,
        tpu.vector_store %arg12[%swap3A, %swap3A_164], %broadcast_in_dim3A_26 {strides = array<i32>} : memref<96x128xi32, #tpu.memory_space<vmem>>, vector<16xi32>,
        %mul3A_166 = arith.constant 128 : i32
        %mul3A_167 = arith.muli %scan3A_95, %mul3A_166 : i32
        %add3A_168 = arith.constant 128 : i32
        %add3A_169 = arith.addi %mul3A_167, %add3A_168 : i32
        %sub3A_170 = arith.constant 1 : i32
        %sub3A_171 = arith.subi %add3A_169, %sub3A_170 : i32
        %mul3A_172 = arith.constant 16 : i32
        %mul3A_173 = arith.muli %sub3A_171, %mul3A_172 : i32
        %swap3A_174 = arith.index_cast %mul3A_173 : i32 to index
        %swap3A_175 = tpu.vector_load %arg16[%swap3A_174] {strides = array<i32>} : memref<12288xf32, #tpu.memory_space<vmem>>, vector<16xf32>,
        tpu.vector_store %arg16[%swap3A_174], %broadcast_in_dim3A_28 {strides = array<i32>} : memref<12288xf32, #tpu.memory_space<vmem>>, vector<16xf32>,
        %mul3A_176 = arith.constant 16 : i32
        %mul3A_177 = arith.muli %scan3A_95, %mul3A_176 : i32
        %add3A_178 = arith.constant 0 : i32
        %add3A_179 = arith.addi %mul3A_177, %add3A_178 : i32
        %mul3A_180 = arith.constant 128 : i32
        %mul3A_181 = arith.muli %add3A_179, %mul3A_180 : i32
        %dma_start3A = tpu.memref_slice %arg14[%mul3A_181] : memref<12288xf32, #tpu.memory_space<vmem>> -> memref<128xf32, #tpu.memory_space<vmem>>
        %dma_start3A_182 = arith.constant 0 : i32
        %dma_start3A_183 = tpu.memref_slice %arg12[%add3A_179, %dma_start3A_182] : memref<96x128xi32, #tpu.memory_space<vmem>> -> memref<1x128xi32, #tpu.memory_space<vmem>>
        %dma_start3A_184 = tpu.memref_squeeze %dma_start3A_183 : memref<1x128xi32, #tpu.memory_space<vmem>> -> memref<128xi32, #tpu.memory_space<vmem>>
        %dma_start3A_185 = arith.constant 0 : i32
        %dma_start3A_186 = tpu.memref_slice %arg3[%dma_start3A_185] : memref<262144xf32, #tpu.memory_space<hbm>> -> memref<262144xf32, #tpu.memory_space<hbm>>
        tpu.enqueue_indirect_dma source(%dma_start3A_186 : memref<262144xf32, #tpu.memory_space<hbm>>) target(%dma_start3A : memref<128xf32, #tpu.memory_space<vmem>>) offsets(%dma_start3A_184 : memref<128xi32, #tpu.memory_space<vmem>>) semaphore(%arg24 : memref<!tpu.dma_semaphore, #tpu.memory_space<semaphore_mem>>)
        %mul3A_187 = arith.constant 16 : i32
        %mul3A_188 = arith.muli %scan3A_95, %mul3A_187 : i32
        %add3A_189 = arith.constant 1 : i32
        %add3A_190 = arith.addi %mul3A_188, %add3A_189 : i32
        %mul3A_191 = arith.constant 128 : i32
        %mul3A_192 = arith.muli %add3A_190, %mul3A_191 : i32
        %dma_start3A_193 = tpu.memref_slice %arg14[%mul3A_192] : memref<12288xf32, #tpu.memory_space<vmem>> -> memref<128xf32, #tpu.memory_space<vmem>>
        %dma_start3A_194 = arith.constant 0 : i32
        %dma_start3A_195 = tpu.memref_slice %arg12[%add3A_190, %dma_start3A_194] : memref<96x128xi32, #tpu.memory_space<vmem>> -> memref<1x128xi32, #tpu.memory_space<vmem>>
        %dma_start3A_196 = tpu.memref_squeeze %dma_start3A_195 : memref<1x128xi32, #tpu.memory_space<vmem>> -> memref<128xi32, #tpu.memory_space<vmem>>
        %dma_start3A_197 = arith.constant 0 : i32
        %dma_start3A_198 = tpu.memref_slice %arg3[%dma_start3A_197] : memref<262144xf32, #tpu.memory_space<hbm>> -> memref<262144xf32, #tpu.memory_space<hbm>>
        tpu.enqueue_indirect_dma source(%dma_start3A_198 : memref<262144xf32, #tpu.memory_space<hbm>>) target(%dma_start3A_193 : memref<128xf32, #tpu.memory_space<vmem>>) offsets(%dma_start3A_196 : memref<128xi32, #tpu.memory_space<vmem>>) semaphore(%arg24 : memref<!tpu.dma_semaphore, #tpu.memory_space<semaphore_mem>>)
        %mul3A_199 = arith.constant 16 : i32
        %mul3A_200 = arith.muli %scan3A_95, %mul3A_199 : i32
        %add3A_201 = arith.constant 2 : i32
        %add3A_202 = arith.addi %mul3A_200, %add3A_201 : i32
        %mul3A_203 = arith.constant 128 : i32
        %mul3A_204 = arith.muli %add3A_202, %mul3A_203 : i32
        %dma_start3A_205 = tpu.memref_slice %arg14[%mul3A_204] : memref<12288xf32, #tpu.memory_space<vmem>> -> memref<128xf32, #tpu.memory_space<vmem>>
        %dma_start3A_206 = arith.constant 0 : i32
        %dma_start3A_207 = tpu.memref_slice %arg12[%add3A_202, %dma_start3A_206] : memref<96x128xi32, #tpu.memory_space<vmem>> -> memref<1x128xi32, #tpu.memory_space<vmem>>
        %dma_start3A_208 = tpu.memref_squeeze %dma_start3A_207 : memref<1x128xi32, #tpu.memory_space<vmem>> -> memref<128xi32, #tpu.memory_space<vmem>>
        %dma_start3A_209 = arith.constant 0 : i32
        %dma_start3A_210 = tpu.memref_slice %arg3[%dma_start3A_209] : memref<262144xf32, #tpu.memory_space<hbm>> -> memref<262144xf32, #tpu.memory_space<hbm>>
        tpu.enqueue_indirect_dma source(%dma_start3A_210 : memref<262144xf32, #tpu.memory_space<hbm>>) target(%dma_start3A_205 : memref<128xf32, #tpu.memory_space<vmem>>) offsets(%dma_start3A_208 : memref<128xi32, #tpu.memory_space<vmem>>) semaphore(%arg24 : memref<!tpu.dma_semaphore, #tpu.memory_space<semaphore_mem>>)
        %mul3A_211 = arith.constant 16 : i32
        %mul3A_212 = arith.muli %scan3A_95, %mul3A_211 : i32
        %add3A_213 = arith.constant 3 : i32
        %add3A_214 = arith.addi %mul3A_212, %add3A_213 : i32
        %mul3A_215 = arith.constant 128 : i32
        %mul3A_216 = arith.muli %add3A_214, %mul3A_215 : i32
        %dma_start3A_217 = tpu.memref_slice %arg14[%mul3A_216] : memref<12288xf32, #tpu.memory_space<vmem>> -> memref<128xf32, #tpu.memory_space<vmem>>
        %dma_start3A_218 = arith.constant 0 : i32
        %dma_start3A_219 = tpu.memref_slice %arg12[%add3A_214, %dma_start3A_218] : memref<96x128xi32, #tpu.memory_space<vmem>> -> memref<1x128xi32, #tpu.memory_space<vmem>>
        %dma_start3A_220 = tpu.memref_squeeze %dma_start3A_219 : memref<1x128xi32, #tpu.memory_space<vmem>> -> memref<128xi32, #tpu.memory_space<vmem>>
        %dma_start3A_221 = arith.constant 0 : i32
        %dma_start3A_222 = tpu.memref_slice %arg3[%dma_start3A_221] : memref<262144xf32, #tpu.memory_space<hbm>> -> memref<262144xf32, #tpu.memory_space<hbm>>
        tpu.enqueue_indirect_dma source(%dma_start3A_222 : memref<262144xf32, #tpu.memory_space<hbm>>) target(%dma_start3A_217 : memref<128xf32, #tpu.memory_space<vmem>>) offsets(%dma_start3A_220 : memref<128xi32, #tpu.memory_space<vmem>>) semaphore(%arg24 : memref<!tpu.dma_semaphore, #tpu.memory_space<semaphore_mem>>)
        %mul3A_223 = arith.constant 16 : i32
        %mul3A_224 = arith.muli %scan3A_95, %mul3A_223 : i32
        %add3A_225 = arith.constant 4 : i32
        %add3A_226 = arith.addi %mul3A_224, %add3A_225 : i32
        %mul3A_227 = arith.constant 128 : i32
        %mul3A_228 = arith.muli %add3A_226, %mul3A_227 : i32
        %dma_start3A_229 = tpu.memref_slice %arg14[%mul3A_228] : memref<12288xf32, #tpu.memory_space<vmem>> -> memref<128xf32, #tpu.memory_space<vmem>>
        %dma_start3A_230 = arith.constant 0 : i32
        %dma_start3A_231 = tpu.memref_slice %arg12[%add3A_226, %dma_start3A_230] : memref<96x128xi32, #tpu.memory_space<vmem>> -> memref<1x128xi32, #tpu.memory_space<vmem>>
        %dma_start3A_232 = tpu.memref_squeeze %dma_start3A_231 : memref<1x128xi32, #tpu.memory_space<vmem>> -> memref<128xi32, #tpu.memory_space<vmem>>
        %dma_start3A_233 = arith.constant 0 : i32
        %dma_start3A_234 = tpu.memref_slice %arg3[%dma_start3A_233] : memref<262144xf32, #tpu.memory_space<hbm>> -> memref<262144xf32, #tpu.memory_space<hbm>>
        tpu.enqueue_indirect_dma source(%dma_start3A_234 : memref<262144xf32, #tpu.memory_space<hbm>>) target(%dma_start3A_229 : memref<128xf32, #tpu.memory_space<vmem>>) offsets(%dma_start3A_232 : memref<128xi32, #tpu.memory_space<vmem>>) semaphore(%arg24 : memref<!tpu.dma_semaphore, #tpu.memory_space<semaphore_mem>>)
        %mul3A_235 = arith.constant 16 : i32
        %mul3A_236 = arith.muli %scan3A_95, %mul3A_235 : i32
        %add3A_237 = arith.constant 5 : i32
        %add3A_238 = arith.addi %mul3A_236, %add3A_237 : i32
        %mul3A_239 = arith.constant 128 : i32
        %mul3A_240 = arith.muli %add3A_238, %mul3A_239 : i32
        %dma_start3A_241 = tpu.memref_slice %arg14[%mul3A_240] : memref<12288xf32, #tpu.memory_space<vmem>> -> memref<128xf32, #tpu.memory_space<vmem>>
        %dma_start3A_242 = arith.constant 0 : i32
        %dma_start3A_243 = tpu.memref_slice %arg12[%add3A_238, %dma_start3A_242] : memref<96x128xi32, #tpu.memory_space<vmem>> -> memref<1x128xi32, #tpu.memory_space<vmem>>
        %dma_start3A_244 = tpu.memref_squeeze %dma_start3A_243 : memref<1x128xi32, #tpu.memory_space<vmem>> -> memref<128xi32, #tpu.memory_space<vmem>>
        %dma_start3A_245 = arith.constant 0 : i32
        %dma_start3A_246 = tpu.memref_slice %arg3[%dma_start3A_245] : memref<262144xf32, #tpu.memory_space<hbm>> -> memref<262144xf32, #tpu.memory_space<hbm>>
        tpu.enqueue_indirect_dma source(%dma_start3A_246 : memref<262144xf32, #tpu.memory_space<hbm>>) target(%dma_start3A_241 : memref<128xf32, #tpu.memory_space<vmem>>) offsets(%dma_start3A_244 : memref<128xi32, #tpu.memory_space<vmem>>) semaphore(%arg24 : memref<!tpu.dma_semaphore, #tpu.memory_space<semaphore_mem>>)
        %mul3A_247 = arith.constant 16 : i32
        %mul3A_248 = arith.muli %scan3A_95, %mul3A_247 : i32
        %add3A_249 = arith.constant 6 : i32
        %add3A_250 = arith.addi %mul3A_248, %add3A_249 : i32
        %mul3A_251 = arith.constant 128 : i32
        %mul3A_252 = arith.muli %add3A_250, %mul3A_251 : i32
        %dma_start3A_253 = tpu.memref_slice %arg14[%mul3A_252] : memref<12288xf32, #tpu.memory_space<vmem>> -> memref<128xf32, #tpu.memory_space<vmem>>
        %dma_start3A_254 = arith.constant 0 : i32
        %dma_start3A_255 = tpu.memref_slice %arg12[%add3A_250, %dma_start3A_254] : memref<96x128xi32, #tpu.memory_space<vmem>> -> memref<1x128xi32, #tpu.memory_space<vmem>>
        %dma_start3A_256 = tpu.memref_squeeze %dma_start3A_255 : memref<1x128xi32, #tpu.memory_space<vmem>> -> memref<128xi32, #tpu.memory_space<vmem>>
        %dma_start3A_257 = arith.constant 0 : i32
        %dma_start3A_258 = tpu.memref_slice %arg3[%dma_start3A_257] : memref<262144xf32, #tpu.memory_space<hbm>> -> memref<262144xf32, #tpu.memory_space<hbm>>
        tpu.enqueue_indirect_dma source(%dma_start3A_258 : memref<262144xf32, #tpu.memory_space<hbm>>) target(%dma_start3A_253 : memref<128xf32, #tpu.memory_space<vmem>>) offsets(%dma_start3A_256 : memref<128xi32, #tpu.memory_space<vmem>>) semaphore(%arg24 : memref<!tpu.dma_semaphore, #tpu.memory_space<semaphore_mem>>)
        %mul3A_259 = arith.constant 16 : i32
        %mul3A_260 = arith.muli %scan3A_95, %mul3A_259 : i32
        %add3A_261 = arith.constant 7 : i32
        %add3A_262 = arith.addi %mul3A_260, %add3A_261 : i32
        %mul3A_263 = arith.constant 128 : i32
        %mul3A_264 = arith.muli %add3A_262, %mul3A_263 : i32
        %dma_start3A_265 = tpu.memref_slice %arg14[%mul3A_264] : memref<12288xf32, #tpu.memory_space<vmem>> -> memref<128xf32, #tpu.memory_space<vmem>>
        %dma_start3A_266 = arith.constant 0 : i32
        %dma_start3A_267 = tpu.memref_slice %arg12[%add3A_262, %dma_start3A_266] : memref<96x128xi32, #tpu.memory_space<vmem>> -> memref<1x128xi32, #tpu.memory_space<vmem>>
        %dma_start3A_268 = tpu.memref_squeeze %dma_start3A_267 : memref<1x128xi32, #tpu.memory_space<vmem>> -> memref<128xi32, #tpu.memory_space<vmem>>
        %dma_start3A_269 = arith.constant 0 : i32
        %dma_start3A_270 = tpu.memref_slice %arg3[%dma_start3A_269] : memref<262144xf32, #tpu.memory_space<hbm>> -> memref<262144xf32, #tpu.memory_space<hbm>>
        tpu.enqueue_indirect_dma source(%dma_start3A_270 : memref<262144xf32, #tpu.memory_space<hbm>>) target(%dma_start3A_265 : memref<128xf32, #tpu.memory_space<vmem>>) offsets(%dma_start3A_268 : memref<128xi32, #tpu.memory_space<vmem>>) semaphore(%arg24 : memref<!tpu.dma_semaphore, #tpu.memory_space<semaphore_mem>>)
        %mul3A_271 = arith.constant 16 : i32
        %mul3A_272 = arith.muli %scan3A_95, %mul3A_271 : i32
        %add3A_273 = arith.constant 8 : i32
        %add3A_274 = arith.addi %mul3A_272, %add3A_273 : i32
        %mul3A_275 = arith.constant 128 : i32
        %mul3A_276 = arith.muli %add3A_274, %mul3A_275 : i32
        %dma_start3A_277 = tpu.memref_slice %arg14[%mul3A_276] : memref<12288xf32, #tpu.memory_space<vmem>> -> memref<128xf32, #tpu.memory_space<vmem>>
        %dma_start3A_278 = arith.constant 0 : i32
        %dma_start3A_279 = tpu.memref_slice %arg12[%add3A_274, %dma_start3A_278] : memref<96x128xi32, #tpu.memory_space<vmem>> -> memref<1x128xi32, #tpu.memory_space<vmem>>
        %dma_start3A_280 = tpu.memref_squeeze %dma_start3A_279 : memref<1x128xi32, #tpu.memory_space<vmem>> -> memref<128xi32, #tpu.memory_space<vmem>>
        %dma_start3A_281 = arith.constant 0 : i32
        %dma_start3A_282 = tpu.memref_slice %arg3[%dma_start3A_281] : memref<262144xf32, #tpu.memory_space<hbm>> -> memref<262144xf32, #tpu.memory_space<hbm>>
        tpu.enqueue_indirect_dma source(%dma_start3A_282 : memref<262144xf32, #tpu.memory_space<hbm>>) target(%dma_start3A_277 : memref<128xf32, #tpu.memory_space<vmem>>) offsets(%dma_start3A_280 : memref<128xi32, #tpu.memory_space<vmem>>) semaphore(%arg24 : memref<!tpu.dma_semaphore, #tpu.memory_space<semaphore_mem>>)
        %mul3A_283 = arith.constant 16 : i32
        %mul3A_284 = arith.muli %scan3A_95, %mul3A_283 : i32
        %add3A_285 = arith.constant 9 : i32
        %add3A_286 = arith.addi %mul3A_284, %add3A_285 : i32
        %mul3A_287 = arith.constant 128 : i32
        %mul3A_288 = arith.muli %add3A_286, %mul3A_287 : i32
        %dma_start3A_289 = tpu.memref_slice %arg14[%mul3A_288] : memref<12288xf32, #tpu.memory_space<vmem>> -> memref<128xf32, #tpu.memory_space<vmem>>
        %dma_start3A_290 = arith.constant 0 : i32
        %dma_start3A_291 = tpu.memref_slice %arg12[%add3A_286, %dma_start3A_290] : memref<96x128xi32, #tpu.memory_space<vmem>> -> memref<1x128xi32, #tpu.memory_space<vmem>>
        %dma_start3A_292 = tpu.memref_squeeze %dma_start3A_291 : memref<1x128xi32, #tpu.memory_space<vmem>> -> memref<128xi32, #tpu.memory_space<vmem>>
        %dma_start3A_293 = arith.constant 0 : i32
        %dma_start3A_294 = tpu.memref_slice %arg3[%dma_start3A_293] : memref<262144xf32, #tpu.memory_space<hbm>> -> memref<262144xf32, #tpu.memory_space<hbm>>
        tpu.enqueue_indirect_dma source(%dma_start3A_294 : memref<262144xf32, #tpu.memory_space<hbm>>) target(%dma_start3A_289 : memref<128xf32, #tpu.memory_space<vmem>>) offsets(%dma_start3A_292 : memref<128xi32, #tpu.memory_space<vmem>>) semaphore(%arg24 : memref<!tpu.dma_semaphore, #tpu.memory_space<semaphore_mem>>)
        %mul3A_295 = arith.constant 16 : i32
        %mul3A_296 = arith.muli %scan3A_95, %mul3A_295 : i32
        %add3A_297 = arith.constant 10 : i32
        %add3A_298 = arith.addi %mul3A_296, %add3A_297 : i32
        %mul3A_299 = arith.constant 128 : i32
        %mul3A_300 = arith.muli %add3A_298, %mul3A_299 : i32
        %dma_start3A_301 = tpu.memref_slice %arg14[%mul3A_300] : memref<12288xf32, #tpu.memory_space<vmem>> -> memref<128xf32, #tpu.memory_space<vmem>>
        %dma_start3A_302 = arith.constant 0 : i32
        %dma_start3A_303 = tpu.memref_slice %arg12[%add3A_298, %dma_start3A_302] : memref<96x128xi32, #tpu.memory_space<vmem>> -> memref<1x128xi32, #tpu.memory_space<vmem>>
        %dma_start3A_304 = tpu.memref_squeeze %dma_start3A_303 : memref<1x128xi32, #tpu.memory_space<vmem>> -> memref<128xi32, #tpu.memory_space<vmem>>
        %dma_start3A_305 = arith.constant 0 : i32
        %dma_start3A_306 = tpu.memref_slice %arg3[%dma_start3A_305] : memref<262144xf32, #tpu.memory_space<hbm>> -> memref<262144xf32, #tpu.memory_space<hbm>>
        tpu.enqueue_indirect_dma source(%dma_start3A_306 : memref<262144xf32, #tpu.memory_space<hbm>>) target(%dma_start3A_301 : memref<128xf32, #tpu.memory_space<vmem>>) offsets(%dma_start3A_304 : memref<128xi32, #tpu.memory_space<vmem>>) semaphore(%arg24 : memref<!tpu.dma_semaphore, #tpu.memory_space<semaphore_mem>>)
        %mul3A_307 = arith.constant 16 : i32
        %mul3A_308 = arith.muli %scan3A_95, %mul3A_307 : i32
        %add3A_309 = arith.constant 11 : i32
        %add3A_310 = arith.addi %mul3A_308, %add3A_309 : i32
        %mul3A_311 = arith.constant 128 : i32
        %mul3A_312 = arith.muli %add3A_310, %mul3A_311 : i32
        %dma_start3A_313 = tpu.memref_slice %arg14[%mul3A_312] : memref<12288xf32, #tpu.memory_space<vmem>> -> memref<128xf32, #tpu.memory_space<vmem>>
        %dma_start3A_314 = arith.constant 0 : i32
        %dma_start3A_315 = tpu.memref_slice %arg12[%add3A_310, %dma_start3A_314] : memref<96x128xi32, #tpu.memory_space<vmem>> -> memref<1x128xi32, #tpu.memory_space<vmem>>
        %dma_start3A_316 = tpu.memref_squeeze %dma_start3A_315 : memref<1x128xi32, #tpu.memory_space<vmem>> -> memref<128xi32, #tpu.memory_space<vmem>>
        %dma_start3A_317 = arith.constant 0 : i32
        %dma_start3A_318 = tpu.memref_slice %arg3[%dma_start3A_317] : memref<262144xf32, #tpu.memory_space<hbm>> -> memref<262144xf32, #tpu.memory_space<hbm>>
        tpu.enqueue_indirect_dma source(%dma_start3A_318 : memref<262144xf32, #tpu.memory_space<hbm>>) target(%dma_start3A_313 : memref<128xf32, #tpu.memory_space<vmem>>) offsets(%dma_start3A_316 : memref<128xi32, #tpu.memory_space<vmem>>) semaphore(%arg24 : memref<!tpu.dma_semaphore, #tpu.memory_space<semaphore_mem>>)
        %mul3A_319 = arith.constant 16 : i32
        %mul3A_320 = arith.muli %scan3A_95, %mul3A_319 : i32
        %add3A_321 = arith.constant 12 : i32
        %add3A_322 = arith.addi %mul3A_320, %add3A_321 : i32
        %mul3A_323 = arith.constant 128 : i32
        %mul3A_324 = arith.muli %add3A_322, %mul3A_323 : i32
        %dma_start3A_325 = tpu.memref_slice %arg14[%mul3A_324] : memref<12288xf32, #tpu.memory_space<vmem>> -> memref<128xf32, #tpu.memory_space<vmem>>
        %dma_start3A_326 = arith.constant 0 : i32
        %dma_start3A_327 = tpu.memref_slice %arg12[%add3A_322, %dma_start3A_326] : memref<96x128xi32, #tpu.memory_space<vmem>> -> memref<1x128xi32, #tpu.memory_space<vmem>>
        %dma_start3A_328 = tpu.memref_squeeze %dma_start3A_327 : memref<1x128xi32, #tpu.memory_space<vmem>> -> memref<128xi32, #tpu.memory_space<vmem>>
        %dma_start3A_329 = arith.constant 0 : i32
        %dma_start3A_330 = tpu.memref_slice %arg3[%dma_start3A_329] : memref<262144xf32, #tpu.memory_space<hbm>> -> memref<262144xf32, #tpu.memory_space<hbm>>
        tpu.enqueue_indirect_dma source(%dma_start3A_330 : memref<262144xf32, #tpu.memory_space<hbm>>) target(%dma_start3A_325 : memref<128xf32, #tpu.memory_space<vmem>>) offsets(%dma_start3A_328 : memref<128xi32, #tpu.memory_space<vmem>>) semaphore(%arg24 : memref<!tpu.dma_semaphore, #tpu.memory_space<semaphore_mem>>)
        %mul3A_331 = arith.constant 16 : i32
        %mul3A_332 = arith.muli %scan3A_95, %mul3A_331 : i32
        %add3A_333 = arith.constant 13 : i32
        %add3A_334 = arith.addi %mul3A_332, %add3A_333 : i32
        %mul3A_335 = arith.constant 128 : i32
        %mul3A_336 = arith.muli %add3A_334, %mul3A_335 : i32
        %dma_start3A_337 = tpu.memref_slice %arg14[%mul3A_336] : memref<12288xf32, #tpu.memory_space<vmem>> -> memref<128xf32, #tpu.memory_space<vmem>>
        %dma_start3A_338 = arith.constant 0 : i32
        %dma_start3A_339 = tpu.memref_slice %arg12[%add3A_334, %dma_start3A_338] : memref<96x128xi32, #tpu.memory_space<vmem>> -> memref<1x128xi32, #tpu.memory_space<vmem>>
        %dma_start3A_340 = tpu.memref_squeeze %dma_start3A_339 : memref<1x128xi32, #tpu.memory_space<vmem>> -> memref<128xi32, #tpu.memory_space<vmem>>
        %dma_start3A_341 = arith.constant 0 : i32
        %dma_start3A_342 = tpu.memref_slice %arg3[%dma_start3A_341] : memref<262144xf32, #tpu.memory_space<hbm>> -> memref<262144xf32, #tpu.memory_space<hbm>>
        tpu.enqueue_indirect_dma source(%dma_start3A_342 : memref<262144xf32, #tpu.memory_space<hbm>>) target(%dma_start3A_337 : memref<128xf32, #tpu.memory_space<vmem>>) offsets(%dma_start3A_340 : memref<128xi32, #tpu.memory_space<vmem>>) semaphore(%arg24 : memref<!tpu.dma_semaphore, #tpu.memory_space<semaphore_mem>>)
        %mul3A_343 = arith.constant 16 : i32
        %mul3A_344 = arith.muli %scan3A_95, %mul3A_343 : i32
        %add3A_345 = arith.constant 14 : i32
        %add3A_346 = arith.addi %mul3A_344, %add3A_345 : i32
        %mul3A_347 = arith.constant 128 : i32
        %mul3A_348 = arith.muli %add3A_346, %mul3A_347 : i32
        %dma_start3A_349 = tpu.memref_slice %arg14[%mul3A_348] : memref<12288xf32, #tpu.memory_space<vmem>> -> memref<128xf32, #tpu.memory_space<vmem>>
        %dma_start3A_350 = arith.constant 0 : i32
        %dma_start3A_351 = tpu.memref_slice %arg12[%add3A_346, %dma_start3A_350] : memref<96x128xi32, #tpu.memory_space<vmem>> -> memref<1x128xi32, #tpu.memory_space<vmem>>
        %dma_start3A_352 = tpu.memref_squeeze %dma_start3A_351 : memref<1x128xi32, #tpu.memory_space<vmem>> -> memref<128xi32, #tpu.memory_space<vmem>>
        %dma_start3A_353 = arith.constant 0 : i32
        %dma_start3A_354 = tpu.memref_slice %arg3[%dma_start3A_353] : memref<262144xf32, #tpu.memory_space<hbm>> -> memref<262144xf32, #tpu.memory_space<hbm>>
        tpu.enqueue_indirect_dma source(%dma_start3A_354 : memref<262144xf32, #tpu.memory_space<hbm>>) target(%dma_start3A_349 : memref<128xf32, #tpu.memory_space<vmem>>) offsets(%dma_start3A_352 : memref<128xi32, #tpu.memory_space<vmem>>) semaphore(%arg24 : memref<!tpu.dma_semaphore, #tpu.memory_space<semaphore_mem>>)
        %mul3A_355 = arith.constant 16 : i32
        %mul3A_356 = arith.muli %scan3A_95, %mul3A_355 : i32
        %add3A_357 = arith.constant 15 : i32
        %add3A_358 = arith.addi %mul3A_356, %add3A_357 : i32
        %mul3A_359 = arith.constant 128 : i32
        %mul3A_360 = arith.muli %add3A_358, %mul3A_359 : i32
        %dma_start3A_361 = tpu.memref_slice %arg14[%mul3A_360] : memref<12288xf32, #tpu.memory_space<vmem>> -> memref<128xf32, #tpu.memory_space<vmem>>
        %dma_start3A_362 = arith.constant 0 : i32
        %dma_start3A_363 = tpu.memref_slice %arg12[%add3A_358, %dma_start3A_362] : memref<96x128xi32, #tpu.memory_space<vmem>> -> memref<1x128xi32, #tpu.memory_space<vmem>>
        %dma_start3A_364 = tpu.memref_squeeze %dma_start3A_363 : memref<1x128xi32, #tpu.memory_space<vmem>> -> memref<128xi32, #tpu.memory_space<vmem>>
        %dma_start3A_365 = arith.constant 0 : i32
        %dma_start3A_366 = tpu.memref_slice %arg3[%dma_start3A_365] : memref<262144xf32, #tpu.memory_space<hbm>> -> memref<262144xf32, #tpu.memory_space<hbm>>
        tpu.enqueue_indirect_dma source(%dma_start3A_366 : memref<262144xf32, #tpu.memory_space<hbm>>) target(%dma_start3A_361 : memref<128xf32, #tpu.memory_space<vmem>>) offsets(%dma_start3A_364 : memref<128xi32, #tpu.memory_space<vmem>>) semaphore(%arg24 : memref<!tpu.dma_semaphore, #tpu.memory_space<semaphore_mem>>)
        %scan3A_367 = arith.constant 0 : i32
        scf.yield %scan3A_367 : i32
      }
      %scan3A_63 = arith.constant 6 : i32
      %dma_wait3A = arith.constant 0 : i32
      %dma_wait3A_64 = tpu.memref_slice %arg3[%dma_wait3A] : memref<262144xf32, #tpu.memory_space<hbm>> -> memref<12288xf32, #tpu.memory_space<hbm>>
      %dma_wait3A_65 = arith.constant 0 : i32
      %dma_wait3A_66 = tpu.memref_slice %arg3[%dma_wait3A_65] : memref<262144xf32, #tpu.memory_space<hbm>> -> memref<12288xf32, #tpu.memory_space<hbm>>
      tpu.wait_dma2 semaphore(%arg23 : memref<!tpu.dma_semaphore, #tpu.memory_space<semaphore_mem>>) src(%dma_wait3A_66 : memref<12288xf32, #tpu.memory_space<hbm>>) dst(%arg13 : memref<12288xf32, #tpu.memory_space<vmem>>)
      %sub3A = arith.constant 1 : i32
      %sub3A_67 = arith.subi %add3A_51, %sub3A : i32
      %scan3A_68 = arith.constant 0 : i32
      %scan3A_69 = arith.constant 0 : i32
      %scan3A_70 = arith.constant 6 : i32
      %scan3A_71 = arith.addi %scan3A_69, %scan3A_70 : i32
      %scan3A_72 = arith.constant 1 : i32
      %scan3A_73 = scf.for %scan3A_95 = %scan3A_69 to %scan3A_71 step %scan3A_72 iter_args(%scan3A_96 = %scan3A_68) -> (i32)  : i32 {
        %scan3A_97 = arith.constant 0 : i32
        %scan3A_98 = arith.constant 16 : i32
        %scan3A_99 = arith.addi %scan3A_97, %scan3A_98 : i32
        %scan3A_100 = arith.constant 1 : i32
        %scan3A_101:4 = scf.for %scan3A_110 = %scan3A_97 to %scan3A_99 step %scan3A_100 iter_args(%scan3A_111 = %broadcast_in_dim3A_28, %scan3A_112 = %broadcast_in_dim3A_28, %scan3A_113 = %broadcast_in_dim3A_28, %scan3A_114 = %broadcast_in_dim3A_28) -> (vector<16xf32>, vector<16xf32>, vector<16xf32>, vector<16xf32>)  : i32 {
          %mul3A_115 = arith.constant 128 : i32
          %mul3A_116 = arith.muli %scan3A_95, %mul3A_115 : i32
          %mul3A_117 = arith.constant 8 : i32
          %mul3A_118 = arith.muli %scan3A_110, %mul3A_117 : i32
          %add3A_119 = arith.addi %mul3A_116, %mul3A_118 : i32
          %add3A_120 = arith.constant 0 : i32
          %add3A_121 = arith.addi %add3A_119, %add3A_120 : i32
          %mul3A_122 = arith.constant 16 : i32
          %mul3A_123 = arith.muli %add3A_121, %mul3A_122 : i32
          %get3A_124 = arith.index_cast %mul3A_123 : i32 to index
          %get3A_125 = tpu.vector_load %arg13[%get3A_124] {strides = array<i32>} : memref<12288xf32, #tpu.memory_space<vmem>>, vector<16xf32>,
          %mul3A_126 = arith.constant 16 : i32
          %mul3A_127 = arith.muli %add3A_121, %mul3A_126 : i32
          %get3A_128 = arith.index_cast %mul3A_127 : i32 to index
          %get3A_129 = tpu.vector_load %arg15[%get3A_128] {strides = array<i32>} : memref<12288xf32, #tpu.memory_space<vmem>>, vector<16xf32>,
          %mul3A_130 = arith.mulf %get3A_125, %get3A_129 : vector<16xf32>
          %add3A_131 = arith.addf %scan3A_111, %mul3A_130 : vector<16xf32>
          %mul3A_132 = arith.constant 128 : i32
          %mul3A_133 = arith.muli %scan3A_95, %mul3A_132 : i32
          %mul3A_134 = arith.constant 8 : i32
          %mul3A_135 = arith.muli %scan3A_110, %mul3A_134 : i32
          %add3A_136 = arith.addi %mul3A_133, %mul3A_135 : i32
          %add3A_137 = arith.constant 1 : i32
          %add3A_138 = arith.addi %add3A_136, %add3A_137 : i32
          %mul3A_139 = arith.constant 16 : i32
          %mul3A_140 = arith.muli %add3A_138, %mul3A_139 : i32
          %get3A_141 = arith.index_cast %mul3A_140 : i32 to index
          %get3A_142 = tpu.vector_load %arg13[%get3A_141] {strides = array<i32>} : memref<12288xf32, #tpu.memory_space<vmem>>, vector<16xf32>,
          %mul3A_143 = arith.constant 16 : i32
          %mul3A_144 = arith.muli %add3A_138, %mul3A_143 : i32
          %get3A_145 = arith.index_cast %mul3A_144 : i32 to index
          %get3A_146 = tpu.vector_load %arg15[%get3A_145] {strides = array<i32>} : memref<12288xf32, #tpu.memory_space<vmem>>, vector<16xf32>,
          %mul3A_147 = arith.mulf %get3A_142, %get3A_146 : vector<16xf32>
          %add3A_148 = arith.addf %scan3A_112, %mul3A_147 : vector<16xf32>
          %mul3A_149 = arith.constant 128 : i32
          %mul3A_150 = arith.muli %scan3A_95, %mul3A_149 : i32
          %mul3A_151 = arith.constant 8 : i32
          %mul3A_152 = arith.muli %scan3A_110, %mul3A_151 : i32
          %add3A_153 = arith.addi %mul3A_150, %mul3A_152 : i32
          %add3A_154 = arith.constant 2 : i32
          %add3A_155 = arith.addi %add3A_153, %add3A_154 : i32
          %mul3A_156 = arith.constant 16 : i32
          %mul3A_157 = arith.muli %add3A_155, %mul3A_156 : i32
          %get3A_158 = arith.index_cast %mul3A_157 : i32 to index
          %get3A_159 = tpu.vector_load %arg13[%get3A_158] {strides = array<i32>} : memref<12288xf32, #tpu.memory_space<vmem>>, vector<16xf32>,
          %mul3A_160 = arith.constant 16 : i32
          %mul3A_161 = arith.muli %add3A_155, %mul3A_160 : i32
          %get3A_162 = arith.index_cast %mul3A_161 : i32 to index
          %get3A_163 = tpu.vector_load %arg15[%get3A_162] {strides = array<i32>} : memref<12288xf32, #tpu.memory_space<vmem>>, vector<16xf32>,
          %mul3A_164 = arith.mulf %get3A_159, %get3A_163 : vector<16xf32>
          %add3A_165 = arith.addf %scan3A_113, %mul3A_164 : vector<16xf32>
          %mul3A_166 = arith.constant 128 : i32
          %mul3A_167 = arith.muli %scan3A_95, %mul3A_166 : i32
          %mul3A_168 = arith.constant 8 : i32
          %mul3A_169 = arith.muli %scan3A_110, %mul3A_168 : i32
          %add3A_170 = arith.addi %mul3A_167, %mul3A_169 : i32
          %add3A_171 = arith.constant 3 : i32
          %add3A_172 = arith.addi %add3A_170, %add3A_171 : i32
          %mul3A_173 = arith.constant 16 : i32
          %mul3A_174 = arith.muli %add3A_172, %mul3A_173 : i32
          %get3A_175 = arith.index_cast %mul3A_174 : i32 to index
          %get3A_176 = tpu.vector_load %arg13[%get3A_175] {strides = array<i32>} : memref<12288xf32, #tpu.memory_space<vmem>>, vector<16xf32>,
          %mul3A_177 = arith.constant 16 : i32
          %mul3A_178 = arith.muli %add3A_172, %mul3A_177 : i32
          %get3A_179 = arith.index_cast %mul3A_178 : i32 to index
          %get3A_180 = tpu.vector_load %arg15[%get3A_179] {strides = array<i32>} : memref<12288xf32, #tpu.memory_space<vmem>>, vector<16xf32>,
          %mul3A_181 = arith.mulf %get3A_176, %get3A_180 : vector<16xf32>
          %add3A_182 = arith.addf %scan3A_114, %mul3A_181 : vector<16xf32>
          %mul3A_183 = arith.constant 128 : i32
          %mul3A_184 = arith.muli %scan3A_95, %mul3A_183 : i32
          %mul3A_185 = arith.constant 8 : i32
          %mul3A_186 = arith.muli %scan3A_110, %mul3A_185 : i32
          %add3A_187 = arith.addi %mul3A_184, %mul3A_186 : i32
          %add3A_188 = arith.constant 4 : i32
          %add3A_189 = arith.addi %add3A_187, %add3A_188 : i32
          %mul3A_190 = arith.constant 16 : i32
          %mul3A_191 = arith.muli %add3A_189, %mul3A_190 : i32
          %get3A_192 = arith.index_cast %mul3A_191 : i32 to index
          %get3A_193 = tpu.vector_load %arg13[%get3A_192] {strides = array<i32>} : memref<12288xf32, #tpu.memory_space<vmem>>, vector<16xf32>,
          %mul3A_194 = arith.constant 16 : i32
          %mul3A_195 = arith.muli %add3A_189, %mul3A_194 : i32
          %get3A_196 = arith.index_cast %mul3A_195 : i32 to index
          %get3A_197 = tpu.vector_load %arg15[%get3A_196] {strides = array<i32>} : memref<12288xf32, #tpu.memory_space<vmem>>, vector<16xf32>,
          %mul3A_198 = arith.mulf %get3A_193, %get3A_197 : vector<16xf32>
          %add3A_199 = arith.addf %add3A_131, %mul3A_198 : vector<16xf32>
          %mul3A_200 = arith.constant 128 : i32
          %mul3A_201 = arith.muli %scan3A_95, %mul3A_200 : i32
          %mul3A_202 = arith.constant 8 : i32
          %mul3A_203 = arith.muli %scan3A_110, %mul3A_202 : i32
          %add3A_204 = arith.addi %mul3A_201, %mul3A_203 : i32
          %add3A_205 = arith.constant 5 : i32
          %add3A_206 = arith.addi %add3A_204, %add3A_205 : i32
          %mul3A_207 = arith.constant 16 : i32
          %mul3A_208 = arith.muli %add3A_206, %mul3A_207 : i32
          %get3A_209 = arith.index_cast %mul3A_208 : i32 to index
          %get3A_210 = tpu.vector_load %arg13[%get3A_209] {strides = array<i32>} : memref<12288xf32, #tpu.memory_space<vmem>>, vector<16xf32>,
          %mul3A_211 = arith.constant 16 : i32
          %mul3A_212 = arith.muli %add3A_206, %mul3A_211 : i32
          %get3A_213 = arith.index_cast %mul3A_212 : i32 to index
          %get3A_214 = tpu.vector_load %arg15[%get3A_213] {strides = array<i32>} : memref<12288xf32, #tpu.memory_space<vmem>>, vector<16xf32>,
          %mul3A_215 = arith.mulf %get3A_210, %get3A_214 : vector<16xf32>
          %add3A_216 = arith.addf %add3A_148, %mul3A_215 : vector<16xf32>
          %mul3A_217 = arith.constant 128 : i32
          %mul3A_218 = arith.muli %scan3A_95, %mul3A_217 : i32
          %mul3A_219 = arith.constant 8 : i32
          %mul3A_220 = arith.muli %scan3A_110, %mul3A_219 : i32
          %add3A_221 = arith.addi %mul3A_218, %mul3A_220 : i32
          %add3A_222 = arith.constant 6 : i32
          %add3A_223 = arith.addi %add3A_221, %add3A_222 : i32
          %mul3A_224 = arith.constant 16 : i32
          %mul3A_225 = arith.muli %add3A_223, %mul3A_224 : i32
          %get3A_226 = arith.index_cast %mul3A_225 : i32 to index
          %get3A_227 = tpu.vector_load %arg13[%get3A_226] {strides = array<i32>} : memref<12288xf32, #tpu.memory_space<vmem>>, vector<16xf32>,
          %mul3A_228 = arith.constant 16 : i32
          %mul3A_229 = arith.muli %add3A_223, %mul3A_228 : i32
          %get3A_230 = arith.index_cast %mul3A_229 : i32 to index
          %get3A_231 = tpu.vector_load %arg15[%get3A_230] {strides = array<i32>} : memref<12288xf32, #tpu.memory_space<vmem>>, vector<16xf32>,
          %mul3A_232 = arith.mulf %get3A_227, %get3A_231 : vector<16xf32>
          %add3A_233 = arith.addf %add3A_165, %mul3A_232 : vector<16xf32>
          %mul3A_234 = arith.constant 128 : i32
          %mul3A_235 = arith.muli %scan3A_95, %mul3A_234 : i32
          %mul3A_236 = arith.constant 8 : i32
          %mul3A_237 = arith.muli %scan3A_110, %mul3A_236 : i32
          %add3A_238 = arith.addi %mul3A_235, %mul3A_237 : i32
          %add3A_239 = arith.constant 7 : i32
          %add3A_240 = arith.addi %add3A_238, %add3A_239 : i32
          %mul3A_241 = arith.constant 16 : i32
          %mul3A_242 = arith.muli %add3A_240, %mul3A_241 : i32
          %get3A_243 = arith.index_cast %mul3A_242 : i32 to index
          %get3A_244 = tpu.vector_load %arg13[%get3A_243] {strides = array<i32>} : memref<12288xf32, #tpu.memory_space<vmem>>, vector<16xf32>,
          %mul3A_245 = arith.constant 16 : i32
          %mul3A_246 = arith.muli %add3A_240, %mul3A_245 : i32
          %get3A_247 = arith.index_cast %mul3A_246 : i32 to index
          %get3A_248 = tpu.vector_load %arg15[%get3A_247] {strides = array<i32>} : memref<12288xf32, #tpu.memory_space<vmem>>, vector<16xf32>,
          %mul3A_249 = arith.mulf %get3A_244, %get3A_248 : vector<16xf32>
          %add3A_250 = arith.addf %add3A_182, %mul3A_249 : vector<16xf32>
          scf.yield %add3A_199, %add3A_216, %add3A_233, %add3A_250 : vector<16xf32>, vector<16xf32>, vector<16xf32>, vector<16xf32>
        }
        %scan3A_102 = arith.constant 16 : i32
        %add3A_103 = arith.addf %scan3A_101#0, %scan3A_101#1 : vector<16xf32>
        %add3A_104 = arith.addf %scan3A_101#2, %scan3A_101#3 : vector<16xf32>
        %add3A_105 = arith.addf %add3A_103, %add3A_104 : vector<16xf32>
        %mul3A_106 = arith.constant 16 : i32
        %mul3A_107 = arith.muli %scan3A_95, %mul3A_106 : i32
        %swap3A = arith.index_cast %mul3A_107 : i32 to index
        %swap3A_108 = tpu.vector_load %arg22[%swap3A] {strides = array<i32>} : memref<96xf32, #tpu.memory_space<vmem>>, vector<16xf32>,
        tpu.vector_store %arg22[%swap3A], %add3A_105 {strides = array<i32>} : memref<96xf32, #tpu.memory_space<vmem>>, vector<16xf32>,
        %scan3A_109 = arith.constant 0 : i32
        scf.yield %scan3A_109 : i32
      }
      %scan3A_74 = arith.constant 6 : i32
      %mul3A_75 = arith.constant 96 : i32
      %mul3A_76 = arith.muli %sub3A_67, %mul3A_75 : i32
      %add3A_77 = arith.addi %mul3A_2, %mul3A_76 : i32
      "tpu.region"() ({
        %run_scoped3A = tpu.sem_alloc : memref<!tpu.dma_semaphore, #tpu.memory_space<semaphore_mem>>
        %dma_start3A = tpu.memref_slice %arg9[%add3A_77] : memref<92160xf32, #tpu.memory_space<hbm>> -> memref<96xf32, #tpu.memory_space<hbm>>
        %dma_start3A_95 = tpu.memref_slice %arg9[%add3A_77] : memref<92160xf32, #tpu.memory_space<hbm>> -> memref<96xf32, #tpu.memory_space<hbm>>
        tpu.enqueue_dma source(%arg22 : memref<96xf32, #tpu.memory_space<vmem>>) target(%dma_start3A_95 : memref<96xf32, #tpu.memory_space<hbm>>) target_semaphore(%run_scoped3A : memref<!tpu.dma_semaphore, #tpu.memory_space<semaphore_mem>>)
        %dma_wait3A_96 = tpu.memref_slice %arg9[%add3A_77] : memref<92160xf32, #tpu.memory_space<hbm>> -> memref<96xf32, #tpu.memory_space<hbm>>
        %dma_wait3A_97 = tpu.memref_slice %arg9[%add3A_77] : memref<92160xf32, #tpu.memory_space<hbm>> -> memref<96xf32, #tpu.memory_space<hbm>>
        tpu.wait_dma2 semaphore(%run_scoped3A : memref<!tpu.dma_semaphore, #tpu.memory_space<semaphore_mem>>) src(%arg22 : memref<96xf32, #tpu.memory_space<vmem>>) dst(%dma_wait3A_97 : memref<96xf32, #tpu.memory_space<hbm>>)
        tpu.yield
      }) : () -> ()
      %lt3A = arith.constant 14 : i32
      %lt3A_78 = arith.cmpi slt, %scan3A_46, %lt3A : i32
      %convert_element_type3A = arith.extui %lt3A_78 : i1 to i32
      %cond3A = arith.constant 0 : i32
      %cond3A_79 = arith.cmpi ne, %convert_element_type3A, %cond3A : i32
      scf.if %cond3A_79 {
        %add3A_95 = arith.constant 1 : i32
        %add3A_96 = arith.addi %add3A_51, %add3A_95 : i32
        %mul3A_97 = arith.constant 96 : i32
        %mul3A_98 = arith.muli %add3A_96, %mul3A_97 : i32
        %add3A_99 = arith.addi %mul3A_2, %mul3A_98 : i32
        %mul3A_100 = arith.constant 128 : i32
        %mul3A_101 = arith.muli %add3A_99, %mul3A_100 : i32
        "tpu.region"() ({
          %run_scoped3A = tpu.sem_alloc : memref<!tpu.dma_semaphore, #tpu.memory_space<semaphore_mem>>
          %dma_start3A = tpu.memref_slice %arg2[%mul3A_101] : memref<11796480xf32, #tpu.memory_space<hbm>> -> memref<12288xf32, #tpu.memory_space<hbm>>
          %dma_start3A_109 = tpu.memref_slice %arg2[%mul3A_101] : memref<11796480xf32, #tpu.memory_space<hbm>> -> memref<12288xf32, #tpu.memory_space<hbm>>
          tpu.enqueue_dma source(%dma_start3A_109 : memref<12288xf32, #tpu.memory_space<hbm>>) target(%arg10 : memref<12288xf32, #tpu.memory_space<vmem>>) target_semaphore(%run_scoped3A : memref<!tpu.dma_semaphore, #tpu.memory_space<semaphore_mem>>)
          %dma_wait3A_110 = tpu.memref_slice %arg2[%mul3A_101] : memref<11796480xf32, #tpu.memory_space<hbm>> -> memref<12288xf32, #tpu.memory_space<hbm>>
          %dma_wait3A_111 = tpu.memref_slice %arg2[%mul3A_101] : memref<11796480xf32, #tpu.memory_space<hbm>> -> memref<12288xf32, #tpu.memory_space<hbm>>
          tpu.wait_dma2 semaphore(%run_scoped3A : memref<!tpu.dma_semaphore, #tpu.memory_space<semaphore_mem>>) src(%dma_wait3A_111 : memref<12288xf32, #tpu.memory_space<hbm>>) dst(%arg10 : memref<12288xf32, #tpu.memory_space<vmem>>)
          tpu.yield
        }) : () -> ()
        "tpu.region"() ({
          %run_scoped3A = tpu.sem_alloc : memref<!tpu.dma_semaphore, #tpu.memory_space<semaphore_mem>>
          %dma_start3A = tpu.memref_slice %arg4[%add3A_99] : memref<92160xf32, #tpu.memory_space<hbm>> -> memref<96xf32, #tpu.memory_space<hbm>>
          %dma_start3A_109 = tpu.memref_slice %arg4[%add3A_99] : memref<92160xf32, #tpu.memory_space<hbm>> -> memref<96xf32, #tpu.memory_space<hbm>>
          tpu.enqueue_dma source(%dma_start3A_109 : memref<96xf32, #tpu.memory_space<hbm>>) target(%arg17 : memref<96xf32, #tpu.memory_space<vmem>>) target_semaphore(%run_scoped3A : memref<!tpu.dma_semaphore, #tpu.memory_space<semaphore_mem>>)
          %dma_wait3A_110 = tpu.memref_slice %arg4[%add3A_99] : memref<92160xf32, #tpu.memory_space<hbm>> -> memref<96xf32, #tpu.memory_space<hbm>>
          %dma_wait3A_111 = tpu.memref_slice %arg4[%add3A_99] : memref<92160xf32, #tpu.memory_space<hbm>> -> memref<96xf32, #tpu.memory_space<hbm>>
          tpu.wait_dma2 semaphore(%run_scoped3A : memref<!tpu.dma_semaphore, #tpu.memory_space<semaphore_mem>>) src(%dma_wait3A_111 : memref<96xf32, #tpu.memory_space<hbm>>) dst(%arg17 : memref<96xf32, #tpu.memory_space<vmem>>)
          tpu.yield
        }) : () -> ()
        "tpu.region"() ({
          %run_scoped3A = tpu.sem_alloc : memref<!tpu.dma_semaphore, #tpu.memory_space<semaphore_mem>>
          %dma_start3A = tpu.memref_slice %arg5[%add3A_99] : memref<92160xf32, #tpu.memory_space<hbm>> -> memref<96xf32, #tpu.memory_space<hbm>>
          %dma_start3A_109 = tpu.memref_slice %arg5[%add3A_99] : memref<92160xf32, #tpu.memory_space<hbm>> -> memref<96xf32, #tpu.memory_space<hbm>>
          tpu.enqueue_dma source(%dma_start3A_109 : memref<96xf32, #tpu.memory_space<hbm>>) target(%arg18 : memref<96xf32, #tpu.memory_space<vmem>>) target_semaphore(%run_scoped3A : memref<!tpu.dma_semaphore, #tpu.memory_space<semaphore_mem>>)
          %dma_wait3A_110 = tpu.memref_slice %arg5[%add3A_99] : memref<92160xf32, #tpu.memory_space<hbm>> -> memref<96xf32, #tpu.memory_space<hbm>>
          %dma_wait3A_111 = tpu.memref_slice %arg5[%add3A_99] : memref<92160xf32, #tpu.memory_space<hbm>> -> memref<96xf32, #tpu.memory_space<hbm>>
          tpu.wait_dma2 semaphore(%run_scoped3A : memref<!tpu.dma_semaphore, #tpu.memory_space<semaphore_mem>>) src(%dma_wait3A_111 : memref<96xf32, #tpu.memory_space<hbm>>) dst(%arg18 : memref<96xf32, #tpu.memory_space<vmem>>)
          tpu.yield
        }) : () -> ()
        "tpu.region"() ({
          %run_scoped3A = tpu.sem_alloc : memref<!tpu.dma_semaphore, #tpu.memory_space<semaphore_mem>>
          %dma_start3A = tpu.memref_slice %arg6[%add3A_99] : memref<92160xf32, #tpu.memory_space<hbm>> -> memref<96xf32, #tpu.memory_space<hbm>>
          %dma_start3A_109 = tpu.memref_slice %arg6[%add3A_99] : memref<92160xf32, #tpu.memory_space<hbm>> -> memref<96xf32, #tpu.memory_space<hbm>>
          tpu.enqueue_dma source(%dma_start3A_109 : memref<96xf32, #tpu.memory_space<hbm>>) target(%arg19 : memref<96xf32, #tpu.memory_space<vmem>>) target_semaphore(%run_scoped3A : memref<!tpu.dma_semaphore, #tpu.memory_space<semaphore_mem>>)
          %dma_wait3A_110 = tpu.memref_slice %arg6[%add3A_99] : memref<92160xf32, #tpu.memory_space<hbm>> -> memref<96xf32, #tpu.memory_space<hbm>>
          %dma_wait3A_111 = tpu.memref_slice %arg6[%add3A_99] : memref<92160xf32, #tpu.memory_space<hbm>> -> memref<96xf32, #tpu.memory_space<hbm>>
          tpu.wait_dma2 semaphore(%run_scoped3A : memref<!tpu.dma_semaphore, #tpu.memory_space<semaphore_mem>>) src(%dma_wait3A_111 : memref<96xf32, #tpu.memory_space<hbm>>) dst(%arg19 : memref<96xf32, #tpu.memory_space<vmem>>)
          tpu.yield
        }) : () -> ()
        "tpu.region"() ({
          %run_scoped3A = tpu.sem_alloc : memref<!tpu.dma_semaphore, #tpu.memory_space<semaphore_mem>>
          %dma_start3A = tpu.memref_slice %arg7[%add3A_99] : memref<92160xf32, #tpu.memory_space<hbm>> -> memref<96xf32, #tpu.memory_space<hbm>>
          %dma_start3A_109 = tpu.memref_slice %arg7[%add3A_99] : memref<92160xf32, #tpu.memory_space<hbm>> -> memref<96xf32, #tpu.memory_space<hbm>>
          tpu.enqueue_dma source(%dma_start3A_109 : memref<96xf32, #tpu.memory_space<hbm>>) target(%arg20 : memref<96xf32, #tpu.memory_space<vmem>>) target_semaphore(%run_scoped3A : memref<!tpu.dma_semaphore, #tpu.memory_space<semaphore_mem>>)
          %dma_wait3A_110 = tpu.memref_slice %arg7[%add3A_99] : memref<92160xf32, #tpu.memory_space<hbm>> -> memref<96xf32, #tpu.memory_space<hbm>>
          %dma_wait3A_111 = tpu.memref_slice %arg7[%add3A_99] : memref<92160xf32, #tpu.memory_space<hbm>> -> memref<96xf32, #tpu.memory_space<hbm>>
          tpu.wait_dma2 semaphore(%run_scoped3A : memref<!tpu.dma_semaphore, #tpu.memory_space<semaphore_mem>>) src(%dma_wait3A_111 : memref<96xf32, #tpu.memory_space<hbm>>) dst(%arg20 : memref<96xf32, #tpu.memory_space<vmem>>)
          tpu.yield
        }) : () -> ()
        %scan3A_102 = arith.constant 0 : i32
        %scan3A_103 = arith.constant 0 : i32
        %scan3A_104 = arith.constant 6 : i32
        %scan3A_105 = arith.addi %scan3A_103, %scan3A_104 : i32
        %scan3A_106 = arith.constant 1 : i32
        %scan3A_107 = scf.for %scan3A_109 = %scan3A_103 to %scan3A_105 step %scan3A_106 iter_args(%scan3A_110 = %scan3A_102) -> (i32)  : i32 {
          %mul3A_111 = arith.constant 16 : i32
          %mul3A_112 = arith.muli %scan3A_109, %mul3A_111 : i32
          %get3A_113 = arith.index_cast %mul3A_112 : i32 to index
          %get3A_114 = tpu.vector_load %arg17[%get3A_113] {strides = array<i32>} : memref<96xf32, #tpu.memory_space<vmem>>, vector<16xf32>,
          %mul3A_115 = arith.constant 16 : i32
          %mul3A_116 = arith.muli %scan3A_109, %mul3A_115 : i32
          %get3A_117 = arith.index_cast %mul3A_116 : i32 to index
          %get3A_118 = tpu.vector_load %arg18[%get3A_117] {strides = array<i32>} : memref<96xf32, #tpu.memory_space<vmem>>, vector<16xf32>,
          %mul3A_119 = arith.constant 16 : i32
          %mul3A_120 = arith.muli %scan3A_109, %mul3A_119 : i32
          %get3A_121 = arith.index_cast %mul3A_120 : i32 to index
          %get3A_122 = tpu.vector_load %arg19[%get3A_121] {strides = array<i32>} : memref<96xf32, #tpu.memory_space<vmem>>, vector<16xf32>,
          %sub3A_123 = arith.subf %get3A_122, %get3A_114 : vector<16xf32>
          %mul3A_124 = arith.constant 16 : i32
          %mul3A_125 = arith.muli %scan3A_109, %mul3A_124 : i32
          %get3A_126 = arith.index_cast %mul3A_125 : i32 to index
          %get3A_127 = tpu.vector_load %arg20[%get3A_126] {strides = array<i32>} : memref<96xf32, #tpu.memory_space<vmem>>, vector<16xf32>,
          %sub3A_128 = arith.subf %get3A_127, %get3A_118 : vector<16xf32>
          %mul3A_129 = arith.mulf %sub3A_123, %sub3A_123 : vector<16xf32>
          %mul3A_130 = arith.mulf %sub3A_128, %sub3A_128 : vector<16xf32>
          %add3A_131 = arith.addf %mul3A_129, %mul3A_130 : vector<16xf32>
          %bitcast_convert_type3A = tpu.bitcast %add3A_131 : vector<16xf32> -> vector<16xi32>
          %shift_right_logical3A = arith.constant 1 : i32
          %shift_right_logical3A_132 = vector.broadcast %shift_right_logical3A : i32 to vector<16xi32>
          %shift_right_logical3A_133 = arith.shrui %bitcast_convert_type3A, %shift_right_logical3A_132 : vector<16xi32>
          %sub3A_134 = arith.constant 1597463007 : i32
          %sub3A_135 = vector.broadcast %sub3A_134 : i32 to vector<16xi32>
          %sub3A_136 = arith.subi %sub3A_135, %shift_right_logical3A_133 : vector<16xi32>
          %bitcast_convert_type3A_137 = tpu.bitcast %sub3A_136 : vector<16xi32> -> vector<16xf32>
          %mul3A_138 = arith.constant 5.000000e-01 : f32
          %mul3A_139 = vector.broadcast %mul3A_138 : f32 to vector<16xf32>
          %mul3A_140 = arith.mulf %mul3A_139, %add3A_131 : vector<16xf32>
          %mul3A_141 = arith.mulf %mul3A_140, %bitcast_convert_type3A_137 : vector<16xf32>
          %mul3A_142 = arith.mulf %mul3A_141, %bitcast_convert_type3A_137 : vector<16xf32>
          %sub3A_143 = arith.constant 1.500000e+00 : f32
          %sub3A_144 = vector.broadcast %sub3A_143 : f32 to vector<16xf32>
          %sub3A_145 = arith.subf %sub3A_144, %mul3A_142 : vector<16xf32>
          %mul3A_146 = arith.mulf %bitcast_convert_type3A_137, %sub3A_145 : vector<16xf32>
          %mul3A_147 = arith.mulf %mul3A_140, %mul3A_146 : vector<16xf32>
          %mul3A_148 = arith.mulf %mul3A_147, %mul3A_146 : vector<16xf32>
          %sub3A_149 = arith.constant 1.500000e+00 : f32
          %sub3A_150 = vector.broadcast %sub3A_149 : f32 to vector<16xf32>
          %sub3A_151 = arith.subf %sub3A_150, %mul3A_148 : vector<16xf32>
          %mul3A_152 = arith.mulf %mul3A_146, %sub3A_151 : vector<16xf32>
          %mul3A_153 = arith.mulf %mul3A_140, %mul3A_152 : vector<16xf32>
          %mul3A_154 = arith.mulf %mul3A_153, %mul3A_152 : vector<16xf32>
          %sub3A_155 = arith.constant 1.500000e+00 : f32
          %sub3A_156 = vector.broadcast %sub3A_155 : f32 to vector<16xf32>
          %sub3A_157 = arith.subf %sub3A_156, %mul3A_154 : vector<16xf32>
          %mul3A_158 = arith.mulf %mul3A_152, %sub3A_157 : vector<16xf32>
          %mul3A_159 = arith.mulf %add3A_131, %mul3A_158 : vector<16xf32>
          %mul3A_160 = arith.constant 16 : i32
          %mul3A_161 = arith.muli %scan3A_109, %mul3A_160 : i32
          %add3A_162 = vector.broadcast %mul3A_161 : i32 to vector<16xi32>
          %add3A_163 = arith.addi %add3A_162, %iota3A : vector<16xi32>
          %mul3A_164 = arith.constant 128 : i32
          %mul3A_165 = vector.broadcast %mul3A_164 : i32 to vector<16xi32>
          %mul3A_166 = arith.muli %add3A_163, %mul3A_165 : vector<16xi32>
          %gather3A = tpu.vector_load_idx %arg10[%mul3A_166] : memref<12288xf32, #tpu.memory_space<vmem>>[vector<16xi32>], vector<16xf32>,
          %mul3A_167 = arith.mulf %gather3A, %sub3A_123 : vector<16xf32>
          %add3A_168 = arith.addf %get3A_114, %mul3A_167 : vector<16xf32>
          %mul3A_169 = arith.mulf %gather3A, %sub3A_128 : vector<16xf32>
          %add3A_170 = arith.addf %get3A_118, %mul3A_169 : vector<16xf32>
          %parallel_loop3A = arith.constant 0 : i32
          %parallel_loop3A_171 = arith.constant 127 : i32
          %parallel_loop3A_172 = arith.constant 1 : i32
          %parallel_loop3A_173:4 = scf.for %parallel_loop3A_382 = %parallel_loop3A to %parallel_loop3A_171 step %parallel_loop3A_172 iter_args(%parallel_loop3A_383 = %mul3A_166, %parallel_loop3A_384 = %gather3A, %parallel_loop3A_385 = %add3A_168, %parallel_loop3A_386 = %add3A_170) -> (vector<16xi32>, vector<16xf32>, vector<16xf32>, vector<16xf32>)  : i32 {
            %parallel_loop3A_387 = arith.constant 1 : i32
            %parallel_loop3A_388 = vector.broadcast %parallel_loop3A_387 : i32 to vector<16xi32>
            %parallel_loop3A_389 = arith.addi %parallel_loop3A_383, %parallel_loop3A_388 : vector<16xi32>
            %parallel_loop3A_390 = tpu.vector_load_idx %arg10[%parallel_loop3A_389] : memref<12288xf32, #tpu.memory_space<vmem>>[vector<16xi32>], vector<16xf32>,
            %parallel_loop3A_391 = arith.mulf %parallel_loop3A_390, %sub3A_123 : vector<16xf32>
            %parallel_loop3A_392 = arith.addf %get3A_114, %parallel_loop3A_391 : vector<16xf32>
            %parallel_loop3A_393 = arith.mulf %parallel_loop3A_390, %sub3A_128 : vector<16xf32>
            %parallel_loop3A_394 = arith.addf %get3A_118, %parallel_loop3A_393 : vector<16xf32>
            %parallel_loop3A_395 = arith.addf %parallel_loop3A_385, %parallel_loop3A_392 : vector<16xf32>
            %parallel_loop3A_396 = arith.constant 5.000000e-01 : f32
            %parallel_loop3A_397 = vector.broadcast %parallel_loop3A_396 : f32 to vector<16xf32>
            %parallel_loop3A_398 = arith.mulf %parallel_loop3A_397, %parallel_loop3A_395 : vector<16xf32>
            %parallel_loop3A_399 = arith.addf %parallel_loop3A_386, %parallel_loop3A_394 : vector<16xf32>
            %parallel_loop3A_400 = arith.constant 5.000000e-01 : f32
            %parallel_loop3A_401 = vector.broadcast %parallel_loop3A_400 : f32 to vector<16xf32>
            %parallel_loop3A_402 = arith.mulf %parallel_loop3A_401, %parallel_loop3A_399 : vector<16xf32>
            %parallel_loop3A_403 = arith.subf %parallel_loop3A_398, %get3A_21 : vector<16xf32>
            %parallel_loop3A_404 = arith.subf %parallel_loop3A_402, %get3A_25 : vector<16xf32>
            %parallel_loop3A_405 = arith.mulf %get3A_5, %parallel_loop3A_403 : vector<16xf32>
            %parallel_loop3A_406 = arith.mulf %get3A_9, %parallel_loop3A_404 : vector<16xf32>
            %parallel_loop3A_407 = arith.addf %parallel_loop3A_405, %parallel_loop3A_406 : vector<16xf32>
            %parallel_loop3A_408 = arith.mulf %get3A_13, %parallel_loop3A_403 : vector<16xf32>
            %parallel_loop3A_409 = arith.mulf %get3A_17, %parallel_loop3A_404 : vector<16xf32>
            %parallel_loop3A_410 = arith.addf %parallel_loop3A_408, %parallel_loop3A_409 : vector<16xf32>
            %parallel_loop3A_411 = arith.constant 0x4B400000 : f32
            %parallel_loop3A_412 = vector.broadcast %parallel_loop3A_411 : f32 to vector<16xf32>
            %parallel_loop3A_413 = arith.addf %parallel_loop3A_407, %parallel_loop3A_412 : vector<16xf32>
            %parallel_loop3A_414 = tpu.bitcast %parallel_loop3A_413 : vector<16xf32> -> vector<16xi32>
            %parallel_loop3A_415 = arith.constant 1262485504 : i32
            %parallel_loop3A_416 = vector.broadcast %parallel_loop3A_415 : i32 to vector<16xi32>
            %parallel_loop3A_417 = arith.subi %parallel_loop3A_414, %parallel_loop3A_416 : vector<16xi32>
            %parallel_loop3A_418 = arith.constant 0x4B400000 : f32
            %parallel_loop3A_419 = vector.broadcast %parallel_loop3A_418 : f32 to vector<16xf32>
            %parallel_loop3A_420 = arith.addf %parallel_loop3A_410, %parallel_loop3A_419 : vector<16xf32>
            %parallel_loop3A_421 = tpu.bitcast %parallel_loop3A_420 : vector<16xf32> -> vector<16xi32>
            %parallel_loop3A_422 = arith.constant 1262485504 : i32
            %parallel_loop3A_423 = vector.broadcast %parallel_loop3A_422 : i32 to vector<16xi32>
            %parallel_loop3A_424 = arith.subi %parallel_loop3A_421, %parallel_loop3A_423 : vector<16xi32>
            %parallel_loop3A_425 = arith.ori %parallel_loop3A_417, %parallel_loop3A_424 : vector<16xi32>
            %parallel_loop3A_426 = tpu.bitcast %parallel_loop3A_425 : vector<16xi32> -> vector<16xi32>
            %parallel_loop3A_427 = arith.constant 512 : i32
            %parallel_loop3A_428 = vector.broadcast %parallel_loop3A_427 : i32 to vector<16xi32>
            %parallel_loop3A_429 = arith.cmpi ult, %parallel_loop3A_426, %parallel_loop3A_428 : vector<16xi32>
            %parallel_loop3A_430 = arith.constant 9 : i32
            %parallel_loop3A_431 = vector.broadcast %parallel_loop3A_430 : i32 to vector<16xi32>
            %parallel_loop3A_432 = arith.shli %parallel_loop3A_417, %parallel_loop3A_431 : vector<16xi32>
            %parallel_loop3A_433 = arith.ori %parallel_loop3A_432, %parallel_loop3A_424 : vector<16xi32>
            %parallel_loop3A_434 = arith.subf %parallel_loop3A_390, %parallel_loop3A_384 : vector<16xf32>
            %parallel_loop3A_435 = arith.mulf %parallel_loop3A_434, %mul3A_159 : vector<16xf32>
            %parallel_loop3A_436 = arith.constant 0 : i32
            %parallel_loop3A_437 = vector.broadcast %parallel_loop3A_436 : i32 to vector<16xi32>
            %parallel_loop3A_438 = arith.select %parallel_loop3A_429, %parallel_loop3A_433, %parallel_loop3A_437 : vector<16xi1>, vector<16xi32>
            %parallel_loop3A_439 = arith.constant 0.000000e+00 : f32
            %parallel_loop3A_440 = vector.broadcast %parallel_loop3A_439 : f32 to vector<16xf32>
            %parallel_loop3A_441 = arith.select %parallel_loop3A_429, %parallel_loop3A_435, %parallel_loop3A_440 : vector<16xi1>, vector<16xf32>
            %parallel_loop3A_442 = arith.constant 128 : i32
            %parallel_loop3A_443 = arith.muli %scan3A_109, %parallel_loop3A_442 : i32
            %parallel_loop3A_444 = arith.addi %parallel_loop3A_443, %parallel_loop3A_382 : i32
            %parallel_loop3A_445 = arith.constant 3 : i32
            %parallel_loop3A_446 = arith.shrsi %parallel_loop3A_444, %parallel_loop3A_445 : i32
            %parallel_loop3A_447 = arith.constant 7 : i32
            %parallel_loop3A_448 = arith.andi %parallel_loop3A_444, %parallel_loop3A_447 : i32
            %parallel_loop3A_449 = arith.constant 16 : i32
            %parallel_loop3A_450 = arith.muli %parallel_loop3A_448, %parallel_loop3A_449 : i32
            %parallel_loop3A_451 = arith.index_cast %parallel_loop3A_446 : i32 to index
            %parallel_loop3A_452 = arith.index_cast %parallel_loop3A_450 : i32 to index
            %parallel_loop3A_453 = tpu.vector_load %arg11[%parallel_loop3A_451, %parallel_loop3A_452] {strides = array<i32>} : memref<96x128xi32, #tpu.memory_space<vmem>>, vector<16xi32>,
            tpu.vector_store %arg11[%parallel_loop3A_451, %parallel_loop3A_452], %parallel_loop3A_438 {strides = array<i32>} : memref<96x128xi32, #tpu.memory_space<vmem>>, vector<16xi32>,
            %parallel_loop3A_454 = arith.constant 16 : i32
            %parallel_loop3A_455 = arith.muli %parallel_loop3A_444, %parallel_loop3A_454 : i32
            %parallel_loop3A_456 = arith.index_cast %parallel_loop3A_455 : i32 to index
            %parallel_loop3A_457 = tpu.vector_load %arg15[%parallel_loop3A_456] {strides = array<i32>} : memref<12288xf32, #tpu.memory_space<vmem>>, vector<16xf32>,
            tpu.vector_store %arg15[%parallel_loop3A_456], %parallel_loop3A_441 {strides = array<i32>} : memref<12288xf32, #tpu.memory_space<vmem>>, vector<16xf32>,
            scf.yield %parallel_loop3A_389, %parallel_loop3A_390, %parallel_loop3A_392, %parallel_loop3A_394 : vector<16xi32>, vector<16xf32>, vector<16xf32>, vector<16xf32>
          } {sc.loop_unroll_factor = 8 : i64, sc.parallel_access}
          %mul3A_174 = arith.constant 16 : i32
          %mul3A_175 = arith.muli %scan3A_109, %mul3A_174 : i32
          %add3A_176 = arith.constant 15 : i32
          %add3A_177 = arith.addi %mul3A_175, %add3A_176 : i32
          %swap3A = arith.index_cast %add3A_177 : i32 to index
          %swap3A_178 = arith.constant 112 : index
          %swap3A_179 = tpu.vector_load %arg11[%swap3A, %swap3A_178] {strides = array<i32>} : memref<96x128xi32, #tpu.memory_space<vmem>>, vector<16xi32>,
          tpu.vector_store %arg11[%swap3A, %swap3A_178], %broadcast_in_dim3A_26 {strides = array<i32>} : memref<96x128xi32, #tpu.memory_space<vmem>>, vector<16xi32>,
          %mul3A_180 = arith.constant 128 : i32
          %mul3A_181 = arith.muli %scan3A_109, %mul3A_180 : i32
          %add3A_182 = arith.constant 128 : i32
          %add3A_183 = arith.addi %mul3A_181, %add3A_182 : i32
          %sub3A_184 = arith.constant 1 : i32
          %sub3A_185 = arith.subi %add3A_183, %sub3A_184 : i32
          %mul3A_186 = arith.constant 16 : i32
          %mul3A_187 = arith.muli %sub3A_185, %mul3A_186 : i32
          %swap3A_188 = arith.index_cast %mul3A_187 : i32 to index
          %swap3A_189 = tpu.vector_load %arg15[%swap3A_188] {strides = array<i32>} : memref<12288xf32, #tpu.memory_space<vmem>>, vector<16xf32>,
          tpu.vector_store %arg15[%swap3A_188], %broadcast_in_dim3A_28 {strides = array<i32>} : memref<12288xf32, #tpu.memory_space<vmem>>, vector<16xf32>,
          %mul3A_190 = arith.constant 16 : i32
          %mul3A_191 = arith.muli %scan3A_109, %mul3A_190 : i32
          %add3A_192 = arith.constant 0 : i32
          %add3A_193 = arith.addi %mul3A_191, %add3A_192 : i32
          %mul3A_194 = arith.constant 128 : i32
          %mul3A_195 = arith.muli %add3A_193, %mul3A_194 : i32
          %dma_start3A = tpu.memref_slice %arg13[%mul3A_195] : memref<12288xf32, #tpu.memory_space<vmem>> -> memref<128xf32, #tpu.memory_space<vmem>>
          %dma_start3A_196 = arith.constant 0 : i32
          %dma_start3A_197 = tpu.memref_slice %arg11[%add3A_193, %dma_start3A_196] : memref<96x128xi32, #tpu.memory_space<vmem>> -> memref<1x128xi32, #tpu.memory_space<vmem>>
          %dma_start3A_198 = tpu.memref_squeeze %dma_start3A_197 : memref<1x128xi32, #tpu.memory_space<vmem>> -> memref<128xi32, #tpu.memory_space<vmem>>
          %dma_start3A_199 = arith.constant 0 : i32
          %dma_start3A_200 = tpu.memref_slice %arg3[%dma_start3A_199] : memref<262144xf32, #tpu.memory_space<hbm>> -> memref<262144xf32, #tpu.memory_space<hbm>>
          tpu.enqueue_indirect_dma source(%dma_start3A_200 : memref<262144xf32, #tpu.memory_space<hbm>>) target(%dma_start3A : memref<128xf32, #tpu.memory_space<vmem>>) offsets(%dma_start3A_198 : memref<128xi32, #tpu.memory_space<vmem>>) semaphore(%arg23 : memref<!tpu.dma_semaphore, #tpu.memory_space<semaphore_mem>>)
          %mul3A_201 = arith.constant 16 : i32
          %mul3A_202 = arith.muli %scan3A_109, %mul3A_201 : i32
          %add3A_203 = arith.constant 1 : i32
          %add3A_204 = arith.addi %mul3A_202, %add3A_203 : i32
          %mul3A_205 = arith.constant 128 : i32
          %mul3A_206 = arith.muli %add3A_204, %mul3A_205 : i32
          %dma_start3A_207 = tpu.memref_slice %arg13[%mul3A_206] : memref<12288xf32, #tpu.memory_space<vmem>> -> memref<128xf32, #tpu.memory_space<vmem>>
          %dma_start3A_208 = arith.constant 0 : i32
          %dma_start3A_209 = tpu.memref_slice %arg11[%add3A_204, %dma_start3A_208] : memref<96x128xi32, #tpu.memory_space<vmem>> -> memref<1x128xi32, #tpu.memory_space<vmem>>
          %dma_start3A_210 = tpu.memref_squeeze %dma_start3A_209 : memref<1x128xi32, #tpu.memory_space<vmem>> -> memref<128xi32, #tpu.memory_space<vmem>>
          %dma_start3A_211 = arith.constant 0 : i32
          %dma_start3A_212 = tpu.memref_slice %arg3[%dma_start3A_211] : memref<262144xf32, #tpu.memory_space<hbm>> -> memref<262144xf32, #tpu.memory_space<hbm>>
          tpu.enqueue_indirect_dma source(%dma_start3A_212 : memref<262144xf32, #tpu.memory_space<hbm>>) target(%dma_start3A_207 : memref<128xf32, #tpu.memory_space<vmem>>) offsets(%dma_start3A_210 : memref<128xi32, #tpu.memory_space<vmem>>) semaphore(%arg23 : memref<!tpu.dma_semaphore, #tpu.memory_space<semaphore_mem>>)
          %mul3A_213 = arith.constant 16 : i32
          %mul3A_214 = arith.muli %scan3A_109, %mul3A_213 : i32
          %add3A_215 = arith.constant 2 : i32
          %add3A_216 = arith.addi %mul3A_214, %add3A_215 : i32
          %mul3A_217 = arith.constant 128 : i32
          %mul3A_218 = arith.muli %add3A_216, %mul3A_217 : i32
          %dma_start3A_219 = tpu.memref_slice %arg13[%mul3A_218] : memref<12288xf32, #tpu.memory_space<vmem>> -> memref<128xf32, #tpu.memory_space<vmem>>
          %dma_start3A_220 = arith.constant 0 : i32
          %dma_start3A_221 = tpu.memref_slice %arg11[%add3A_216, %dma_start3A_220] : memref<96x128xi32, #tpu.memory_space<vmem>> -> memref<1x128xi32, #tpu.memory_space<vmem>>
          %dma_start3A_222 = tpu.memref_squeeze %dma_start3A_221 : memref<1x128xi32, #tpu.memory_space<vmem>> -> memref<128xi32, #tpu.memory_space<vmem>>
          %dma_start3A_223 = arith.constant 0 : i32
          %dma_start3A_224 = tpu.memref_slice %arg3[%dma_start3A_223] : memref<262144xf32, #tpu.memory_space<hbm>> -> memref<262144xf32, #tpu.memory_space<hbm>>
          tpu.enqueue_indirect_dma source(%dma_start3A_224 : memref<262144xf32, #tpu.memory_space<hbm>>) target(%dma_start3A_219 : memref<128xf32, #tpu.memory_space<vmem>>) offsets(%dma_start3A_222 : memref<128xi32, #tpu.memory_space<vmem>>) semaphore(%arg23 : memref<!tpu.dma_semaphore, #tpu.memory_space<semaphore_mem>>)
          %mul3A_225 = arith.constant 16 : i32
          %mul3A_226 = arith.muli %scan3A_109, %mul3A_225 : i32
          %add3A_227 = arith.constant 3 : i32
          %add3A_228 = arith.addi %mul3A_226, %add3A_227 : i32
          %mul3A_229 = arith.constant 128 : i32
          %mul3A_230 = arith.muli %add3A_228, %mul3A_229 : i32
          %dma_start3A_231 = tpu.memref_slice %arg13[%mul3A_230] : memref<12288xf32, #tpu.memory_space<vmem>> -> memref<128xf32, #tpu.memory_space<vmem>>
          %dma_start3A_232 = arith.constant 0 : i32
          %dma_start3A_233 = tpu.memref_slice %arg11[%add3A_228, %dma_start3A_232] : memref<96x128xi32, #tpu.memory_space<vmem>> -> memref<1x128xi32, #tpu.memory_space<vmem>>
          %dma_start3A_234 = tpu.memref_squeeze %dma_start3A_233 : memref<1x128xi32, #tpu.memory_space<vmem>> -> memref<128xi32, #tpu.memory_space<vmem>>
          %dma_start3A_235 = arith.constant 0 : i32
          %dma_start3A_236 = tpu.memref_slice %arg3[%dma_start3A_235] : memref<262144xf32, #tpu.memory_space<hbm>> -> memref<262144xf32, #tpu.memory_space<hbm>>
          tpu.enqueue_indirect_dma source(%dma_start3A_236 : memref<262144xf32, #tpu.memory_space<hbm>>) target(%dma_start3A_231 : memref<128xf32, #tpu.memory_space<vmem>>) offsets(%dma_start3A_234 : memref<128xi32, #tpu.memory_space<vmem>>) semaphore(%arg23 : memref<!tpu.dma_semaphore, #tpu.memory_space<semaphore_mem>>)
          %mul3A_237 = arith.constant 16 : i32
          %mul3A_238 = arith.muli %scan3A_109, %mul3A_237 : i32
          %add3A_239 = arith.constant 4 : i32
          %add3A_240 = arith.addi %mul3A_238, %add3A_239 : i32
          %mul3A_241 = arith.constant 128 : i32
          %mul3A_242 = arith.muli %add3A_240, %mul3A_241 : i32
          %dma_start3A_243 = tpu.memref_slice %arg13[%mul3A_242] : memref<12288xf32, #tpu.memory_space<vmem>> -> memref<128xf32, #tpu.memory_space<vmem>>
          %dma_start3A_244 = arith.constant 0 : i32
          %dma_start3A_245 = tpu.memref_slice %arg11[%add3A_240, %dma_start3A_244] : memref<96x128xi32, #tpu.memory_space<vmem>> -> memref<1x128xi32, #tpu.memory_space<vmem>>
          %dma_start3A_246 = tpu.memref_squeeze %dma_start3A_245 : memref<1x128xi32, #tpu.memory_space<vmem>> -> memref<128xi32, #tpu.memory_space<vmem>>
          %dma_start3A_247 = arith.constant 0 : i32
          %dma_start3A_248 = tpu.memref_slice %arg3[%dma_start3A_247] : memref<262144xf32, #tpu.memory_space<hbm>> -> memref<262144xf32, #tpu.memory_space<hbm>>
          tpu.enqueue_indirect_dma source(%dma_start3A_248 : memref<262144xf32, #tpu.memory_space<hbm>>) target(%dma_start3A_243 : memref<128xf32, #tpu.memory_space<vmem>>) offsets(%dma_start3A_246 : memref<128xi32, #tpu.memory_space<vmem>>) semaphore(%arg23 : memref<!tpu.dma_semaphore, #tpu.memory_space<semaphore_mem>>)
          %mul3A_249 = arith.constant 16 : i32
          %mul3A_250 = arith.muli %scan3A_109, %mul3A_249 : i32
          %add3A_251 = arith.constant 5 : i32
          %add3A_252 = arith.addi %mul3A_250, %add3A_251 : i32
          %mul3A_253 = arith.constant 128 : i32
          %mul3A_254 = arith.muli %add3A_252, %mul3A_253 : i32
          %dma_start3A_255 = tpu.memref_slice %arg13[%mul3A_254] : memref<12288xf32, #tpu.memory_space<vmem>> -> memref<128xf32, #tpu.memory_space<vmem>>
          %dma_start3A_256 = arith.constant 0 : i32
          %dma_start3A_257 = tpu.memref_slice %arg11[%add3A_252, %dma_start3A_256] : memref<96x128xi32, #tpu.memory_space<vmem>> -> memref<1x128xi32, #tpu.memory_space<vmem>>
          %dma_start3A_258 = tpu.memref_squeeze %dma_start3A_257 : memref<1x128xi32, #tpu.memory_space<vmem>> -> memref<128xi32, #tpu.memory_space<vmem>>
          %dma_start3A_259 = arith.constant 0 : i32
          %dma_start3A_260 = tpu.memref_slice %arg3[%dma_start3A_259] : memref<262144xf32, #tpu.memory_space<hbm>> -> memref<262144xf32, #tpu.memory_space<hbm>>
          tpu.enqueue_indirect_dma source(%dma_start3A_260 : memref<262144xf32, #tpu.memory_space<hbm>>) target(%dma_start3A_255 : memref<128xf32, #tpu.memory_space<vmem>>) offsets(%dma_start3A_258 : memref<128xi32, #tpu.memory_space<vmem>>) semaphore(%arg23 : memref<!tpu.dma_semaphore, #tpu.memory_space<semaphore_mem>>)
          %mul3A_261 = arith.constant 16 : i32
          %mul3A_262 = arith.muli %scan3A_109, %mul3A_261 : i32
          %add3A_263 = arith.constant 6 : i32
          %add3A_264 = arith.addi %mul3A_262, %add3A_263 : i32
          %mul3A_265 = arith.constant 128 : i32
          %mul3A_266 = arith.muli %add3A_264, %mul3A_265 : i32
          %dma_start3A_267 = tpu.memref_slice %arg13[%mul3A_266] : memref<12288xf32, #tpu.memory_space<vmem>> -> memref<128xf32, #tpu.memory_space<vmem>>
          %dma_start3A_268 = arith.constant 0 : i32
          %dma_start3A_269 = tpu.memref_slice %arg11[%add3A_264, %dma_start3A_268] : memref<96x128xi32, #tpu.memory_space<vmem>> -> memref<1x128xi32, #tpu.memory_space<vmem>>
          %dma_start3A_270 = tpu.memref_squeeze %dma_start3A_269 : memref<1x128xi32, #tpu.memory_space<vmem>> -> memref<128xi32, #tpu.memory_space<vmem>>
          %dma_start3A_271 = arith.constant 0 : i32
          %dma_start3A_272 = tpu.memref_slice %arg3[%dma_start3A_271] : memref<262144xf32, #tpu.memory_space<hbm>> -> memref<262144xf32, #tpu.memory_space<hbm>>
          tpu.enqueue_indirect_dma source(%dma_start3A_272 : memref<262144xf32, #tpu.memory_space<hbm>>) target(%dma_start3A_267 : memref<128xf32, #tpu.memory_space<vmem>>) offsets(%dma_start3A_270 : memref<128xi32, #tpu.memory_space<vmem>>) semaphore(%arg23 : memref<!tpu.dma_semaphore, #tpu.memory_space<semaphore_mem>>)
          %mul3A_273 = arith.constant 16 : i32
          %mul3A_274 = arith.muli %scan3A_109, %mul3A_273 : i32
          %add3A_275 = arith.constant 7 : i32
          %add3A_276 = arith.addi %mul3A_274, %add3A_275 : i32
          %mul3A_277 = arith.constant 128 : i32
          %mul3A_278 = arith.muli %add3A_276, %mul3A_277 : i32
          %dma_start3A_279 = tpu.memref_slice %arg13[%mul3A_278] : memref<12288xf32, #tpu.memory_space<vmem>> -> memref<128xf32, #tpu.memory_space<vmem>>
          %dma_start3A_280 = arith.constant 0 : i32
          %dma_start3A_281 = tpu.memref_slice %arg11[%add3A_276, %dma_start3A_280] : memref<96x128xi32, #tpu.memory_space<vmem>> -> memref<1x128xi32, #tpu.memory_space<vmem>>
          %dma_start3A_282 = tpu.memref_squeeze %dma_start3A_281 : memref<1x128xi32, #tpu.memory_space<vmem>> -> memref<128xi32, #tpu.memory_space<vmem>>
          %dma_start3A_283 = arith.constant 0 : i32
          %dma_start3A_284 = tpu.memref_slice %arg3[%dma_start3A_283] : memref<262144xf32, #tpu.memory_space<hbm>> -> memref<262144xf32, #tpu.memory_space<hbm>>
          tpu.enqueue_indirect_dma source(%dma_start3A_284 : memref<262144xf32, #tpu.memory_space<hbm>>) target(%dma_start3A_279 : memref<128xf32, #tpu.memory_space<vmem>>) offsets(%dma_start3A_282 : memref<128xi32, #tpu.memory_space<vmem>>) semaphore(%arg23 : memref<!tpu.dma_semaphore, #tpu.memory_space<semaphore_mem>>)
          %mul3A_285 = arith.constant 16 : i32
          %mul3A_286 = arith.muli %scan3A_109, %mul3A_285 : i32
          %add3A_287 = arith.constant 8 : i32
          %add3A_288 = arith.addi %mul3A_286, %add3A_287 : i32
          %mul3A_289 = arith.constant 128 : i32
          %mul3A_290 = arith.muli %add3A_288, %mul3A_289 : i32
          %dma_start3A_291 = tpu.memref_slice %arg13[%mul3A_290] : memref<12288xf32, #tpu.memory_space<vmem>> -> memref<128xf32, #tpu.memory_space<vmem>>
          %dma_start3A_292 = arith.constant 0 : i32
          %dma_start3A_293 = tpu.memref_slice %arg11[%add3A_288, %dma_start3A_292] : memref<96x128xi32, #tpu.memory_space<vmem>> -> memref<1x128xi32, #tpu.memory_space<vmem>>
          %dma_start3A_294 = tpu.memref_squeeze %dma_start3A_293 : memref<1x128xi32, #tpu.memory_space<vmem>> -> memref<128xi32, #tpu.memory_space<vmem>>
          %dma_start3A_295 = arith.constant 0 : i32
          %dma_start3A_296 = tpu.memref_slice %arg3[%dma_start3A_295] : memref<262144xf32, #tpu.memory_space<hbm>> -> memref<262144xf32, #tpu.memory_space<hbm>>
          tpu.enqueue_indirect_dma source(%dma_start3A_296 : memref<262144xf32, #tpu.memory_space<hbm>>) target(%dma_start3A_291 : memref<128xf32, #tpu.memory_space<vmem>>) offsets(%dma_start3A_294 : memref<128xi32, #tpu.memory_space<vmem>>) semaphore(%arg23 : memref<!tpu.dma_semaphore, #tpu.memory_space<semaphore_mem>>)
          %mul3A_297 = arith.constant 16 : i32
          %mul3A_298 = arith.muli %scan3A_109, %mul3A_297 : i32
          %add3A_299 = arith.constant 9 : i32
          %add3A_300 = arith.addi %mul3A_298, %add3A_299 : i32
          %mul3A_301 = arith.constant 128 : i32
          %mul3A_302 = arith.muli %add3A_300, %mul3A_301 : i32
          %dma_start3A_303 = tpu.memref_slice %arg13[%mul3A_302] : memref<12288xf32, #tpu.memory_space<vmem>> -> memref<128xf32, #tpu.memory_space<vmem>>
          %dma_start3A_304 = arith.constant 0 : i32
          %dma_start3A_305 = tpu.memref_slice %arg11[%add3A_300, %dma_start3A_304] : memref<96x128xi32, #tpu.memory_space<vmem>> -> memref<1x128xi32, #tpu.memory_space<vmem>>
          %dma_start3A_306 = tpu.memref_squeeze %dma_start3A_305 : memref<1x128xi32, #tpu.memory_space<vmem>> -> memref<128xi32, #tpu.memory_space<vmem>>
          %dma_start3A_307 = arith.constant 0 : i32
          %dma_start3A_308 = tpu.memref_slice %arg3[%dma_start3A_307] : memref<262144xf32, #tpu.memory_space<hbm>> -> memref<262144xf32, #tpu.memory_space<hbm>>
          tpu.enqueue_indirect_dma source(%dma_start3A_308 : memref<262144xf32, #tpu.memory_space<hbm>>) target(%dma_start3A_303 : memref<128xf32, #tpu.memory_space<vmem>>) offsets(%dma_start3A_306 : memref<128xi32, #tpu.memory_space<vmem>>) semaphore(%arg23 : memref<!tpu.dma_semaphore, #tpu.memory_space<semaphore_mem>>)
          %mul3A_309 = arith.constant 16 : i32
          %mul3A_310 = arith.muli %scan3A_109, %mul3A_309 : i32
          %add3A_311 = arith.constant 10 : i32
          %add3A_312 = arith.addi %mul3A_310, %add3A_311 : i32
          %mul3A_313 = arith.constant 128 : i32
          %mul3A_314 = arith.muli %add3A_312, %mul3A_313 : i32
          %dma_start3A_315 = tpu.memref_slice %arg13[%mul3A_314] : memref<12288xf32, #tpu.memory_space<vmem>> -> memref<128xf32, #tpu.memory_space<vmem>>
          %dma_start3A_316 = arith.constant 0 : i32
          %dma_start3A_317 = tpu.memref_slice %arg11[%add3A_312, %dma_start3A_316] : memref<96x128xi32, #tpu.memory_space<vmem>> -> memref<1x128xi32, #tpu.memory_space<vmem>>
          %dma_start3A_318 = tpu.memref_squeeze %dma_start3A_317 : memref<1x128xi32, #tpu.memory_space<vmem>> -> memref<128xi32, #tpu.memory_space<vmem>>
          %dma_start3A_319 = arith.constant 0 : i32
          %dma_start3A_320 = tpu.memref_slice %arg3[%dma_start3A_319] : memref<262144xf32, #tpu.memory_space<hbm>> -> memref<262144xf32, #tpu.memory_space<hbm>>
          tpu.enqueue_indirect_dma source(%dma_start3A_320 : memref<262144xf32, #tpu.memory_space<hbm>>) target(%dma_start3A_315 : memref<128xf32, #tpu.memory_space<vmem>>) offsets(%dma_start3A_318 : memref<128xi32, #tpu.memory_space<vmem>>) semaphore(%arg23 : memref<!tpu.dma_semaphore, #tpu.memory_space<semaphore_mem>>)
          %mul3A_321 = arith.constant 16 : i32
          %mul3A_322 = arith.muli %scan3A_109, %mul3A_321 : i32
          %add3A_323 = arith.constant 11 : i32
          %add3A_324 = arith.addi %mul3A_322, %add3A_323 : i32
          %mul3A_325 = arith.constant 128 : i32
          %mul3A_326 = arith.muli %add3A_324, %mul3A_325 : i32
          %dma_start3A_327 = tpu.memref_slice %arg13[%mul3A_326] : memref<12288xf32, #tpu.memory_space<vmem>> -> memref<128xf32, #tpu.memory_space<vmem>>
          %dma_start3A_328 = arith.constant 0 : i32
          %dma_start3A_329 = tpu.memref_slice %arg11[%add3A_324, %dma_start3A_328] : memref<96x128xi32, #tpu.memory_space<vmem>> -> memref<1x128xi32, #tpu.memory_space<vmem>>
          %dma_start3A_330 = tpu.memref_squeeze %dma_start3A_329 : memref<1x128xi32, #tpu.memory_space<vmem>> -> memref<128xi32, #tpu.memory_space<vmem>>
          %dma_start3A_331 = arith.constant 0 : i32
          %dma_start3A_332 = tpu.memref_slice %arg3[%dma_start3A_331] : memref<262144xf32, #tpu.memory_space<hbm>> -> memref<262144xf32, #tpu.memory_space<hbm>>
          tpu.enqueue_indirect_dma source(%dma_start3A_332 : memref<262144xf32, #tpu.memory_space<hbm>>) target(%dma_start3A_327 : memref<128xf32, #tpu.memory_space<vmem>>) offsets(%dma_start3A_330 : memref<128xi32, #tpu.memory_space<vmem>>) semaphore(%arg23 : memref<!tpu.dma_semaphore, #tpu.memory_space<semaphore_mem>>)
          %mul3A_333 = arith.constant 16 : i32
          %mul3A_334 = arith.muli %scan3A_109, %mul3A_333 : i32
          %add3A_335 = arith.constant 12 : i32
          %add3A_336 = arith.addi %mul3A_334, %add3A_335 : i32
          %mul3A_337 = arith.constant 128 : i32
          %mul3A_338 = arith.muli %add3A_336, %mul3A_337 : i32
          %dma_start3A_339 = tpu.memref_slice %arg13[%mul3A_338] : memref<12288xf32, #tpu.memory_space<vmem>> -> memref<128xf32, #tpu.memory_space<vmem>>
          %dma_start3A_340 = arith.constant 0 : i32
          %dma_start3A_341 = tpu.memref_slice %arg11[%add3A_336, %dma_start3A_340] : memref<96x128xi32, #tpu.memory_space<vmem>> -> memref<1x128xi32, #tpu.memory_space<vmem>>
          %dma_start3A_342 = tpu.memref_squeeze %dma_start3A_341 : memref<1x128xi32, #tpu.memory_space<vmem>> -> memref<128xi32, #tpu.memory_space<vmem>>
          %dma_start3A_343 = arith.constant 0 : i32
          %dma_start3A_344 = tpu.memref_slice %arg3[%dma_start3A_343] : memref<262144xf32, #tpu.memory_space<hbm>> -> memref<262144xf32, #tpu.memory_space<hbm>>
          tpu.enqueue_indirect_dma source(%dma_start3A_344 : memref<262144xf32, #tpu.memory_space<hbm>>) target(%dma_start3A_339 : memref<128xf32, #tpu.memory_space<vmem>>) offsets(%dma_start3A_342 : memref<128xi32, #tpu.memory_space<vmem>>) semaphore(%arg23 : memref<!tpu.dma_semaphore, #tpu.memory_space<semaphore_mem>>)
          %mul3A_345 = arith.constant 16 : i32
          %mul3A_346 = arith.muli %scan3A_109, %mul3A_345 : i32
          %add3A_347 = arith.constant 13 : i32
          %add3A_348 = arith.addi %mul3A_346, %add3A_347 : i32
          %mul3A_349 = arith.constant 128 : i32
          %mul3A_350 = arith.muli %add3A_348, %mul3A_349 : i32
          %dma_start3A_351 = tpu.memref_slice %arg13[%mul3A_350] : memref<12288xf32, #tpu.memory_space<vmem>> -> memref<128xf32, #tpu.memory_space<vmem>>
          %dma_start3A_352 = arith.constant 0 : i32
          %dma_start3A_353 = tpu.memref_slice %arg11[%add3A_348, %dma_start3A_352] : memref<96x128xi32, #tpu.memory_space<vmem>> -> memref<1x128xi32, #tpu.memory_space<vmem>>
          %dma_start3A_354 = tpu.memref_squeeze %dma_start3A_353 : memref<1x128xi32, #tpu.memory_space<vmem>> -> memref<128xi32, #tpu.memory_space<vmem>>
          %dma_start3A_355 = arith.constant 0 : i32
          %dma_start3A_356 = tpu.memref_slice %arg3[%dma_start3A_355] : memref<262144xf32, #tpu.memory_space<hbm>> -> memref<262144xf32, #tpu.memory_space<hbm>>
          tpu.enqueue_indirect_dma source(%dma_start3A_356 : memref<262144xf32, #tpu.memory_space<hbm>>) target(%dma_start3A_351 : memref<128xf32, #tpu.memory_space<vmem>>) offsets(%dma_start3A_354 : memref<128xi32, #tpu.memory_space<vmem>>) semaphore(%arg23 : memref<!tpu.dma_semaphore, #tpu.memory_space<semaphore_mem>>)
          %mul3A_357 = arith.constant 16 : i32
          %mul3A_358 = arith.muli %scan3A_109, %mul3A_357 : i32
          %add3A_359 = arith.constant 14 : i32
          %add3A_360 = arith.addi %mul3A_358, %add3A_359 : i32
          %mul3A_361 = arith.constant 128 : i32
          %mul3A_362 = arith.muli %add3A_360, %mul3A_361 : i32
          %dma_start3A_363 = tpu.memref_slice %arg13[%mul3A_362] : memref<12288xf32, #tpu.memory_space<vmem>> -> memref<128xf32, #tpu.memory_space<vmem>>
          %dma_start3A_364 = arith.constant 0 : i32
          %dma_start3A_365 = tpu.memref_slice %arg11[%add3A_360, %dma_start3A_364] : memref<96x128xi32, #tpu.memory_space<vmem>> -> memref<1x128xi32, #tpu.memory_space<vmem>>
          %dma_start3A_366 = tpu.memref_squeeze %dma_start3A_365 : memref<1x128xi32, #tpu.memory_space<vmem>> -> memref<128xi32, #tpu.memory_space<vmem>>
          %dma_start3A_367 = arith.constant 0 : i32
          %dma_start3A_368 = tpu.memref_slice %arg3[%dma_start3A_367] : memref<262144xf32, #tpu.memory_space<hbm>> -> memref<262144xf32, #tpu.memory_space<hbm>>
          tpu.enqueue_indirect_dma source(%dma_start3A_368 : memref<262144xf32, #tpu.memory_space<hbm>>) target(%dma_start3A_363 : memref<128xf32, #tpu.memory_space<vmem>>) offsets(%dma_start3A_366 : memref<128xi32, #tpu.memory_space<vmem>>) semaphore(%arg23 : memref<!tpu.dma_semaphore, #tpu.memory_space<semaphore_mem>>)
          %mul3A_369 = arith.constant 16 : i32
          %mul3A_370 = arith.muli %scan3A_109, %mul3A_369 : i32
          %add3A_371 = arith.constant 15 : i32
          %add3A_372 = arith.addi %mul3A_370, %add3A_371 : i32
          %mul3A_373 = arith.constant 128 : i32
          %mul3A_374 = arith.muli %add3A_372, %mul3A_373 : i32
          %dma_start3A_375 = tpu.memref_slice %arg13[%mul3A_374] : memref<12288xf32, #tpu.memory_space<vmem>> -> memref<128xf32, #tpu.memory_space<vmem>>
          %dma_start3A_376 = arith.constant 0 : i32
          %dma_start3A_377 = tpu.memref_slice %arg11[%add3A_372, %dma_start3A_376] : memref<96x128xi32, #tpu.memory_space<vmem>> -> memref<1x128xi32, #tpu.memory_space<vmem>>
          %dma_start3A_378 = tpu.memref_squeeze %dma_start3A_377 : memref<1x128xi32, #tpu.memory_space<vmem>> -> memref<128xi32, #tpu.memory_space<vmem>>
          %dma_start3A_379 = arith.constant 0 : i32
          %dma_start3A_380 = tpu.memref_slice %arg3[%dma_start3A_379] : memref<262144xf32, #tpu.memory_space<hbm>> -> memref<262144xf32, #tpu.memory_space<hbm>>
          tpu.enqueue_indirect_dma source(%dma_start3A_380 : memref<262144xf32, #tpu.memory_space<hbm>>) target(%dma_start3A_375 : memref<128xf32, #tpu.memory_space<vmem>>) offsets(%dma_start3A_378 : memref<128xi32, #tpu.memory_space<vmem>>) semaphore(%arg23 : memref<!tpu.dma_semaphore, #tpu.memory_space<semaphore_mem>>)
          %scan3A_381 = arith.constant 0 : i32
          scf.yield %scan3A_381 : i32
        }
        %scan3A_108 = arith.constant 6 : i32
      } else {
      }
      %dma_wait3A_80 = arith.constant 0 : i32
      %dma_wait3A_81 = tpu.memref_slice %arg3[%dma_wait3A_80] : memref<262144xf32, #tpu.memory_space<hbm>> -> memref<12288xf32, #tpu.memory_space<hbm>>
      %dma_wait3A_82 = arith.constant 0 : i32
      %dma_wait3A_83 = tpu.memref_slice %arg3[%dma_wait3A_82] : memref<262144xf32, #tpu.memory_space<hbm>> -> memref<12288xf32, #tpu.memory_space<hbm>>
      tpu.wait_dma2 semaphore(%arg24 : memref<!tpu.dma_semaphore, #tpu.memory_space<semaphore_mem>>) src(%dma_wait3A_83 : memref<12288xf32, #tpu.memory_space<hbm>>) dst(%arg14 : memref<12288xf32, #tpu.memory_space<vmem>>)
      %scan3A_84 = arith.constant 0 : i32
      %scan3A_85 = arith.constant 0 : i32
      %scan3A_86 = arith.constant 6 : i32
      %scan3A_87 = arith.addi %scan3A_85, %scan3A_86 : i32
      %scan3A_88 = arith.constant 1 : i32
      %scan3A_89 = scf.for %scan3A_95 = %scan3A_85 to %scan3A_87 step %scan3A_88 iter_args(%scan3A_96 = %scan3A_84) -> (i32)  : i32 {
        %scan3A_97 = arith.constant 0 : i32
        %scan3A_98 = arith.constant 16 : i32
        %scan3A_99 = arith.addi %scan3A_97, %scan3A_98 : i32
        %scan3A_100 = arith.constant 1 : i32
        %scan3A_101:4 = scf.for %scan3A_110 = %scan3A_97 to %scan3A_99 step %scan3A_100 iter_args(%scan3A_111 = %broadcast_in_dim3A_28, %scan3A_112 = %broadcast_in_dim3A_28, %scan3A_113 = %broadcast_in_dim3A_28, %scan3A_114 = %broadcast_in_dim3A_28) -> (vector<16xf32>, vector<16xf32>, vector<16xf32>, vector<16xf32>)  : i32 {
          %mul3A_115 = arith.constant 128 : i32
          %mul3A_116 = arith.muli %scan3A_95, %mul3A_115 : i32
          %mul3A_117 = arith.constant 8 : i32
          %mul3A_118 = arith.muli %scan3A_110, %mul3A_117 : i32
          %add3A_119 = arith.addi %mul3A_116, %mul3A_118 : i32
          %add3A_120 = arith.constant 0 : i32
          %add3A_121 = arith.addi %add3A_119, %add3A_120 : i32
          %mul3A_122 = arith.constant 16 : i32
          %mul3A_123 = arith.muli %add3A_121, %mul3A_122 : i32
          %get3A_124 = arith.index_cast %mul3A_123 : i32 to index
          %get3A_125 = tpu.vector_load %arg14[%get3A_124] {strides = array<i32>} : memref<12288xf32, #tpu.memory_space<vmem>>, vector<16xf32>,
          %mul3A_126 = arith.constant 16 : i32
          %mul3A_127 = arith.muli %add3A_121, %mul3A_126 : i32
          %get3A_128 = arith.index_cast %mul3A_127 : i32 to index
          %get3A_129 = tpu.vector_load %arg16[%get3A_128] {strides = array<i32>} : memref<12288xf32, #tpu.memory_space<vmem>>, vector<16xf32>,
          %mul3A_130 = arith.mulf %get3A_125, %get3A_129 : vector<16xf32>
          %add3A_131 = arith.addf %scan3A_111, %mul3A_130 : vector<16xf32>
          %mul3A_132 = arith.constant 128 : i32
          %mul3A_133 = arith.muli %scan3A_95, %mul3A_132 : i32
          %mul3A_134 = arith.constant 8 : i32
          %mul3A_135 = arith.muli %scan3A_110, %mul3A_134 : i32
          %add3A_136 = arith.addi %mul3A_133, %mul3A_135 : i32
          %add3A_137 = arith.constant 1 : i32
          %add3A_138 = arith.addi %add3A_136, %add3A_137 : i32
          %mul3A_139 = arith.constant 16 : i32
          %mul3A_140 = arith.muli %add3A_138, %mul3A_139 : i32
          %get3A_141 = arith.index_cast %mul3A_140 : i32 to index
          %get3A_142 = tpu.vector_load %arg14[%get3A_141] {strides = array<i32>} : memref<12288xf32, #tpu.memory_space<vmem>>, vector<16xf32>,
          %mul3A_143 = arith.constant 16 : i32
          %mul3A_144 = arith.muli %add3A_138, %mul3A_143 : i32
          %get3A_145 = arith.index_cast %mul3A_144 : i32 to index
          %get3A_146 = tpu.vector_load %arg16[%get3A_145] {strides = array<i32>} : memref<12288xf32, #tpu.memory_space<vmem>>, vector<16xf32>,
          %mul3A_147 = arith.mulf %get3A_142, %get3A_146 : vector<16xf32>
          %add3A_148 = arith.addf %scan3A_112, %mul3A_147 : vector<16xf32>
          %mul3A_149 = arith.constant 128 : i32
          %mul3A_150 = arith.muli %scan3A_95, %mul3A_149 : i32
          %mul3A_151 = arith.constant 8 : i32
          %mul3A_152 = arith.muli %scan3A_110, %mul3A_151 : i32
          %add3A_153 = arith.addi %mul3A_150, %mul3A_152 : i32
          %add3A_154 = arith.constant 2 : i32
          %add3A_155 = arith.addi %add3A_153, %add3A_154 : i32
          %mul3A_156 = arith.constant 16 : i32
          %mul3A_157 = arith.muli %add3A_155, %mul3A_156 : i32
          %get3A_158 = arith.index_cast %mul3A_157 : i32 to index
          %get3A_159 = tpu.vector_load %arg14[%get3A_158] {strides = array<i32>} : memref<12288xf32, #tpu.memory_space<vmem>>, vector<16xf32>,
          %mul3A_160 = arith.constant 16 : i32
          %mul3A_161 = arith.muli %add3A_155, %mul3A_160 : i32
          %get3A_162 = arith.index_cast %mul3A_161 : i32 to index
          %get3A_163 = tpu.vector_load %arg16[%get3A_162] {strides = array<i32>} : memref<12288xf32, #tpu.memory_space<vmem>>, vector<16xf32>,
          %mul3A_164 = arith.mulf %get3A_159, %get3A_163 : vector<16xf32>
          %add3A_165 = arith.addf %scan3A_113, %mul3A_164 : vector<16xf32>
          %mul3A_166 = arith.constant 128 : i32
          %mul3A_167 = arith.muli %scan3A_95, %mul3A_166 : i32
          %mul3A_168 = arith.constant 8 : i32
          %mul3A_169 = arith.muli %scan3A_110, %mul3A_168 : i32
          %add3A_170 = arith.addi %mul3A_167, %mul3A_169 : i32
          %add3A_171 = arith.constant 3 : i32
          %add3A_172 = arith.addi %add3A_170, %add3A_171 : i32
          %mul3A_173 = arith.constant 16 : i32
          %mul3A_174 = arith.muli %add3A_172, %mul3A_173 : i32
          %get3A_175 = arith.index_cast %mul3A_174 : i32 to index
          %get3A_176 = tpu.vector_load %arg14[%get3A_175] {strides = array<i32>} : memref<12288xf32, #tpu.memory_space<vmem>>, vector<16xf32>,
          %mul3A_177 = arith.constant 16 : i32
          %mul3A_178 = arith.muli %add3A_172, %mul3A_177 : i32
          %get3A_179 = arith.index_cast %mul3A_178 : i32 to index
          %get3A_180 = tpu.vector_load %arg16[%get3A_179] {strides = array<i32>} : memref<12288xf32, #tpu.memory_space<vmem>>, vector<16xf32>,
          %mul3A_181 = arith.mulf %get3A_176, %get3A_180 : vector<16xf32>
          %add3A_182 = arith.addf %scan3A_114, %mul3A_181 : vector<16xf32>
          %mul3A_183 = arith.constant 128 : i32
          %mul3A_184 = arith.muli %scan3A_95, %mul3A_183 : i32
          %mul3A_185 = arith.constant 8 : i32
          %mul3A_186 = arith.muli %scan3A_110, %mul3A_185 : i32
          %add3A_187 = arith.addi %mul3A_184, %mul3A_186 : i32
          %add3A_188 = arith.constant 4 : i32
          %add3A_189 = arith.addi %add3A_187, %add3A_188 : i32
          %mul3A_190 = arith.constant 16 : i32
          %mul3A_191 = arith.muli %add3A_189, %mul3A_190 : i32
          %get3A_192 = arith.index_cast %mul3A_191 : i32 to index
          %get3A_193 = tpu.vector_load %arg14[%get3A_192] {strides = array<i32>} : memref<12288xf32, #tpu.memory_space<vmem>>, vector<16xf32>,
          %mul3A_194 = arith.constant 16 : i32
          %mul3A_195 = arith.muli %add3A_189, %mul3A_194 : i32
          %get3A_196 = arith.index_cast %mul3A_195 : i32 to index
          %get3A_197 = tpu.vector_load %arg16[%get3A_196] {strides = array<i32>} : memref<12288xf32, #tpu.memory_space<vmem>>, vector<16xf32>,
          %mul3A_198 = arith.mulf %get3A_193, %get3A_197 : vector<16xf32>
          %add3A_199 = arith.addf %add3A_131, %mul3A_198 : vector<16xf32>
          %mul3A_200 = arith.constant 128 : i32
          %mul3A_201 = arith.muli %scan3A_95, %mul3A_200 : i32
          %mul3A_202 = arith.constant 8 : i32
          %mul3A_203 = arith.muli %scan3A_110, %mul3A_202 : i32
          %add3A_204 = arith.addi %mul3A_201, %mul3A_203 : i32
          %add3A_205 = arith.constant 5 : i32
          %add3A_206 = arith.addi %add3A_204, %add3A_205 : i32
          %mul3A_207 = arith.constant 16 : i32
          %mul3A_208 = arith.muli %add3A_206, %mul3A_207 : i32
          %get3A_209 = arith.index_cast %mul3A_208 : i32 to index
          %get3A_210 = tpu.vector_load %arg14[%get3A_209] {strides = array<i32>} : memref<12288xf32, #tpu.memory_space<vmem>>, vector<16xf32>,
          %mul3A_211 = arith.constant 16 : i32
          %mul3A_212 = arith.muli %add3A_206, %mul3A_211 : i32
          %get3A_213 = arith.index_cast %mul3A_212 : i32 to index
          %get3A_214 = tpu.vector_load %arg16[%get3A_213] {strides = array<i32>} : memref<12288xf32, #tpu.memory_space<vmem>>, vector<16xf32>,
          %mul3A_215 = arith.mulf %get3A_210, %get3A_214 : vector<16xf32>
          %add3A_216 = arith.addf %add3A_148, %mul3A_215 : vector<16xf32>
          %mul3A_217 = arith.constant 128 : i32
          %mul3A_218 = arith.muli %scan3A_95, %mul3A_217 : i32
          %mul3A_219 = arith.constant 8 : i32
          %mul3A_220 = arith.muli %scan3A_110, %mul3A_219 : i32
          %add3A_221 = arith.addi %mul3A_218, %mul3A_220 : i32
          %add3A_222 = arith.constant 6 : i32
          %add3A_223 = arith.addi %add3A_221, %add3A_222 : i32
          %mul3A_224 = arith.constant 16 : i32
          %mul3A_225 = arith.muli %add3A_223, %mul3A_224 : i32
          %get3A_226 = arith.index_cast %mul3A_225 : i32 to index
          %get3A_227 = tpu.vector_load %arg14[%get3A_226] {strides = array<i32>} : memref<12288xf32, #tpu.memory_space<vmem>>, vector<16xf32>,
          %mul3A_228 = arith.constant 16 : i32
          %mul3A_229 = arith.muli %add3A_223, %mul3A_228 : i32
          %get3A_230 = arith.index_cast %mul3A_229 : i32 to index
          %get3A_231 = tpu.vector_load %arg16[%get3A_230] {strides = array<i32>} : memref<12288xf32, #tpu.memory_space<vmem>>, vector<16xf32>,
          %mul3A_232 = arith.mulf %get3A_227, %get3A_231 : vector<16xf32>
          %add3A_233 = arith.addf %add3A_165, %mul3A_232 : vector<16xf32>
          %mul3A_234 = arith.constant 128 : i32
          %mul3A_235 = arith.muli %scan3A_95, %mul3A_234 : i32
          %mul3A_236 = arith.constant 8 : i32
          %mul3A_237 = arith.muli %scan3A_110, %mul3A_236 : i32
          %add3A_238 = arith.addi %mul3A_235, %mul3A_237 : i32
          %add3A_239 = arith.constant 7 : i32
          %add3A_240 = arith.addi %add3A_238, %add3A_239 : i32
          %mul3A_241 = arith.constant 16 : i32
          %mul3A_242 = arith.muli %add3A_240, %mul3A_241 : i32
          %get3A_243 = arith.index_cast %mul3A_242 : i32 to index
          %get3A_244 = tpu.vector_load %arg14[%get3A_243] {strides = array<i32>} : memref<12288xf32, #tpu.memory_space<vmem>>, vector<16xf32>,
          %mul3A_245 = arith.constant 16 : i32
          %mul3A_246 = arith.muli %add3A_240, %mul3A_245 : i32
          %get3A_247 = arith.index_cast %mul3A_246 : i32 to index
          %get3A_248 = tpu.vector_load %arg16[%get3A_247] {strides = array<i32>} : memref<12288xf32, #tpu.memory_space<vmem>>, vector<16xf32>,
          %mul3A_249 = arith.mulf %get3A_244, %get3A_248 : vector<16xf32>
          %add3A_250 = arith.addf %add3A_182, %mul3A_249 : vector<16xf32>
          scf.yield %add3A_199, %add3A_216, %add3A_233, %add3A_250 : vector<16xf32>, vector<16xf32>, vector<16xf32>, vector<16xf32>
        }
        %scan3A_102 = arith.constant 16 : i32
        %add3A_103 = arith.addf %scan3A_101#0, %scan3A_101#1 : vector<16xf32>
        %add3A_104 = arith.addf %scan3A_101#2, %scan3A_101#3 : vector<16xf32>
        %add3A_105 = arith.addf %add3A_103, %add3A_104 : vector<16xf32>
        %mul3A_106 = arith.constant 16 : i32
        %mul3A_107 = arith.muli %scan3A_95, %mul3A_106 : i32
        %swap3A = arith.index_cast %mul3A_107 : i32 to index
        %swap3A_108 = tpu.vector_load %arg22[%swap3A] {strides = array<i32>} : memref<96xf32, #tpu.memory_space<vmem>>, vector<16xf32>,
        tpu.vector_store %arg22[%swap3A], %add3A_105 {strides = array<i32>} : memref<96xf32, #tpu.memory_space<vmem>>, vector<16xf32>,
        %scan3A_109 = arith.constant 0 : i32
        scf.yield %scan3A_109 : i32
      }
      %scan3A_90 = arith.constant 6 : i32
      %mul3A_91 = arith.constant 96 : i32
      %mul3A_92 = arith.muli %add3A_51, %mul3A_91 : i32
      %add3A_93 = arith.addi %mul3A_2, %mul3A_92 : i32
      "tpu.region"() ({
        %run_scoped3A = tpu.sem_alloc : memref<!tpu.dma_semaphore, #tpu.memory_space<semaphore_mem>>
        %dma_start3A = tpu.memref_slice %arg9[%add3A_93] : memref<92160xf32, #tpu.memory_space<hbm>> -> memref<96xf32, #tpu.memory_space<hbm>>
        %dma_start3A_95 = tpu.memref_slice %arg9[%add3A_93] : memref<92160xf32, #tpu.memory_space<hbm>> -> memref<96xf32, #tpu.memory_space<hbm>>
        tpu.enqueue_dma source(%arg22 : memref<96xf32, #tpu.memory_space<vmem>>) target(%dma_start3A_95 : memref<96xf32, #tpu.memory_space<hbm>>) target_semaphore(%run_scoped3A : memref<!tpu.dma_semaphore, #tpu.memory_space<semaphore_mem>>)
        %dma_wait3A_96 = tpu.memref_slice %arg9[%add3A_93] : memref<92160xf32, #tpu.memory_space<hbm>> -> memref<96xf32, #tpu.memory_space<hbm>>
        %dma_wait3A_97 = tpu.memref_slice %arg9[%add3A_93] : memref<92160xf32, #tpu.memory_space<hbm>> -> memref<96xf32, #tpu.memory_space<hbm>>
        tpu.wait_dma2 semaphore(%run_scoped3A : memref<!tpu.dma_semaphore, #tpu.memory_space<semaphore_mem>>) src(%arg22 : memref<96xf32, #tpu.memory_space<vmem>>) dst(%dma_wait3A_97 : memref<96xf32, #tpu.memory_space<hbm>>)
        tpu.yield
      }) : () -> ()
      %scan3A_94 = arith.constant 0 : i32
      scf.yield %scan3A_94 : i32
    }
    %scan3A_45 = arith.constant 15 : i32
    return
  }
}

</mosaic_0001>

<sc_bundles>
// kernel: kernel.3.cloned.1.call-start
scs
__scs_entry_jumppad:
0x0: {  	(pc) =	sbr.rel $0x88, $3  }
0x1: {  	(tag) =	ssettag $0x0;
	lr =	simm.s32 $0x1  }
0x2: {  	[smem:$0x3F9B] =	sst lr;
	_ =	strace $0xD0000000  }
0x3: {  	_ = 	snop  }
0x4: {  	_ = 	snop  }
0x5: {  	_ = 	snop  }
0x6: {  	_ = 	snop  }
0x7: {  	_ = 	snop  }
__scs_overlays_trampoline_lowered:
0x8: {  	[smem:$0x3FAA] =	sst s0  }
0x9: {  	[smem:$0x3FAB] =	sst s1  }
0xa: {  	[smem:$0x3FAC] =	sst s2  }
0xb: {  	[smem:$0x3FAD] =	sst s3  }
0xc: {  	[smem:$0x3FAE] =	sst s4  }
0xd: {  	[smem:$0x3FAF] =	sst s5  }
0xe: {  	[smem:$0x3FB0] =	sst s6  }
0xf: {  	[smem:$0x3FB1] =	sst s7  }
0x10: {  	[smem:$0x3FB2] =	sst s8  }
0x11: {  	[smem:$0x3FB3] =	sst s9;
	s0 =	simm.s32 @!p0 $0x0  }
0x12: {  	s1 =	sld [smem:$0x3F99];
	s0 =	simm.s32 @p0 $0x1  }
0x13: {  	[smem:$0x3FB4] =	sst s0;
	s0 =	simm.s32 @!p1 $0x0  }
0x14: {  	s2 =	sld [smem:$0x3F98];
	s0 =	simm.s32 @p1 $0x1  }
0x15: {  	[smem:$0x3FB5] =	sst s0;
	s0 =	simm.s32 @!p2 $0x0  }
0x16: {  	s3 =	sld [smem:$0x3FDB];
	s0 =	simm.s32 @p2 $0x1  }
0x17: {  	s4 =	simm.s32 $0x1BF5;
	[smem:$0x3FB7] =	sst s0  }
0x18: {  	s0 =	sld [smem:$0x3F9A];
	_ =	swait.ge [sflag:s4], $0x0  }
0x19: {  	s7 =	sld [smem:$0x3F9B]  }
0x1a: {  	s8 =	sadd.s32 $0xFFFFE003, lr  }
0x1b: {  	s9 =	sadd.s32 $0xFFFFFEF7, lr;
	s5 =	simm.s32 $0xFFFFFFFF;
	p2 =	slt.u32 s8, $0xFFFFF086  }
0x1c: {  	p1 =	slt.u32 s9, $0xF7A;
	s5 =	simm.s32 @!p2 $0x0  }
0x1d: {  	s5 =	simm.s32 @p1 $0x1;
	p0 =	seq.s32 s7, s2  }
0x1e: {  	s7 =	smul.u32 @!p0 $0xF7A, s2;
	p2 =	seq.s32 @!p0 s5, $0x0  }
0x1f: {  	s9 =	smul.u32 $0xF7A, s1;
	s8 =	simm.s32 @!p0 $0x1BF5;
	p2 =	por !p2, p0  }
0x20: {  	[sflag:s8] =	ssyncset.s32 @!p0 $0xFFFFF086;
	s6 =	sadd.s32 @!p0 s3, s7;
	s7 =	simm.s32 @!p0 $0x108  }
0x21: {  	s3 =	sadd.s32 s3, s9;
	s6 =	sadd.s32 @!p0 $0x88, s6;
	s7 =	simm.s32 @p2 $0x1082  }
0x22: {  	[simem:s7], [sflag:s8] =	dma.local @!p0 [hbm:s6], $0xF7A  }
0x23: {  	s9 =	sor.u32 $0xD0000000, s2;
	s6 =	simm.s32 $0x108;
	_ =	swait.ge @!p0 [sflag:s8], $0x0  }
0x24: {  	s3 =	sadd.s32 $0x88, s3;
	s6 =	simm.s32 @!p1 $0x1082;
	[sflag:s4] =	ssyncset.s32 $0xFFFFF086  }
0x25: {  	[simem:s6], [sflag:s4] =	dma.local [hbm:s3], $0xF7A  }
0x26: {  	[smem:$0x3F9B] =	sst s1;
	(tag) =	ssettag s2;
	_ =	strace s9  }
0x27: {  	s1 =	sld [smem:$0x3FAB]  }
0x28: {  	s2 =	sld [smem:$0x3FAC]  }
0x29: {  	s4 =	sld [smem:$0x3FAE]  }
0x2a: {  	p0 =	seq.s32 s5, $0x0;
	s5 =	sld [smem:$0x3FAF]  }
0x2b: {  	s6 =	sld [smem:$0x3FB0]  }
0x2c: {  	s7 =	sld [smem:$0x3FB1]  }
0x2d: {  	s3 =	simm.s32 $0x108;
	s8 =	sld [smem:$0x3FB2]  }
0x2e: {  	s3 =	simm.s32 @!p0 $0x1082;
	s9 =	sld [smem:$0x3FB3]  }
0x2f: {  	lr =	sadd.s32 s0, s3;
	s0 =	sld [smem:$0x3FAA]  }
0x30: {  	s3 =	sld [smem:$0x3FAD]  }
0x31: {  	[smem:$0x3FB6] =	sst s10  }
0x32: {  	s10 =	sld [smem:$0x3FB4];
	_ =	sdelay $0x3  }
0x33: {  	p0 =	seq.s32 s10, $0x1;
	s10 =	sld [smem:$0x3FB6];
	_ =	sdelay $0x3  }
0x34: {  	[smem:$0x3FB6] =	sst s10  }
0x35: {  	s10 =	sld [smem:$0x3FB5];
	_ =	sdelay $0x3  }
0x36: {  	p1 =	seq.s32 s10, $0x1;
	s10 =	sld [smem:$0x3FB6];
	_ =	sdelay $0x3  }
0x37: {  	[smem:$0x3FB6] =	sst s10  }
0x38: {  	s10 =	sld [smem:$0x3FB7]  }
0x39: {  	_ = 	snop;
	(pc) =	sbr.ind lr, $3  }
0x3a: {  	_ = 	snop  }
0x3b: {  	_ = 	snop  }
0x3c: {  	p2 =	seq.s32 s10, $0x1;
	s10 =	sld [smem:$0x3FB6]  }
0x3d: {  	_ =	shalt  }
0x3e: {  	_ =	shalt  }
0x3f: {  	_ =	shalt  }
0x40: {  	_ =	shalt  }
0x41: {  	_ =	shalt  }
0x42: {  	_ =	shalt  }
0x43: {  	_ =	shalt  }
0x44: {  	_ =	shalt  }
0x45: {  	_ =	shalt  }
0x46: {  	_ =	shalt  }
0x47: {  	_ =	shalt  }
0x48: {  	_ =	shalt  }
0x49: {  	_ =	shalt  }
0x4a: {  	_ =	shalt  }
0x4b: {  	_ =	shalt  }
0x4c: {  	_ =	shalt  }
0x4d: {  	_ =	shalt  }
0x4e: {  	_ =	shalt  }
0x4f: {  	_ =	shalt  }
0x50: {  	_ =	shalt  }
0x51: {  	_ =	shalt  }
0x52: {  	_ =	shalt  }
0x53: {  	_ =	shalt  }
0x54: {  	_ =	shalt  }
0x55: {  	_ =	shalt  }
0x56: {  	_ =	shalt  }
0x57: {  	_ =	shalt  }
0x58: {  	_ =	shalt  }
0x59: {  	_ =	shalt  }
0x5a: {  	_ =	shalt  }
0x5b: {  	_ =	shalt  }
0x5c: {  	_ =	shalt  }
0x5d: {  	_ =	shalt  }
0x5e: {  	_ =	shalt  }
0x5f: {  	_ =	shalt  }
0x60: {  	_ =	shalt  }
0x61: {  	_ =	shalt  }
0x62: {  	_ =	shalt  }
0x63: {  	_ =	shalt  }
0x64: {  	_ =	shalt  }
0x65: {  	_ =	shalt  }
0x66: {  	_ =	shalt  }
0x67: {  	_ =	shalt  }
0x68: {  	_ =	shalt  }
0x69: {  	_ =	shalt  }
0x6a: {  	_ =	shalt  }
0x6b: {  	_ =	shalt  }
0x6c: {  	_ =	shalt  }
0x6d: {  	_ =	shalt  }
0x6e: {  	_ =	shalt  }
0x6f: {  	_ =	shalt  }
0x70: {  	_ =	shalt  }
0x71: {  	_ =	shalt  }
0x72: {  	_ =	shalt  }
0x73: {  	_ =	shalt  }
0x74: {  	_ =	shalt  }
0x75: {  	_ =	shalt  }
0x76: {  	_ =	shalt  }
0x77: {  	_ =	shalt  }
0x78: {  	_ =	shalt  }
0x79: {  	_ =	shalt  }
0x7a: {  	_ =	shalt  }
0x7b: {  	_ =	shalt  }
0x7c: {  	_ =	shalt  }
0x7d: {  	_ =	shalt  }
0x7e: {  	_ =	shalt  }
0x7f: {  	_ =	shalt  }
0x80: {  	_ =	shalt  }
0x81: {  	_ =	shalt  }
0x82: {  	_ =	shalt  }
0x83: {  	_ =	shalt  }
0x84: {  	_ =	shalt  }
0x85: {  	_ =	shalt  }
0x86: {  	_ =	shalt  }
0x87: {  	_ =	shalt  }
.Lfunc_end0:
.L_simem_size_0:
called_computation_lowered:
.L_overlay_start_0:
0x88: {  	s2 =	sld [smem:$0x3FD9]  }
0x89: {  	s3 =	sld [smem:$0x3FFE];
	_ =	sdelay $0x1  }
0x8a: {  	s1 =	srdreg.scid  }
0x8b: {  	s0 =	sand.u32 $0x1, s1  }
0x8c: {  	s17 =	sshll.u32 s0, $0xA;
	s2 =	sadd.s32 s3, s2  }
0x8d: {  	s2 =	sadd.s32 s2, s17  }
0x8e: {  	[smem:$0x3FC2] =	sst s2  }
0x8f: {  	_ = 	snop  }
0x90: {  	s2 =	sld [smem:$0x3FC8]  }
0x91: {  	s18 =	sld [smem:$0x3FD0];
	(tm) =	ssettm $0x1  }
0x92: {  	s4 =	sld [smem:$0x3FFB];
	_ =	sdelay $0x3  }
0x93: {  	_ =	strace s4  }
0x94: {  	s4 =	sld [smem:$0x3FFC];
	_ =	sdelay $0x3  }
0x95: {  	_ =	strace s4  }
0x96: {  	s4 =	sld [smem:$0x3FFD];
	_ =	sdelay $0x3  }
0x97: {  	_ =	strace s4  }
0x98: {  	_ =	strace $0x8FFFFFFF  }
0x99: {  	s19 =	sld [smem:$0x3FDB];
	_ =	sdelay $0x1  }
0x9a: {  	s5 =	simm.s32 $_scs_section_size  }
0x9b: {  	s6 =	simm.s32 $_size__tile_overlayer_lowered;
	s7 =	simm.s32 $_tile_overlayer_lowered  }
0x9c: {  	s22 =	simm.s32 $0x1BFF;
	s21 =	sshll.u32 s7, $0x1;
	s4 =	sadd.s32 s5, s19  }
0x9d: {  	s8 =	simm.s32 $0x0;
	s20 =	sshll.u32 s6, $0x1;
	s6 =	sadd.s32 s21, s4  }
0x9e: {  	[timem:s8], [sflag:s22] =	dma.local [hbm:s6], s20  }
0x9f: {  	_ =	swait.ge [sflag:s22], s20  }
0xa0: {  	s5 =	ssub.s32 $0x0, s20;
	[sflag:s22] =	ssyncset.done $0x0  }
0xa1: {  	[sflag:s22] =	ssyncadd.s32 s5;
	_ =	sdelay $0x1  }
0xa2: {  	s23 =	simm.s32 $0x1B8B  }
0xa3: {  	_ =	swait.ge [sflag:s23], $0x1  }
0xa4: {  	[sflag:s23] =	ssyncset.done $0x0  }
0xa5: {  	s25 =	simm.s32 $0x1B8E;
	s24 =	sld [smem:$0x3FFE];
	[sflag:s23] =	ssyncadd.s32 $0xFFFFFFFF  }
0xa6: {  	s26 =	simm.s32 $execute0_lowered;
	[smem:$0x3FD2] =	sst s25  }
0xa7: {  	s6 =	sshll.u32 s26, $0x1;
	_ =	strace $0x80000046;
	[dreg:$0x1] =	wrdreg $0xFFFFFFFF  }
0xa8: {  	s28 =	simm.s32 $_size_execute0_lowered;
	s4 =	sadd.s32 s4, s6;
	[dreg:$0x0] =	wrdreg $0x0  }
0xa9: {  	s6 =	sshll.u32 s28, $0x1;
	[dreg:$0x2] =	wrdreg s4  }
0xaa: {  	[dreg:$0x3] =	wrdreg s6  }
0xab: {  	[dreg:$0x4] =	wrdreg $0xC0  }
0xac: {  	_ =	task [dreg:s8], $0x5FFFF  }
0xad: {  	[dreg:$0x1] =	wrdreg $0xFFFFFFFF  }
0xae: {  	[dreg:$0x0] =	wrdreg $0x60  }
0xaf: {  	[dreg:$0x2] =	wrdreg s2  }
0xb0: {  	[dreg:$0x3] =	wrdreg s24  }
0xb1: {  	[dreg:$0x4] =	wrdreg s18  }
0xb2: {  	[dreg:$0x5] =	wrdreg $0x9  }
0xb3: {  	_ =	task.clear_ibuf [dreg:s8], $0x6FFFF;
	_ =	strace $0x90000046  }
0xb4: {  	s29 =	simm.s32 $0x9;
	_ =	strace $0x80000048  }
0xb5: {  	_ =	swait.ge [sflag:s29], $0x1  }
0xb6: {  	[sflag:s29] =	ssyncadd.s32 $0xFFFFFFFF  }
0xb7: {  	_ =	strace $0x90000048  }
0xb8: {  	_ =	sfence  }
0xb9: {  	s30 =	sld [smem:$0x0];
	_ =	sdelay $0x2  }
0xba: {  	s31 =	sshll.u32 s1, $0xD;
	s1 =	sshrl.u32 s1, $0x2  }
0xbb: {  	s3 =	sand.u32 $0x4000, s31;
	s1 =	sadd.s32 s1, s30  }
0xbc: {  	s0 =	sor.u32 s3, s0;
	s1 =	sshll.u32 s1, $0x11  }
0xbd: {  	s0 =	sor.u32 s1, s0  }
0xbe: {  	s0 =	sadd.s32 $0x8F2B, s0  }
0xbf: {  	[sflag:s0] =	ssyncadd.remote.s32 $0x1  }
0xc0: {  	_ =	sfence.sel $0xFFFF  }
0xc1: {  	[dreg:$0x0] =	wrdreg $0xFFFFFFFF;
	(pc) =	sbr.abs _section_cstart, $3  }
0xc2: {  	[dreg:$0x1] =	wrdreg $0xFFFFFFFF  }
0xc3: {  	_ =	task.clear_ibuf [dreg:s8], $0x2FFFF;
	_ =	strace $0x9FFFFFFF  }
0xc4: {  	(tm) =	ssettm $0x7FFFFFFF  }
0xc5: {  	_ =	shalt  }
tec
execute0_lowered:
.L_overlay_start_1:
0x0: {  	(tag) =	ssettag $0x1  }
0x1: {  	s11 =	rddreg [dreg:$0x0]  }
0x2: {  	s0 =	rddreg [dreg:$0x1]  }
0x3: {  	s3 =	rddreg [dreg:$0x2]  }
0x4: {  	s4 =	simm.s32 $0x0;
	s1 =	srdreg.scid;
	s2 =	stileid.u32  }
0x5: {  	s28 =	simm.s32 $0x1;
	s1 =	sand.u32 $0x1, s1;
	s2 =	sshll.u32 s2, $0x1  }
0x6: {  	[smem:$0x7FF] =	sst s4;
	s5 =	sadd.s32 $0xD200, s0;
	s2 =	sor.u32 s1, s2  }
0x7: {  	s6 =	sadd.s32 $0x4800, s0;
	s7 =	sadd.s32 $0x1A00, s0;
	s8 =	smul.u32 $0xB40, s2  }
0x8: {  	s9 =	sadd.s32 $0xA400, s0;
	s10 =	sadd.s32 $0x7600, s0;
	s2 =	smul.u32 $0xB400, s2  }
0x9: {  	s0 =	sadd.s32 $0x1000, s0;
	_ =	strace $0x80000047;
	s1 =	ssub.s32 $0x2, s1  }
0xa: {  	[dreg:$0x4] =	wrdreg s0;
	s21 =	sshrl.u32 s1, $0x1;
	s22 =	sadd.s32 s11, s2  }
0xb: {  	s0 =	ssub.s32 s1, s21;
	s31 =	sadd.s32 $0xC0, s8;
	[dreg:$0x5] =	wrdreg s22  }
0xc: {  	s23 =	sshrl.u32 s8, $0x3;
	s0 =	smax.u32 s0, $0x1;
	[dreg:$0xa] =	wrdreg s31  }
0xd: {  	s29 =	simm.s32 $0x15600;
	s24 =	sadd.s32 s6, s23;
	[dreg:$0xb] =	wrdreg s0  }
0xe: {  	s30 =	simm.s32 $0x2;
	s25 =	sadd.s32 s7, s23;
	[dreg:$0x6] =	wrdreg s24  }
0xf: {  	s21 =	simm.s32 $0x3;
	s26 =	sadd.s32 s9, s23;
	[dreg:$0x7] =	wrdreg s25  }
0x10: {  	s17 =	sadd.s32 $0x60, s8;
	s1 =	sadd.s32 s10, s23;
	[dreg:$0x8] =	wrdreg s26  }
0x11: {  	v0 =	vlaneseq.u32;
	s23 =	simm.s32 $0x15080;
	[dreg:$0x9] =	wrdreg s1;
	s24 =	simm.s32 $0x15100  }
0x12: {  	v1 =	vimm.s32 $0x0;
	v2 =	vimm.f32 $0.0e+00;
	v0 =	vmul.u32 $0x80, v0;
	s25 =	simm.s32 $0x15180;
	s26 =	simm.s32 $0x80;
	s1 =	simm.s32 $0x0  }
.LBB2_1:
0x13: {  	[dreg:$0xc] =	wrdreg s1  }
0x14: {  	s0 =	rddreg [dreg:$0x4];
	s15 =	simm.s32 $0x15200  }
0x15: {  	[tilespmem:s15], [sflag:$0x3] =	stream.linear.gather [hbm4b:s0+s4], $0x400, $0x38;
	[tilespmem:$0x15680] =	vst v63  }
0x16: {  	_ =	swait.ge [sflag:s21], $0x400  }
0x17: {  	[sflag:s21] =	ssyncset.done $0x0  }
0x18: {  	[sflag:s21] =	ssyncadd.s32 $0xFFFFFC00  }
0x19: {  	v3 =	vld [tilespmem:$0x15200]  }
0x1a: {  	v4 =	vld [tilespmem:$0x15280]  }
0x1b: {  	v5 =	vld [tilespmem:$0x15300]  }
0x1c: {  	v6 =	vld [tilespmem:$0x15380]  }
0x1d: {  	s16 =	rddreg [dreg:$0x5];
	v7 =	vld [tilespmem:$0x15400]  }
0x1e: {  	v8 =	vld [tilespmem:$0x15480];
	[tilespmem:s4], [sflag:$0x3] =	stream.linear.gather [hbm4b:s16+s4], $0x3000, $0x38  }
0x1f: {  	_ =	swait.ge [sflag:s21], $0x3000  }
0x20: {  	[sflag:s21] =	ssyncset.done $0x0  }
0x21: {  	s19 =	simm.s32 $0x15000;
	s18 =	rddreg [dreg:$0x6];
	[sflag:s21] =	ssyncadd.s32 $0xFFFFD000  }
0x22: {  	[tilespmem:s19], [sflag:$0x3] =	stream.linear.gather [hbm4b:s18+s4], $0x60, $0x38;
	[tilespmem:$0x15680] =	vst v63  }
0x23: {  	_ =	swait.ge [sflag:s21], $0x60  }
0x24: {  	[sflag:s21] =	ssyncset.done $0x0  }
0x25: {  	s20 =	rddreg [dreg:$0x7];
	[sflag:s21] =	ssyncadd.s32 $0xFFFFFFA0  }
0x26: {  	[tilespmem:s23], [sflag:$0x3] =	stream.linear.gather [hbm4b:s20+s4], $0x60, $0x38;
	[tilespmem:$0x15680] =	vst v63  }
0x27: {  	_ =	swait.ge [sflag:s21], $0x60  }
0x28: {  	[sflag:s21] =	ssyncset.done $0x0  }
0x29: {  	s22 =	rddreg [dreg:$0x8];
	[sflag:s21] =	ssyncadd.s32 $0xFFFFFFA0  }
0x2a: {  	[tilespmem:s24], [sflag:$0x3] =	stream.linear.gather [hbm4b:s22+s4], $0x60, $0x38;
	[tilespmem:$0x15680] =	vst v63  }
0x2b: {  	_ =	swait.ge [sflag:s21], $0x60  }
0x2c: {  	[sflag:s21] =	ssyncset.done $0x0  }
0x2d: {  	s31 =	rddreg [dreg:$0x9];
	[sflag:s21] =	ssyncadd.s32 $0xFFFFFFA0  }
0x2e: {  	[tilespmem:s25], [sflag:$0x3] =	stream.linear.gather [hbm4b:s31+s4], $0x60, $0x38;
	[tilespmem:$0x15680] =	vst v63  }
0x2f: {  	s2 =	simm.s32 $0x3040;
	_ =	swait.ge [sflag:s21], $0x60  }
0x30: {  	s11 =	simm.s32 $0xF040;
	s12 =	simm.s32 $0x780;
	[sflag:s21] =	ssyncset.done $0x0  }
0x31: {  	s13 =	simm.s32 $0xF780;
	s14 =	simm.s32 $0x0;
	[sflag:s21] =	ssyncadd.s32 $0xFFFFFFA0  }
.LBB2_2:
0x32: {  	s0 =	sshll.u32 s14, $0x4  }
0x33: {  	v9 =	vld [tilespmem:s0+$0x15000]  }
0x34: {  	v10 =	vld [tilespmem:s0+$0x15080]  }
0x35: {  	v11 =	vld [tilespmem:s0+$0x15100]  }
0x36: {  	v12 =	vld [tilespmem:s0+$0x15180];
	_ =	sdelay $0x4  }
0x37: {  	v11 =	vsub.f32 v11, v9;
	v12 =	vsub.f32 v12, v10;
	_ =	sdelay $0x1  }
0x38: {  	v13 =	vmul.f32 v11, v11;
	v14 =	vmul.f32 v12, v12;
	_ =	sdelay $0x1  }
0x39: {  	v14 =	vadd.f32 v14, v13;
	_ =	sdelay $0x1  }
0x3a: {  	v13 =	vshrl.u32 v14, $0x1;
	v15 =	vmul.f32 $5.000000000e-01, v14  }
0x3b: {  	v13 =	vsub.s32 $0x5F3759DF, v13  }
0x3c: {  	v16 =	vmul.f32 v13, v15;
	_ =	sdelay $0x1  }
0x3d: {  	v16 =	vmul.f32 v13, v16;
	_ =	sdelay $0x1  }
0x3e: {  	v16 =	vsub.f32 $1.500000000e+00, v16;
	_ =	sdelay $0x1  }
0x3f: {  	v16 =	vmul.f32 v13, v16;
	_ =	sdelay $0x1  }
0x40: {  	v13 =	vmul.f32 v16, v15;
	_ =	sdelay $0x1  }
0x41: {  	v13 =	vmul.f32 v13, v16  }
0x42: {  	v17 =	vmov s0  }
0x43: {  	v18 =	vsub.f32 $1.500000000e+00, v13;
	v13 =	vshll.u32 v17, $0x7  }
0x44: {  	v13 =	vor.u32 v0, v13  }
0x45: {  	v16 =	vmul.f32 v18, v16;
	_ =	sdelay $0x1  }
0x46: {  	v15 =	vmul.f32 v16, v15;
	_ =	sdelay $0x1  }
0x47: {  	v17 =	vmul.f32 v15, v16;
	v15 =	vld.idx.msk [tilespmem:v13+s4+$0x0], $0xffff;
	_ =	sdelay $0x1  }
0x48: {  	v17 =	vsub.f32 $1.500000000e+00, v17;
	_ =	sdelay $0x1  }
0x49: {  	v16 =	vmul.f32 v17, v16  }
0x4a: {  	v17 =	vmul.f32 v15, v11;
	v18 =	vmul.f32 v12, v15;
	_ =	sdelay $0x1  }
0x4b: {  	s15 =	simm.s32 $0xFFFFFFF8;
	s16 =	smov.u32 s11;
	s18 =	smov.u32 s2;
	v14 =	vmul.f32 v16, v14;
	v21 =	vadd.f32 v17, v9;
	v18 =	vadd.f32 v18, v10  }
.LBB2_3:
0x4c: {  	v16 =	vor.u32 $0x1, v13;
	_ =	sdelay $0x2  }
0x4d: {  	v19 =	vor.u32 $0x2, v13  }
0x4e: {  	s0 =	simm.s32 $0x0  }
0x4f: {  	v16 =	vld.idx.msk [tilespmem:v16+s0+$0x0], $0xffff;
	_ =	sdelay $0x2  }
0x50: {  	v22 =	vld.idx.msk [tilespmem:v19+s0+$0x0], $0xffff;
	_ =	sdelay $0x1  }
0x51: {  	v17 =	vmul.f32 v16, v11;
	v20 =	vmul.f32 v16, v12;
	_ =	sdelay $0x1  }
0x52: {  	v17 =	vadd.f32 v17, v9;
	v20 =	vadd.f32 v20, v10  }
0x53: {  	v24 =	vmul.f32 v22, v11;
	v26 =	vmul.f32 v22, v12  }
0x54: {  	v21 =	vadd.f32 v17, v21;
	v18 =	vadd.f32 v20, v18  }
0x55: {  	v24 =	vadd.f32 v24, v9;
	v42 =	vadd.f32 v26, v10  }
0x56: {  	v19 =	vmul.f32 $5.000000000e-01, v21;
	v18 =	vmul.f32 $5.000000000e-01, v18  }
0x57: {  	v17 =	vadd.f32 v24, v17;
	v20 =	vadd.f32 v42, v20  }
0x58: {  	v21 =	vor.u32 $0x3, v13;
	v19 =	vsub.f32 v19, v7;
	v18 =	vsub.f32 v18, v8  }
0x59: {  	v17 =	vmul.f32 $5.000000000e-01, v17;
	v20 =	vmul.f32 $5.000000000e-01, v20  }
0x5a: {  	v23 =	vmul.f32 v19, v3;
	v25 =	vmul.f32 v18, v4  }
0x5b: {  	v17 =	vsub.f32 v17, v7;
	v19 =	vmul.f32 v19, v5;
	v18 =	vmul.f32 v18, v6  }
0x5c: {  	v20 =	vsub.f32 v20, v8  }
0x5d: {  	v28 =	vmul.f32 v17, v3;
	v23 =	vadd.f32 v25, v23;
	v19 =	vadd.f32 v18, v19;
	v18 =	vld.idx.msk [tilespmem:v21+s0+$0x0], $0xffff  }
0x5e: {  	v15 =	vsub.f32 v16, v15;
	v29 =	vmul.f32 v20, v4;
	v17 =	vmul.f32 v17, v5  }
0x5f: {  	v20 =	vmul.f32 v20, v6;
	v21 =	vadd.f32 $1.258291200e+07, v23;
	v19 =	vadd.f32 $1.258291200e+07, v19  }
0x60: {  	v48 =	vor.u32 $0x5, v13;
	v15 =	vmul.f32 v15, v14  }
0x61: {  	v17 =	vadd.f32 v20, v17;
	v21 =	vadd.s32 $0xB4C00000, v21;
	v19 =	vadd.s32 $0xB4C00000, v19  }
0x62: {  	v23 =	vmul.f32 v18, v11;
	v43 =	vmul.f32 v18, v12;
	v27 =	vor.u32 v19, v21  }
0x63: {  	v46 =	vadd.f32 $1.258291200e+07, v17;
	v21 =	vshll.u32 v21, $0x9;
	vm0 =	vlt.u32 v27, $0x200  }
0x64: {  	v19 =	vor.u32 v19, v21;
	v23 =	vadd.f32 v23, v9;
	v26 =	vadd.f32 v43, v10  }
0x65: {  	v17 =	vnsel vm0, $0x0, v19;
	v19 =	vnsel vm0, $0x0, v15;
	v15 =	vsub.f32 v22, v16  }
0x66: {  	v30 =	vor.u32 $0x4, v13;
	v16 =	vld.idx.msk [tilespmem:v48+s0+$0x0], $0xffff;
	v24 =	vadd.f32 v23, v24;
	v25 =	vadd.f32 v26, v42;
	_ =	sdelay $0x1  }
0x67: {  	v60 =	vor.u32 $0x6, v13;
	v20 =	vmul.f32 $5.000000000e-01, v24;
	v21 =	vmul.f32 $5.000000000e-01, v25  }
0x68: {  	v34 =	vor.u32 $0x7, v13;
	v44 =	vadd.f32 v29, v28;
	v22 =	vsub.f32 v18, v22  }
0x69: {  	v15 =	vmul.f32 v15, v14;
	v47 =	vsub.f32 v20, v7;
	v21 =	vsub.f32 v21, v8  }
0x6a: {  	v45 =	vadd.f32 $1.258291200e+07, v44;
	v22 =	vmul.f32 v22, v14;
	v58 =	vmul.f32 v16, v12;
	v20 =	vld.idx.msk [tilespmem:v30+s0+$0x0], $0xffff  }
0x6b: {  	v13 =	vadd.s32 $0x8, v13;
	v50 =	vmul.f32 v47, v3;
	v31 =	vmul.f32 v21, v4  }
0x6c: {  	v24 =	vadd.s32 $0xB4C00000, v45;
	v27 =	vmul.f32 v47, v5;
	v21 =	vmul.f32 v21, v6  }
0x6d: {  	v25 =	vadd.s32 $0xB4C00000, v46;
	v57 =	vmul.f32 v16, v11;
	v30 =	vadd.f32 v58, v10  }
0x6e: {  	v49 =	vor.u32 v25, v24;
	v51 =	vadd.f32 v31, v50;
	v21 =	vadd.f32 v21, v27  }
0x6f: {  	v27 =	vadd.f32 v57, v9;
	v52 =	vmul.f32 v20, v11;
	v53 =	vmul.f32 v20, v12  }
0x70: {  	v24 =	vshll.u32 v24, $0x9;
	v18 =	vsub.f32 v20, v18;
	v20 =	vsub.f32 v16, v20  }
0x71: {  	vm10 =	vlt.u32 v49, $0x200;
	v55 =	vadd.f32 v52, v9;
	v56 =	vadd.f32 v53, v10  }
0x72: {  	v29 =	vnsel vm10, $0x0, v15;
	v54 =	vadd.f32 $1.258291200e+07, v51;
	v15 =	vadd.f32 $1.258291200e+07, v21  }
0x73: {  	v24 =	vor.u32 v25, v24;
	v23 =	vadd.f32 v55, v23;
	v26 =	vadd.f32 v56, v26  }
0x74: {  	v21 =	vadd.s32 $0xB4C00000, v54;
	v15 =	vadd.s32 $0xB4C00000, v15;
	v25 =	vadd.f32 v27, v55  }
0x75: {  	v28 =	vadd.f32 v30, v56;
	v23 =	vmul.f32 $5.000000000e-01, v23;
	v26 =	vmul.f32 $5.000000000e-01, v26  }
0x76: {  	v59 =	vor.u32 v15, v21;
	v21 =	vshll.u32 v21, $0x9;
	v25 =	vmul.f32 $5.000000000e-01, v25  }
0x77: {  	v28 =	vmul.f32 $5.000000000e-01, v28;
	v23 =	vsub.f32 v23, v7;
	v26 =	vsub.f32 v26, v8  }
0x78: {  	v18 =	vmul.f32 v18, v14;
	v15 =	vor.u32 v15, v21;
	v21 =	vsub.f32 v25, v7  }
0x79: {  	v61 =	vsub.f32 v28, v8;
	v32 =	vmul.f32 v23, v3;
	v33 =	vmul.f32 v26, v4  }
0x7a: {  	vm11 =	vlt.u32 v59, $0x200;
	v28 =	vld.idx.msk [tilespmem:v60+s0+$0x0], $0xffff;
	v23 =	vmul.f32 v23, v5;
	v26 =	vmul.f32 v26, v6  }
0x7b: {  	v63 =	vnsel vm11, $0x0, v15;
	v15 =	vmul.f32 v21, v3;
	v39 =	vmul.f32 v61, v4  }
0x7c: {  	[tilespmem:s18+$0xFFFFFFC0] =	vst v17;
	v24 =	vnsel vm10, $0x0, v24;
	v21 =	vmul.f32 v21, v5;
	v25 =	vmul.f32 v61, v6  }
0x7d: {  	v17 =	vmul.f32 v20, v14;
	v32 =	vadd.f32 v33, v32;
	v23 =	vadd.f32 v26, v23;
	v33 =	vld.idx.msk [tilespmem:v34+s0+$0x0], $0xffff  }
0x7e: {  	v22 =	vnsel vm11, $0x0, v22;
	v15 =	vadd.f32 v39, v15;
	v21 =	vadd.f32 v25, v21  }
0x7f: {  	v40 =	vmul.f32 v28, v11;
	v16 =	vsub.f32 v28, v16;
	v62 =	vadd.f32 $1.258291200e+07, v32  }
0x80: {  	v41 =	vmul.f32 v28, v12;
	v23 =	vadd.f32 $1.258291200e+07, v23;
	v15 =	vadd.f32 $1.258291200e+07, v15  }
0x81: {  	v21 =	vadd.f32 $1.258291200e+07, v21;
	v42 =	vadd.f32 v40, v9;
	v26 =	vadd.s32 $0xB4C00000, v62  }
0x82: {  	v23 =	vadd.s32 $0xB4C00000, v23;
	v44 =	vmul.f32 v33, v11;
	v45 =	vmul.f32 v33, v12  }
0x83: {  	v43 =	vadd.f32 v41, v10;
	v35 =	vor.u32 v23, v26;
	v27 =	vadd.f32 v42, v27  }
0x84: {  	vm1 =	vlt.u32 v35, $0x200;
	v34 =	vadd.f32 v44, v9;
	v35 =	vadd.f32 v45, v10  }
0x85: {  	v16 =	vmul.f32 v16, v14;
	v36 =	vadd.s32 $0xB4C00000, v15;
	v30 =	vadd.f32 v43, v30  }
0x86: {  	v15 =	vmul.f32 $5.000000000e-01, v27;
	v25 =	vadd.f32 v34, v42;
	v47 =	vadd.f32 v35, v43  }
0x87: {  	v21 =	vadd.s32 $0xB4C00000, v21;
	v26 =	vshll.u32 v26, $0x9;
	v46 =	vmul.f32 $5.000000000e-01, v30  }
0x88: {  	v49 =	vsub.f32 v15, v7;
	v15 =	vld.idx.msk [tilespmem:v13+s0+$0x0], $0xffff;
	v25 =	vmul.f32 $5.000000000e-01, v25;
	v30 =	vmul.f32 $5.000000000e-01, v47  }
0x89: {  	[tilespmem:s18+$0xFFFFFFE0] =	vst v63;
	v48 =	vor.u32 v21, v36;
	v36 =	vshll.u32 v36, $0x9;
	v63 =	vsub.f32 v33, v28  }
0x8a: {  	v23 =	vor.u32 v23, v26;
	v25 =	vsub.f32 v25, v7;
	v30 =	vsub.f32 v30, v8  }
0x8b: {  	vm12 =	vlt.u32 v48, $0x200;
	v36 =	vor.u32 v21, v36;
	v23 =	vnsel vm1, $0x0, v23  }
0x8c: {  	v27 =	vsub.f32 v46, v8;
	v21 =	vmul.f32 v25, v3;
	v38 =	vmul.f32 v30, v4  }
0x8d: {  	v53 =	vnsel vm1, $0x0, v18;
	v50 =	vmul.f32 v49, v3;
	v52 =	vmul.f32 v15, v12  }
0x8e: {  	v37 =	vmul.f32 v27, v4;
	v51 =	vadd.f32 v38, v21;
	v21 =	vmul.f32 v15, v11  }
0x8f: {  	v32 =	vmul.f32 v49, v5;
	v27 =	vmul.f32 v27, v6;
	v18 =	vadd.f32 v52, v10  }
0x90: {  	v59 =	vnsel vm12, $0x0, v36;
	v26 =	vadd.f32 v37, v50;
	v21 =	vadd.f32 v21, v9  }
0x91: {  	v17 =	vnsel vm12, $0x0, v17;
	v27 =	vadd.f32 v27, v32;
	v35 =	vadd.f32 v18, v35  }
0x92: {  	v26 =	vadd.f32 $1.258291200e+07, v26;
	v25 =	vmul.f32 v25, v5;
	v34 =	vadd.f32 v21, v34  }
0x93: {  	[tilespmem:s18+$0x0] =	vst v59;
	v27 =	vadd.f32 $1.258291200e+07, v27;
	v30 =	vmul.f32 v30, v6;
	v56 =	vmul.f32 $5.000000000e-01, v35  }
0x94: {  	[tilespmem:s16+$0x0] =	vst v17;
	v17 =	vmul.f32 v63, v14;
	v26 =	vadd.s32 $0xB4C00000, v26;
	v55 =	vmul.f32 $5.000000000e-01, v34  }
0x95: {  	v27 =	vadd.s32 $0xB4C00000, v27;
	v25 =	vadd.f32 v30, v25;
	v58 =	vsub.f32 v56, v8  }
0x96: {  	v54 =	vor.u32 v27, v26;
	v20 =	vadd.f32 $1.258291200e+07, v51;
	v57 =	vsub.f32 v55, v7  }
0x97: {  	v25 =	vadd.f32 $1.258291200e+07, v25;
	v61 =	vmul.f32 v58, v4;
	v30 =	vmul.f32 v58, v6  }
0x98: {  	[tilespmem:s16+$0xFFFFFFC0] =	vst v19;
	v19 =	vshll.u32 v26, $0x9;
	v60 =	vmul.f32 v57, v3;
	v26 =	vmul.f32 v57, v5  }
0x99: {  	[tilespmem:s16+$0xFFFFFFE0] =	vst v22;
	vm13 =	vlt.u32 v54, $0x200;
	v20 =	vadd.s32 $0xB4C00000, v20;
	v25 =	vadd.s32 $0xB4C00000, v25  }
0x9a: {  	[tilespmem:s18+$0xFFFFFFF0] =	vst v23;
	v62 =	vor.u32 v25, v20;
	v22 =	vadd.f32 v61, v60;
	v23 =	vadd.f32 v30, v26  }
0x9b: {  	[tilespmem:s18+$0xFFFFFFD0] =	vst v24;
	v19 =	vor.u32 v27, v19;
	v20 =	vshll.u32 v20, $0x9;
	vm14 =	vlt.u32 v62, $0x200  }
0x9c: {  	[tilespmem:s16+$0xFFFFFFD0] =	vst v29;
	v20 =	vor.u32 v25, v20;
	v22 =	vadd.f32 $1.258291200e+07, v22;
	v23 =	vadd.f32 $1.258291200e+07, v23  }
0x9d: {  	s15 =	sadd.s32 $0x8, s15;
	[tilespmem:s16+$0xFFFFFFF0] =	vst v53;
	v19 =	vnsel vm13, $0x0, v19;
	v16 =	vnsel vm13, $0x0, v16;
	v20 =	vnsel vm14, $0x0, v20  }
0x9e: {  	p0 =	slt.u32 s15, $0x70;
	[tilespmem:s18+$0x10] =	vst v19;
	v19 =	vadd.s32 $0xB4C00000, v22;
	v22 =	vadd.s32 $0xB4C00000, v23;
	v23 =	vsub.f32 v15, v33  }
.Ltmp0:
0x9f: {  	[tilespmem:s16+$0x10] =	vst v16;
	v16 =	vnsel vm14, $0x0, v17;
	v17 =	vor.u32 v22, v19;
	v19 =	vshll.u32 v19, $0x9;
	(pc) =	sbr.rel @p0 .LBB2_3-.Ltmp0, $4  }
0xa0: {  	[tilespmem:s18+$0x20] =	vst v20;
	vm15 =	vlt.u32 v17, $0x200;
	v17 =	vor.u32 v22, v19;
	v19 =	vmul.f32 v23, v14  }
0xa1: {  	[tilespmem:s16+$0x20] =	vst v16;
	v16 =	vnsel vm15, $0x0, v17  }
0xa2: {  	v17 =	vnsel vm15, $0x0, v19;
	[tilespmem:s18+$0x30] =	vst v16  }
0xa3: {  	s1 =	simm.s32 $0x3000;
	s18 =	sadd.s32 $0x80, s18;
	[tilespmem:s16+$0x30] =	vst v17;
	s16 =	sadd.s32 $0x80, s16  }
0xa4: {  	s15 =	smov.u32 s12  }
.LBB2_5:
0xa5: {  	v13 =	vadd.s32 $0x1, v13;
	_ =	sdelay $0x4  }
0xa6: {  	v16 =	vld.idx.msk [tilespmem:v13+s4+$0x0], $0xffff;
	_ =	sdelay $0x4  }
0xa7: {  	v17 =	vmul.f32 v16, v11;
	v19 =	vmul.f32 v16, v12;
	_ =	sdelay $0x1  }
0xa8: {  	v17 =	vadd.f32 v17, v9;
	v19 =	vadd.f32 v19, v10;
	_ =	sdelay $0x1  }
0xa9: {  	v20 =	vadd.f32 v17, v21;
	v18 =	vadd.f32 v19, v18;
	_ =	sdelay $0x1  }
0xaa: {  	v20 =	vmul.f32 $5.000000000e-01, v20;
	v18 =	vmul.f32 $5.000000000e-01, v18;
	_ =	sdelay $0x1  }
0xab: {  	v20 =	vsub.f32 v20, v7;
	v18 =	vsub.f32 v18, v8;
	_ =	sdelay $0x1  }
0xac: {  	v21 =	vmul.f32 v20, v3;
	v22 =	vmul.f32 v18, v4  }
0xad: {  	v20 =	vmul.f32 v20, v5;
	v18 =	vmul.f32 v18, v6;
	_ =	sdelay $0x1  }
0xae: {  	v21 =	vadd.f32 v22, v21;
	v18 =	vadd.f32 v18, v20;
	_ =	sdelay $0x1  }
0xaf: {  	v20 =	vadd.f32 $1.258291200e+07, v21;
	v18 =	vadd.f32 $1.258291200e+07, v18  }
0xb0: {  	v15 =	vsub.f32 v16, v15  }
0xb1: {  	v20 =	vadd.s32 $0xB4C00000, v20;
	v18 =	vadd.s32 $0xB4C00000, v18  }
0xb2: {  	p0 =	sne.s32 s0, $0x180;
	v15 =	vmul.f32 v15, v14;
	v21 =	vor.u32 v18, v20;
	v20 =	vshll.u32 v20, $0x9  }
.Ltmp1:
0xb3: {  	vm0 =	vlt.u32 v21, $0x200;
	v18 =	vor.u32 v18, v20;
	(pc) =	sbr.rel @p0 .LBB2_5-.Ltmp1, $4  }
0xb4: {  	s16 =	sand.u32 $0x3FFFFF80, s15;
	v18 =	vnsel vm0, $0x0, v18;
	v15 =	vnsel vm0, $0x0, v15  }
0xb5: {  	s18 =	sshra.s32 s0, $0x2;
	s16 =	sadd.s32 s16, s1  }
0xb6: {  	s31 =	sadd.s32 s18, s13;
	[tilespmem:s16+$0x0] =	vst v18  }
0xb7: {  	s15 =	sadd.s32 $0x10, s15;
	s0 =	sadd.s32 $0x40, s0;
	s1 =	sadd.s32 $0x10, s1;
	v21 =	vmov v17;
	[tilespmem:s31+$0x0] =	vst v15;
	v18 =	vmov v19;
	v15 =	vmov v16  }
0xb8: {  	s0 =	sshll.u32 s14, $0xB  }
0xb9: {  	[tilespmem:s0+$0x37F0] =	vst v1;
	s1 =	sand.u32 $0x3FFFF800, s0  }
0xba: {  	[tilespmem:s1+$0xF7F0] =	vst v2;
	s15 =	sadd.s32 $0x9000, s1;
	s1 =	sadd.s32 $0x3000, s1  }
0xbb: {  	[tilespmem:s15], [sflag:$0x1] =	stream.indirect.gather [hbm4b:s5+s26], $0x1, s1, s26, $0xb8;
	[tilespmem:$0x15680] =	vst v63  }
0xbc: {  	s19 =	sadd.s32 $0x9080, s0;
	s20 =	sadd.s32 $0x3080, s0  }
0xbd: {  	[tilespmem:s19], [sflag:$0x1] =	stream.indirect.gather [hbm4b:s5+s26], $0x1, s20, s26, $0xb8;
	[tilespmem:$0x15680] =	vst v63  }
0xbe: {  	s22 =	sadd.s32 $0x9100, s0;
	s31 =	sadd.s32 $0x3100, s0  }
0xbf: {  	[tilespmem:s22], [sflag:$0x1] =	stream.indirect.gather [hbm4b:s5+s26], $0x1, s31, s26, $0xb8;
	[tilespmem:$0x15680] =	vst v63  }
0xc0: {  	s16 =	sadd.s32 $0x9180, s0;
	s18 =	sadd.s32 $0x3180, s0  }
0xc1: {  	[tilespmem:s16], [sflag:$0x1] =	stream.indirect.gather [hbm4b:s5+s26], $0x1, s18, s26, $0xb8;
	[tilespmem:$0x15680] =	vst v63  }
0xc2: {  	s19 =	sadd.s32 $0x9200, s0;
	s20 =	sadd.s32 $0x3200, s0  }
0xc3: {  	[tilespmem:s19], [sflag:$0x1] =	stream.indirect.gather [hbm4b:s5+s26], $0x1, s20, s26, $0xb8;
	[tilespmem:$0x15680] =	vst v63  }
0xc4: {  	s22 =	sadd.s32 $0x9280, s0;
	s31 =	sadd.s32 $0x3280, s0  }
0xc5: {  	[tilespmem:s22], [sflag:$0x1] =	stream.indirect.gather [hbm4b:s5+s26], $0x1, s31, s26, $0xb8;
	[tilespmem:$0x15680] =	vst v63  }
0xc6: {  	s16 =	sadd.s32 $0x9300, s0;
	s18 =	sadd.s32 $0x3300, s0  }
0xc7: {  	[tilespmem:s16], [sflag:$0x1] =	stream.indirect.gather [hbm4b:s5+s26], $0x1, s18, s26, $0xb8;
	[tilespmem:$0x15680] =	vst v63  }
0xc8: {  	s19 =	sadd.s32 $0x9380, s0;
	s20 =	sadd.s32 $0x3380, s0  }
0xc9: {  	[tilespmem:s19], [sflag:$0x1] =	stream.indirect.gather [hbm4b:s5+s26], $0x1, s20, s26, $0xb8;
	[tilespmem:$0x15680] =	vst v63  }
0xca: {  	s22 =	sadd.s32 $0x9400, s0;
	s31 =	sadd.s32 $0x3400, s0  }
0xcb: {  	[tilespmem:s22], [sflag:$0x1] =	stream.indirect.gather [hbm4b:s5+s26], $0x1, s31, s26, $0xb8;
	[tilespmem:$0x15680] =	vst v63  }
0xcc: {  	s16 =	sadd.s32 $0x9480, s0;
	s18 =	sadd.s32 $0x3480, s0  }
0xcd: {  	[tilespmem:s16], [sflag:$0x1] =	stream.indirect.gather [hbm4b:s5+s26], $0x1, s18, s26, $0xb8;
	[tilespmem:$0x15680] =	vst v63  }
0xce: {  	s19 =	sadd.s32 $0x9500, s0;
	s20 =	sadd.s32 $0x3500, s0  }
0xcf: {  	[tilespmem:s19], [sflag:$0x1] =	stream.indirect.gather [hbm4b:s5+s26], $0x1, s20, s26, $0xb8;
	[tilespmem:$0x15680] =	vst v63  }
0xd0: {  	s14 =	sadd.s32 $0x1, s14;
	s22 =	sadd.s32 $0x9580, s0;
	s31 =	sadd.s32 $0x3580, s0  }
0xd1: {  	[tilespmem:s22], [sflag:$0x1] =	stream.indirect.gather [hbm4b:s5+s26], $0x1, s31, s26, $0xb8;
	[tilespmem:$0x15680] =	vst v63  }
0xd2: {  	s2 =	sadd.s32 $0x800, s2;
	s15 =	sadd.s32 $0x9600, s0;
	s16 =	sadd.s32 $0x3600, s0  }
0xd3: {  	[tilespmem:s15], [sflag:$0x1] =	stream.indirect.gather [hbm4b:s5+s26], $0x1, s16, s26, $0xb8;
	[tilespmem:$0x15680] =	vst v63  }
0xd4: {  	p0 =	sne.s32 s14, $0x6;
	s18 =	sadd.s32 $0x9680, s0;
	s19 =	sadd.s32 $0x3680, s0  }
0xd5: {  	[tilespmem:s18], [sflag:$0x1] =	stream.indirect.gather [hbm4b:s5+s26], $0x1, s19, s26, $0xb8;
	[tilespmem:$0x15680] =	vst v63  }
.Ltmp2:
0xd6: {  	s20 =	sadd.s32 $0x9700, s0;
	s22 =	sadd.s32 $0x3700, s0;
	(pc) =	sbr.rel @p0 .LBB2_2-.Ltmp2, $4  }
0xd7: {  	[tilespmem:s20], [sflag:$0x1] =	stream.indirect.gather [hbm4b:s5+s26], $0x1, s22, s26, $0xb8;
	[tilespmem:$0x15680] =	vst v63  }
0xd8: {  	s11 =	sadd.s32 $0x800, s11;
	s31 =	sadd.s32 $0x9780, s0;
	s0 =	sadd.s32 $0x3780, s0  }
0xd9: {  	[tilespmem:s31], [sflag:$0x1] =	stream.indirect.gather [hbm4b:s5+s26], $0x1, s0, s26, $0xb8;
	[tilespmem:$0x15680] =	vst v63  }
0xda: {  	s12 =	sadd.s32 $0x800, s12;
	s13 =	sadd.s32 $0x800, s13;
	s0 =	simm.s32 $0x0  }
0xdb: {  	s2 =	simm.s32 $0x0  }
.LBB2_8:
0xdc: {  	s11 =	smul.u32 $0xC0, s2;
	_ =	sdelay $0x1  }
0xdd: {  	s1 =	sadd.s32 s11, s17  }
0xde: {  	s12 =	sshll.u32 s1, $0x4  }
0xdf: {  	s13 =	rddreg [dreg:$0x0];
	s12 =	sand.u32 $0x1FFFFE00, s12  }
0xe0: {  	s12 =	sadd.s32 s13, s12  }
0xe1: {  	[tilespmem:s0], [sflag:$0x3] =	stream.linear.gather [hbm4b:s12+s0], $0x3000, $0x38;
	[tilespmem:$0x15680] =	vst v63  }
0xe2: {  	_ =	swait.ge [sflag:s21], $0x3000  }
0xe3: {  	s20 =	sshrl.u32 s1, $0x3;
	[sflag:s21] =	ssyncset.done $0x0  }
0xe4: {  	s18 =	simm.s32 $0x15000;
	s1 =	sadd.s32 s6, s20;
	[sflag:s21] =	ssyncadd.s32 $0xFFFFD000  }
0xe5: {  	[tilespmem:s18], [sflag:$0x3] =	stream.linear.gather [hbm4b:s1+s0], $0x60, $0x38;
	[tilespmem:$0x15680] =	vst v63  }
0xe6: {  	_ =	swait.ge [sflag:s21], $0x60  }
0xe7: {  	[sflag:s21] =	ssyncset.done $0x0  }
0xe8: {  	s19 =	sadd.s32 s7, s20;
	[sflag:s21] =	ssyncadd.s32 $0xFFFFFFA0  }
0xe9: {  	[tilespmem:s23], [sflag:$0x3] =	stream.linear.gather [hbm4b:s19+s0], $0x60, $0x38;
	[tilespmem:$0x15680] =	vst v63  }
0xea: {  	_ =	swait.ge [sflag:s21], $0x60  }
0xeb: {  	[sflag:s21] =	ssyncset.done $0x0  }
0xec: {  	s22 =	sadd.s32 s9, s20;
	[sflag:s21] =	ssyncadd.s32 $0xFFFFFFA0  }
0xed: {  	[tilespmem:s24], [sflag:$0x3] =	stream.linear.gather [hbm4b:s22+s0], $0x60, $0x38;
	[tilespmem:$0x15680] =	vst v63  }
0xee: {  	_ =	swait.ge [sflag:s21], $0x60  }
0xef: {  	[sflag:s21] =	ssyncset.done $0x0  }
0xf0: {  	s31 =	sadd.s32 s10, s20;
	[sflag:s21] =	ssyncadd.s32 $0xFFFFFFA0  }
0xf1: {  	[tilespmem:s25], [sflag:$0x3] =	stream.linear.gather [hbm4b:s31+s0], $0x60, $0x38;
	[tilespmem:$0x15680] =	vst v63  }
0xf2: {  	s14 =	simm.s32 $0x780;
	_ =	swait.ge [sflag:s21], $0x60  }
0xf3: {  	s15 =	simm.s32 $0x12780;
	s16 =	simm.s32 $0x0;
	[sflag:s21] =	ssyncset.done $0x0  }
0xf4: {  	s1 =	simm.s32 $0x6040;
	s18 =	simm.s32 $0x12040;
	[sflag:s21] =	ssyncadd.s32 $0xFFFFFFA0  }
.LBB2_9:
0xf5: {  	s12 =	sshll.u32 s16, $0x4  }
0xf6: {  	v9 =	vld [tilespmem:s12+$0x15000]  }
0xf7: {  	v10 =	vld [tilespmem:s12+$0x15080]  }
0xf8: {  	v11 =	vld [tilespmem:s12+$0x15100]  }
0xf9: {  	v12 =	vld [tilespmem:s12+$0x15180];
	_ =	sdelay $0x4  }
0xfa: {  	v11 =	vsub.f32 v11, v9;
	v12 =	vsub.f32 v12, v10;
	_ =	sdelay $0x1  }
0xfb: {  	v13 =	vmul.f32 v11, v11;
	v14 =	vmul.f32 v12, v12;
	_ =	sdelay $0x1  }
0xfc: {  	v14 =	vadd.f32 v14, v13;
	_ =	sdelay $0x1  }
0xfd: {  	v13 =	vshrl.u32 v14, $0x1;
	v15 =	vmul.f32 $5.000000000e-01, v14  }
0xfe: {  	v13 =	vsub.s32 $0x5F3759DF, v13  }
0xff: {  	v16 =	vmul.f32 v13, v15;
	_ =	sdelay $0x1  }
0x100: {  	v16 =	vmul.f32 v13, v16;
	_ =	sdelay $0x1  }
0x101: {  	v16 =	vsub.f32 $1.500000000e+00, v16;
	_ =	sdelay $0x1  }
0x102: {  	v16 =	vmul.f32 v13, v16;
	_ =	sdelay $0x1  }
0x103: {  	v13 =	vmul.f32 v16, v15;
	_ =	sdelay $0x1  }
0x104: {  	v13 =	vmul.f32 v13, v16  }
0x105: {  	v17 =	vmov s12  }
0x106: {  	v18 =	vsub.f32 $1.500000000e+00, v13;
	v13 =	vshll.u32 v17, $0x7  }
0x107: {  	v13 =	vor.u32 v0, v13  }
0x108: {  	v16 =	vmul.f32 v18, v16;
	_ =	sdelay $0x1  }
0x109: {  	v15 =	vmul.f32 v16, v15;
	_ =	sdelay $0x1  }
0x10a: {  	v17 =	vmul.f32 v15, v16;
	v15 =	vld.idx.msk [tilespmem:v13+s4+$0x0], $0xffff;
	_ =	sdelay $0x1  }
0x10b: {  	v17 =	vsub.f32 $1.500000000e+00, v17;
	_ =	sdelay $0x1  }
0x10c: {  	v16 =	vmul.f32 v17, v16  }
0x10d: {  	v17 =	vmul.f32 v15, v11;
	v18 =	vmul.f32 v12, v15;
	_ =	sdelay $0x1  }
0x10e: {  	s31 =	simm.s32 $0xFFFFFFF8;
	s13 =	smov.u32 s18;
	s12 =	smov.u32 s1;
	v14 =	vmul.f32 v16, v14;
	v21 =	vadd.f32 v17, v9;
	v18 =	vadd.f32 v18, v10  }
.LBB2_10:
0x10f: {  	v16 =	vor.u32 $0x1, v13;
	_ =	sdelay $0x2  }
0x110: {  	v19 =	vor.u32 $0x2, v13  }
0x111: {  	s19 =	simm.s32 $0x0  }
0x112: {  	v16 =	vld.idx.msk [tilespmem:v16+s19+$0x0], $0xffff;
	_ =	sdelay $0x2  }
0x113: {  	v22 =	vld.idx.msk [tilespmem:v19+s19+$0x0], $0xffff;
	_ =	sdelay $0x1  }
0x114: {  	v17 =	vmul.f32 v16, v11;
	v20 =	vmul.f32 v16, v12;
	_ =	sdelay $0x1  }
0x115: {  	v17 =	vadd.f32 v17, v9;
	v20 =	vadd.f32 v20, v10  }
0x116: {  	v24 =	vmul.f32 v22, v11;
	v26 =	vmul.f32 v22, v12  }
0x117: {  	v21 =	vadd.f32 v17, v21;
	v18 =	vadd.f32 v20, v18  }
0x118: {  	v24 =	vadd.f32 v24, v9;
	v42 =	vadd.f32 v26, v10  }
0x119: {  	v19 =	vmul.f32 $5.000000000e-01, v21;
	v18 =	vmul.f32 $5.000000000e-01, v18  }
0x11a: {  	v17 =	vadd.f32 v24, v17;
	v20 =	vadd.f32 v42, v20  }
0x11b: {  	v21 =	vor.u32 $0x3, v13;
	v19 =	vsub.f32 v19, v7;
	v18 =	vsub.f32 v18, v8  }
0x11c: {  	v17 =	vmul.f32 $5.000000000e-01, v17;
	v20 =	vmul.f32 $5.000000000e-01, v20  }
0x11d: {  	v23 =	vmul.f32 v19, v3;
	v25 =	vmul.f32 v18, v4  }
0x11e: {  	v17 =	vsub.f32 v17, v7;
	v19 =	vmul.f32 v19, v5;
	v18 =	vmul.f32 v18, v6  }
0x11f: {  	v20 =	vsub.f32 v20, v8  }
0x120: {  	v28 =	vmul.f32 v17, v3;
	v23 =	vadd.f32 v25, v23;
	v19 =	vadd.f32 v18, v19;
	v18 =	vld.idx.msk [tilespmem:v21+s19+$0x0], $0xffff  }
0x121: {  	v15 =	vsub.f32 v16, v15;
	v29 =	vmul.f32 v20, v4;
	v17 =	vmul.f32 v17, v5  }
0x122: {  	v20 =	vmul.f32 v20, v6;
	v21 =	vadd.f32 $1.258291200e+07, v23;
	v19 =	vadd.f32 $1.258291200e+07, v19  }
0x123: {  	v48 =	vor.u32 $0x5, v13;
	v15 =	vmul.f32 v15, v14  }
0x124: {  	v17 =	vadd.f32 v20, v17;
	v21 =	vadd.s32 $0xB4C00000, v21;
	v19 =	vadd.s32 $0xB4C00000, v19  }
0x125: {  	v23 =	vmul.f32 v18, v11;
	v43 =	vmul.f32 v18, v12;
	v27 =	vor.u32 v19, v21  }
0x126: {  	v46 =	vadd.f32 $1.258291200e+07, v17;
	v21 =	vshll.u32 v21, $0x9;
	vm0 =	vlt.u32 v27, $0x200  }
0x127: {  	v19 =	vor.u32 v19, v21;
	v23 =	vadd.f32 v23, v9;
	v26 =	vadd.f32 v43, v10  }
0x128: {  	v17 =	vnsel vm0, $0x0, v19;
	v19 =	vnsel vm0, $0x0, v15;
	v15 =	vsub.f32 v22, v16  }
0x129: {  	v30 =	vor.u32 $0x4, v13;
	v16 =	vld.idx.msk [tilespmem:v48+s19+$0x0], $0xffff;
	v24 =	vadd.f32 v23, v24;
	v25 =	vadd.f32 v26, v42;
	_ =	sdelay $0x1  }
0x12a: {  	v60 =	vor.u32 $0x6, v13;
	v20 =	vmul.f32 $5.000000000e-01, v24;
	v21 =	vmul.f32 $5.000000000e-01, v25  }
0x12b: {  	v34 =	vor.u32 $0x7, v13;
	v44 =	vadd.f32 v29, v28;
	v22 =	vsub.f32 v18, v22  }
0x12c: {  	v15 =	vmul.f32 v15, v14;
	v47 =	vsub.f32 v20, v7;
	v21 =	vsub.f32 v21, v8  }
0x12d: {  	v45 =	vadd.f32 $1.258291200e+07, v44;
	v22 =	vmul.f32 v22, v14;
	v58 =	vmul.f32 v16, v12;
	v20 =	vld.idx.msk [tilespmem:v30+s19+$0x0], $0xffff  }
0x12e: {  	v13 =	vadd.s32 $0x8, v13;
	v50 =	vmul.f32 v47, v3;
	v31 =	vmul.f32 v21, v4  }
0x12f: {  	v24 =	vadd.s32 $0xB4C00000, v45;
	v27 =	vmul.f32 v47, v5;
	v21 =	vmul.f32 v21, v6  }
0x130: {  	v25 =	vadd.s32 $0xB4C00000, v46;
	v57 =	vmul.f32 v16, v11;
	v30 =	vadd.f32 v58, v10  }
0x131: {  	v49 =	vor.u32 v25, v24;
	v51 =	vadd.f32 v31, v50;
	v21 =	vadd.f32 v21, v27  }
0x132: {  	v27 =	vadd.f32 v57, v9;
	v52 =	vmul.f32 v20, v11;
	v53 =	vmul.f32 v20, v12  }
0x133: {  	v24 =	vshll.u32 v24, $0x9;
	v18 =	vsub.f32 v20, v18;
	v20 =	vsub.f32 v16, v20  }
0x134: {  	vm10 =	vlt.u32 v49, $0x200;
	v55 =	vadd.f32 v52, v9;
	v56 =	vadd.f32 v53, v10  }
0x135: {  	v29 =	vnsel vm10, $0x0, v15;
	v54 =	vadd.f32 $1.258291200e+07, v51;
	v15 =	vadd.f32 $1.258291200e+07, v21  }
0x136: {  	v24 =	vor.u32 v25, v24;
	v23 =	vadd.f32 v55, v23;
	v26 =	vadd.f32 v56, v26  }
0x137: {  	v21 =	vadd.s32 $0xB4C00000, v54;
	v15 =	vadd.s32 $0xB4C00000, v15;
	v25 =	vadd.f32 v27, v55  }
0x138: {  	v28 =	vadd.f32 v30, v56;
	v23 =	vmul.f32 $5.000000000e-01, v23;
	v26 =	vmul.f32 $5.000000000e-01, v26  }
0x139: {  	v59 =	vor.u32 v15, v21;
	v21 =	vshll.u32 v21, $0x9;
	v25 =	vmul.f32 $5.000000000e-01, v25  }
0x13a: {  	v28 =	vmul.f32 $5.000000000e-01, v28;
	v23 =	vsub.f32 v23, v7;
	v26 =	vsub.f32 v26, v8  }
0x13b: {  	v18 =	vmul.f32 v18, v14;
	v15 =	vor.u32 v15, v21;
	v21 =	vsub.f32 v25, v7  }
0x13c: {  	v61 =	vsub.f32 v28, v8;
	v32 =	vmul.f32 v23, v3;
	v33 =	vmul.f32 v26, v4  }
0x13d: {  	vm11 =	vlt.u32 v59, $0x200;
	v28 =	vld.idx.msk [tilespmem:v60+s19+$0x0], $0xffff;
	v23 =	vmul.f32 v23, v5;
	v26 =	vmul.f32 v26, v6  }
0x13e: {  	v63 =	vnsel vm11, $0x0, v15;
	v15 =	vmul.f32 v21, v3;
	v39 =	vmul.f32 v61, v4  }
0x13f: {  	[tilespmem:s12+$0xFFFFFFC0] =	vst v17;
	v24 =	vnsel vm10, $0x0, v24;
	v21 =	vmul.f32 v21, v5;
	v25 =	vmul.f32 v61, v6  }
0x140: {  	v17 =	vmul.f32 v20, v14;
	v32 =	vadd.f32 v33, v32;
	v23 =	vadd.f32 v26, v23;
	v33 =	vld.idx.msk [tilespmem:v34+s19+$0x0], $0xffff  }
0x141: {  	v22 =	vnsel vm11, $0x0, v22;
	v15 =	vadd.f32 v39, v15;
	v21 =	vadd.f32 v25, v21  }
0x142: {  	v40 =	vmul.f32 v28, v11;
	v16 =	vsub.f32 v28, v16;
	v62 =	vadd.f32 $1.258291200e+07, v32  }
0x143: {  	v41 =	vmul.f32 v28, v12;
	v23 =	vadd.f32 $1.258291200e+07, v23;
	v15 =	vadd.f32 $1.258291200e+07, v15  }
0x144: {  	v21 =	vadd.f32 $1.258291200e+07, v21;
	v42 =	vadd.f32 v40, v9;
	v26 =	vadd.s32 $0xB4C00000, v62  }
0x145: {  	v23 =	vadd.s32 $0xB4C00000, v23;
	v44 =	vmul.f32 v33, v11;
	v45 =	vmul.f32 v33, v12  }
0x146: {  	v43 =	vadd.f32 v41, v10;
	v35 =	vor.u32 v23, v26;
	v27 =	vadd.f32 v42, v27  }
0x147: {  	vm1 =	vlt.u32 v35, $0x200;
	v34 =	vadd.f32 v44, v9;
	v35 =	vadd.f32 v45, v10  }
0x148: {  	v16 =	vmul.f32 v16, v14;
	v36 =	vadd.s32 $0xB4C00000, v15;
	v30 =	vadd.f32 v43, v30  }
0x149: {  	v15 =	vmul.f32 $5.000000000e-01, v27;
	v25 =	vadd.f32 v34, v42;
	v47 =	vadd.f32 v35, v43  }
0x14a: {  	v21 =	vadd.s32 $0xB4C00000, v21;
	v26 =	vshll.u32 v26, $0x9;
	v46 =	vmul.f32 $5.000000000e-01, v30  }
0x14b: {  	v49 =	vsub.f32 v15, v7;
	v15 =	vld.idx.msk [tilespmem:v13+s19+$0x0], $0xffff;
	v25 =	vmul.f32 $5.000000000e-01, v25;
	v30 =	vmul.f32 $5.000000000e-01, v47  }
0x14c: {  	[tilespmem:s12+$0xFFFFFFE0] =	vst v63;
	v48 =	vor.u32 v21, v36;
	v36 =	vshll.u32 v36, $0x9;
	v63 =	vsub.f32 v33, v28  }
0x14d: {  	v23 =	vor.u32 v23, v26;
	v25 =	vsub.f32 v25, v7;
	v30 =	vsub.f32 v30, v8  }
0x14e: {  	vm12 =	vlt.u32 v48, $0x200;
	v36 =	vor.u32 v21, v36;
	v23 =	vnsel vm1, $0x0, v23  }
0x14f: {  	v27 =	vsub.f32 v46, v8;
	v21 =	vmul.f32 v25, v3;
	v38 =	vmul.f32 v30, v4  }
0x150: {  	v53 =	vnsel vm1, $0x0, v18;
	v50 =	vmul.f32 v49, v3;
	v52 =	vmul.f32 v15, v12  }
0x151: {  	v37 =	vmul.f32 v27, v4;
	v51 =	vadd.f32 v38, v21;
	v21 =	vmul.f32 v15, v11  }
0x152: {  	v32 =	vmul.f32 v49, v5;
	v27 =	vmul.f32 v27, v6;
	v18 =	vadd.f32 v52, v10  }
0x153: {  	v59 =	vnsel vm12, $0x0, v36;
	v26 =	vadd.f32 v37, v50;
	v21 =	vadd.f32 v21, v9  }
0x154: {  	v17 =	vnsel vm12, $0x0, v17;
	v27 =	vadd.f32 v27, v32;
	v35 =	vadd.f32 v18, v35  }
0x155: {  	v26 =	vadd.f32 $1.258291200e+07, v26;
	v25 =	vmul.f32 v25, v5;
	v34 =	vadd.f32 v21, v34  }
0x156: {  	[tilespmem:s12+$0x0] =	vst v59;
	v27 =	vadd.f32 $1.258291200e+07, v27;
	v30 =	vmul.f32 v30, v6;
	v56 =	vmul.f32 $5.000000000e-01, v35  }
0x157: {  	[tilespmem:s13+$0x0] =	vst v17;
	v17 =	vmul.f32 v63, v14;
	v26 =	vadd.s32 $0xB4C00000, v26;
	v55 =	vmul.f32 $5.000000000e-01, v34  }
0x158: {  	v27 =	vadd.s32 $0xB4C00000, v27;
	v25 =	vadd.f32 v30, v25;
	v58 =	vsub.f32 v56, v8  }
0x159: {  	v54 =	vor.u32 v27, v26;
	v20 =	vadd.f32 $1.258291200e+07, v51;
	v57 =	vsub.f32 v55, v7  }
0x15a: {  	v25 =	vadd.f32 $1.258291200e+07, v25;
	v61 =	vmul.f32 v58, v4;
	v30 =	vmul.f32 v58, v6  }
0x15b: {  	[tilespmem:s13+$0xFFFFFFC0] =	vst v19;
	v19 =	vshll.u32 v26, $0x9;
	v60 =	vmul.f32 v57, v3;
	v26 =	vmul.f32 v57, v5  }
0x15c: {  	[tilespmem:s13+$0xFFFFFFE0] =	vst v22;
	vm13 =	vlt.u32 v54, $0x200;
	v20 =	vadd.s32 $0xB4C00000, v20;
	v25 =	vadd.s32 $0xB4C00000, v25  }
0x15d: {  	[tilespmem:s12+$0xFFFFFFF0] =	vst v23;
	v62 =	vor.u32 v25, v20;
	v22 =	vadd.f32 v61, v60;
	v23 =	vadd.f32 v30, v26  }
0x15e: {  	[tilespmem:s12+$0xFFFFFFD0] =	vst v24;
	v19 =	vor.u32 v27, v19;
	v20 =	vshll.u32 v20, $0x9;
	vm14 =	vlt.u32 v62, $0x200  }
0x15f: {  	[tilespmem:s13+$0xFFFFFFD0] =	vst v29;
	v20 =	vor.u32 v25, v20;
	v22 =	vadd.f32 $1.258291200e+07, v22;
	v23 =	vadd.f32 $1.258291200e+07, v23  }
0x160: {  	s31 =	sadd.s32 $0x8, s31;
	[tilespmem:s13+$0xFFFFFFF0] =	vst v53;
	v19 =	vnsel vm13, $0x0, v19;
	v16 =	vnsel vm13, $0x0, v16;
	v20 =	vnsel vm14, $0x0, v20  }
0x161: {  	p0 =	slt.u32 s31, $0x70;
	[tilespmem:s12+$0x10] =	vst v19;
	v19 =	vadd.s32 $0xB4C00000, v22;
	v22 =	vadd.s32 $0xB4C00000, v23;
	v23 =	vsub.f32 v15, v33  }
.Ltmp3:
0x162: {  	[tilespmem:s13+$0x10] =	vst v16;
	v16 =	vnsel vm14, $0x0, v17;
	v17 =	vor.u32 v22, v19;
	v19 =	vshll.u32 v19, $0x9;
	(pc) =	sbr.rel @p0 .LBB2_10-.Ltmp3, $4  }
0x163: {  	[tilespmem:s12+$0x20] =	vst v20;
	vm15 =	vlt.u32 v17, $0x200;
	v17 =	vor.u32 v22, v19;
	v19 =	vmul.f32 v23, v14  }
0x164: {  	[tilespmem:s13+$0x20] =	vst v16;
	v16 =	vnsel vm15, $0x0, v17  }
0x165: {  	v17 =	vnsel vm15, $0x0, v19;
	[tilespmem:s12+$0x30] =	vst v16  }
0x166: {  	s22 =	simm.s32 $0x6000;
	s12 =	sadd.s32 $0x80, s12;
	[tilespmem:s13+$0x30] =	vst v17;
	s13 =	sadd.s32 $0x80, s13  }
0x167: {  	s12 =	smov.u32 s14  }
.LBB2_12:
0x168: {  	v13 =	vadd.s32 $0x1, v13;
	_ =	sdelay $0x4  }
0x169: {  	v16 =	vld.idx.msk [tilespmem:v13+s4+$0x0], $0xffff;
	_ =	sdelay $0x4  }
0x16a: {  	v17 =	vmul.f32 v16, v11;
	v19 =	vmul.f32 v16, v12;
	_ =	sdelay $0x1  }
0x16b: {  	v17 =	vadd.f32 v17, v9;
	v19 =	vadd.f32 v19, v10;
	_ =	sdelay $0x1  }
0x16c: {  	v20 =	vadd.f32 v17, v21;
	v18 =	vadd.f32 v19, v18;
	_ =	sdelay $0x1  }
0x16d: {  	v20 =	vmul.f32 $5.000000000e-01, v20;
	v18 =	vmul.f32 $5.000000000e-01, v18;
	_ =	sdelay $0x1  }
0x16e: {  	v20 =	vsub.f32 v20, v7;
	v18 =	vsub.f32 v18, v8;
	_ =	sdelay $0x1  }
0x16f: {  	v21 =	vmul.f32 v20, v3;
	v22 =	vmul.f32 v18, v4  }
0x170: {  	v20 =	vmul.f32 v20, v5;
	v18 =	vmul.f32 v18, v6;
	_ =	sdelay $0x1  }
0x171: {  	v21 =	vadd.f32 v22, v21;
	v18 =	vadd.f32 v18, v20;
	_ =	sdelay $0x1  }
0x172: {  	v20 =	vadd.f32 $1.258291200e+07, v21;
	v18 =	vadd.f32 $1.258291200e+07, v18  }
0x173: {  	v15 =	vsub.f32 v16, v15  }
0x174: {  	v20 =	vadd.s32 $0xB4C00000, v20;
	v18 =	vadd.s32 $0xB4C00000, v18  }
0x175: {  	p0 =	sne.s32 s19, $0x180;
	v15 =	vmul.f32 v15, v14;
	v21 =	vor.u32 v18, v20;
	v20 =	vshll.u32 v20, $0x9  }
.Ltmp4:
0x176: {  	vm0 =	vlt.u32 v21, $0x200;
	v18 =	vor.u32 v18, v20;
	(pc) =	sbr.rel @p0 .LBB2_12-.Ltmp4, $4  }
0x177: {  	s13 =	sand.u32 $0x3FFFFF80, s12;
	v18 =	vnsel vm0, $0x0, v18;
	v15 =	vnsel vm0, $0x0, v15  }
0x178: {  	s31 =	sshra.s32 s19, $0x2;
	s13 =	sadd.s32 s13, s22  }
0x179: {  	s31 =	sadd.s32 s31, s15;
	[tilespmem:s13+$0x0] =	vst v18  }
0x17a: {  	s12 =	sadd.s32 $0x10, s12;
	s19 =	sadd.s32 $0x40, s19;
	s22 =	sadd.s32 $0x10, s22;
	v21 =	vmov v17;
	[tilespmem:s31+$0x0] =	vst v15;
	v18 =	vmov v19;
	v15 =	vmov v16  }
0x17b: {  	s12 =	sshll.u32 s16, $0xB  }
0x17c: {  	[tilespmem:s12+$0x67F0] =	vst v1;
	s13 =	sand.u32 $0x3FFFF800, s12  }
0x17d: {  	[tilespmem:s13+$0x127F0] =	vst v2;
	s19 =	sadd.s32 $0xC000, s13;
	s13 =	sadd.s32 $0x6000, s13  }
0x17e: {  	[tilespmem:s19], [sflag:$0x2] =	stream.indirect.gather [hbm4b:s5+s26], $0x1, s13, s26, $0xb8;
	[tilespmem:$0x15680] =	vst v63  }
0x17f: {  	s22 =	sadd.s32 $0xC080, s12;
	s31 =	sadd.s32 $0x6080, s12  }
0x180: {  	[tilespmem:s22], [sflag:$0x2] =	stream.indirect.gather [hbm4b:s5+s26], $0x1, s31, s26, $0xb8;
	[tilespmem:$0x15680] =	vst v63  }
0x181: {  	s22 =	sadd.s32 $0xC100, s12;
	s31 =	sadd.s32 $0x6100, s12  }
0x182: {  	[tilespmem:s22], [sflag:$0x2] =	stream.indirect.gather [hbm4b:s5+s26], $0x1, s31, s26, $0xb8;
	[tilespmem:$0x15680] =	vst v63  }
0x183: {  	s22 =	sadd.s32 $0xC180, s12;
	s31 =	sadd.s32 $0x6180, s12  }
0x184: {  	[tilespmem:s22], [sflag:$0x2] =	stream.indirect.gather [hbm4b:s5+s26], $0x1, s31, s26, $0xb8;
	[tilespmem:$0x15680] =	vst v63  }
0x185: {  	s22 =	sadd.s32 $0xC200, s12;
	s31 =	sadd.s32 $0x6200, s12  }
0x186: {  	[tilespmem:s22], [sflag:$0x2] =	stream.indirect.gather [hbm4b:s5+s26], $0x1, s31, s26, $0xb8;
	[tilespmem:$0x15680] =	vst v63  }
0x187: {  	s22 =	sadd.s32 $0xC280, s12;
	s31 =	sadd.s32 $0x6280, s12  }
0x188: {  	[tilespmem:s22], [sflag:$0x2] =	stream.indirect.gather [hbm4b:s5+s26], $0x1, s31, s26, $0xb8;
	[tilespmem:$0x15680] =	vst v63  }
0x189: {  	s22 =	sadd.s32 $0xC300, s12;
	s31 =	sadd.s32 $0x6300, s12  }
0x18a: {  	[tilespmem:s22], [sflag:$0x2] =	stream.indirect.gather [hbm4b:s5+s26], $0x1, s31, s26, $0xb8;
	[tilespmem:$0x15680] =	vst v63  }
0x18b: {  	s22 =	sadd.s32 $0xC380, s12;
	s31 =	sadd.s32 $0x6380, s12  }
0x18c: {  	[tilespmem:s22], [sflag:$0x2] =	stream.indirect.gather [hbm4b:s5+s26], $0x1, s31, s26, $0xb8;
	[tilespmem:$0x15680] =	vst v63  }
0x18d: {  	s22 =	sadd.s32 $0xC400, s12;
	s31 =	sadd.s32 $0x6400, s12  }
0x18e: {  	[tilespmem:s22], [sflag:$0x2] =	stream.indirect.gather [hbm4b:s5+s26], $0x1, s31, s26, $0xb8;
	[tilespmem:$0x15680] =	vst v63  }
0x18f: {  	s22 =	sadd.s32 $0xC480, s12;
	s31 =	sadd.s32 $0x6480, s12  }
0x190: {  	[tilespmem:s22], [sflag:$0x2] =	stream.indirect.gather [hbm4b:s5+s26], $0x1, s31, s26, $0xb8;
	[tilespmem:$0x15680] =	vst v63  }
0x191: {  	s22 =	sadd.s32 $0xC500, s12;
	s31 =	sadd.s32 $0x6500, s12  }
0x192: {  	[tilespmem:s22], [sflag:$0x2] =	stream.indirect.gather [hbm4b:s5+s26], $0x1, s31, s26, $0xb8;
	[tilespmem:$0x15680] =	vst v63  }
0x193: {  	s22 =	sadd.s32 $0xC580, s12;
	s31 =	sadd.s32 $0x6580, s12  }
0x194: {  	[tilespmem:s22], [sflag:$0x2] =	stream.indirect.gather [hbm4b:s5+s26], $0x1, s31, s26, $0xb8;
	[tilespmem:$0x15680] =	vst v63  }
0x195: {  	s16 =	sadd.s32 $0x1, s16;
	s22 =	sadd.s32 $0xC600, s12;
	s31 =	sadd.s32 $0x6600, s12  }
0x196: {  	[tilespmem:s22], [sflag:$0x2] =	stream.indirect.gather [hbm4b:s5+s26], $0x1, s31, s26, $0xb8;
	[tilespmem:$0x15680] =	vst v63  }
0x197: {  	p0 =	sne.s32 s16, $0x6;
	s22 =	sadd.s32 $0xC680, s12;
	s31 =	sadd.s32 $0x6680, s12  }
0x198: {  	[tilespmem:s22], [sflag:$0x2] =	stream.indirect.gather [hbm4b:s5+s26], $0x1, s31, s26, $0xb8;
	[tilespmem:$0x15680] =	vst v63  }
.Ltmp5:
0x199: {  	s1 =	sadd.s32 $0x800, s1;
	s18 =	sadd.s32 $0x800, s18;
	(pc) =	sbr.rel @p0 .LBB2_9-.Ltmp5, $4  }
0x19a: {  	s14 =	sadd.s32 $0x800, s14;
	s19 =	sadd.s32 $0xC700, s12;
	s22 =	sadd.s32 $0x6700, s12  }
0x19b: {  	[tilespmem:s19], [sflag:$0x2] =	stream.indirect.gather [hbm4b:s5+s26], $0x1, s22, s26, $0xb8;
	[tilespmem:$0x15680] =	vst v63  }
0x19c: {  	s15 =	sadd.s32 $0x800, s15;
	s31 =	sadd.s32 $0xC780, s12;
	s12 =	sadd.s32 $0x6780, s12  }
0x19d: {  	[tilespmem:s31], [sflag:$0x2] =	stream.indirect.gather [hbm4b:s5+s26], $0x1, s12, s26, $0xb8;
	[tilespmem:$0x15680] =	vst v63  }
0x19e: {  	_ =	swait.ge [sflag:s28], $0x3000  }
0x19f: {  	s1 =	simm.s32 $0x0;
	[sflag:s28] =	ssyncset.done $0x0  }
0x1a0: {  	s12 =	simm.s32 $0x9040;
	s13 =	simm.s32 $0xF070;
	[sflag:s28] =	ssyncadd.s32 $0xFFFFD000  }
.LBB2_15:
0x1a1: {  	v10 =	vmov s12  }
0x1a2: {  	v11 =	vmov s13;
	_ =	sdelay $0x2  }
0x1a3: {  	s14 =	simm.s32 $0x0  }
0x1a4: {  	v21 =	vld.idx.msk [tilespmem:v10+s14+$0x0 ss:$0x1], $0xffff  }
0x1a5: {  	v13 =	vld.idx.msk [tilespmem:v11+s14+$0xFFFFFFD0 ss:$0x1], $0xffff  }
0x1a6: {  	v14 =	vld.idx.msk [tilespmem:v10+s14+$0x10 ss:$0x1], $0xffff  }
0x1a7: {  	v15 =	vld.idx.msk [tilespmem:v11+s14+$0xFFFFFFE0 ss:$0x1], $0xffff  }
0x1a8: {  	v9 =	vld.idx.msk [tilespmem:v10+s14+$0x20 ss:$0x1], $0xffff  }
0x1a9: {  	v12 =	vld.idx.msk [tilespmem:v11+s14+$0xFFFFFFF0 ss:$0x1], $0xffff  }
0x1aa: {  	v20 =	vld.idx.msk [tilespmem:v10+s14+$0xFFFFFFC0 ss:$0x1], $0xffff  }
0x1ab: {  	v22 =	vld.idx.msk [tilespmem:v11+s14+$0xFFFFFF90 ss:$0x1], $0xffff  }
0x1ac: {  	v23 =	vld.idx.msk [tilespmem:v10+s14+$0xFFFFFFD0 ss:$0x1], $0xffff  }
0x1ad: {  	v25 =	vld.idx.msk [tilespmem:v11+s14+$0xFFFFFFA0 ss:$0x1], $0xffff  }
0x1ae: {  	v24 =	vld.idx.msk [tilespmem:v10+s14+$0xFFFFFFE0 ss:$0x1], $0xffff  }
0x1af: {  	v16 =	vimm.f32 $0.0e+00;
	v26 =	vld.idx.msk [tilespmem:v11+s14+$0xFFFFFFB0 ss:$0x1], $0xffff  }
0x1b0: {  	s15 =	simm.s32 $0x200;
	v19 =	vimm.f32 $0.0e+00;
	v17 =	vimm.f32 $0.0e+00;
	v18 =	vimm.f32 $0.0e+00;
	v27 =	vld.idx.msk [tilespmem:v10+s14+$0xFFFFFFF0 ss:$0x1], $0xffff  }
.LBB2_16:
0x1b1: {  	p0 =	sne.s32 s15, $0x1E00;
	v28 =	vld.idx.msk [tilespmem:v11+s14+$0xFFFFFFC0 ss:$0x1], $0xffff  }
0x1b2: {  	v29 =	vld.idx.msk [tilespmem:v10+s14+$0x30 ss:$0x1], $0xffff  }
0x1b3: {  	v30 =	vld.idx.msk [tilespmem:v11+s14+$0x0 ss:$0x1], $0xffff;
	s14 =	sshra.s32 s15, $0x2  }
0x1b4: {  	v31 =	vld.idx.msk [tilespmem:v10+s14+$0x0 ss:$0x1], $0xffff  }
0x1b5: {  	v21 =	vmul.f32 v13, v21;
	v32 =	vmul.f32 v15, v14;
	v13 =	vld.idx.msk [tilespmem:v11+s14+$0xFFFFFFD0 ss:$0x1], $0xffff  }
0x1b6: {  	v20 =	vmul.f32 v22, v20;
	v22 =	vmul.f32 v25, v23;
	v14 =	vld.idx.msk [tilespmem:v10+s14+$0x10 ss:$0x1], $0xffff  }
0x1b7: {  	v23 =	vmul.f32 v26, v24;
	v24 =	vmul.f32 v28, v27;
	v15 =	vld.idx.msk [tilespmem:v11+s14+$0xFFFFFFE0 ss:$0x1], $0xffff  }
0x1b8: {  	v25 =	vmul.f32 v12, v9;
	v16 =	vadd.f32 v20, v16;
	v19 =	vadd.f32 v22, v19;
	v9 =	vld.idx.msk [tilespmem:v10+s14+$0x20 ss:$0x1], $0xffff  }
0x1b9: {  	v17 =	vadd.f32 v23, v17;
	v18 =	vadd.f32 v24, v18;
	v23 =	vmul.f32 v30, v29;
	v12 =	vld.idx.msk [tilespmem:v11+s14+$0xFFFFFFF0 ss:$0x1], $0xffff  }
0x1ba: {  	v16 =	vadd.f32 v21, v16;
	v19 =	vadd.f32 v32, v19;
	v21 =	vmov v31;
	v20 =	vld.idx.msk [tilespmem:v10+s14+$0xFFFFFFC0 ss:$0x1], $0xffff  }
0x1bb: {  	v17 =	vadd.f32 v25, v17;
	v18 =	vadd.f32 v23, v18;
	v22 =	vld.idx.msk [tilespmem:v11+s14+$0xFFFFFF90 ss:$0x1], $0xffff  }
.Ltmp6:
0x1bc: {  	v23 =	vld.idx.msk [tilespmem:v10+s14+$0xFFFFFFD0 ss:$0x1], $0xffff;
	(pc) =	sbr.rel @p0 .LBB2_16-.Ltmp6, $4  }
0x1bd: {  	v25 =	vld.idx.msk [tilespmem:v11+s14+$0xFFFFFFA0 ss:$0x1], $0xffff  }
0x1be: {  	v24 =	vld.idx.msk [tilespmem:v10+s14+$0xFFFFFFE0 ss:$0x1], $0xffff  }
0x1bf: {  	v26 =	vld.idx.msk [tilespmem:v11+s14+$0xFFFFFFB0 ss:$0x1], $0xffff  }
0x1c0: {  	s15 =	sadd.s32 $0x200, s15;
	v27 =	vld.idx.msk [tilespmem:v10+s14+$0xFFFFFFF0 ss:$0x1], $0xffff  }
0x1c1: {  	_ =	sdelay $0x3  }
0x1c2: {  	v28 =	vld.idx.msk [tilespmem:v11+s14+$0xFFFFFFC0 ss:$0x1], $0xffff  }
0x1c3: {  	v10 =	vld.idx.msk [tilespmem:v10+s14+$0x30 ss:$0x1], $0xffff  }
0x1c4: {  	v11 =	vld.idx.msk [tilespmem:v11+s14+$0x0 ss:$0x1], $0xffff  }
0x1c5: {  	v13 =	vmul.f32 v13, v21;
	v14 =	vmul.f32 v15, v14  }
0x1c6: {  	v56 =	vmul.f32 v22, v20;
	v57 =	vmul.f32 v25, v23  }
0x1c7: {  	v58 =	vmul.f32 v26, v24;
	v59 =	vmul.f32 v28, v27  }
0x1c8: {  	v9 =	vmul.f32 v12, v9;
	v15 =	vadd.f32 v56, v16;
	v60 =	vadd.f32 v57, v19  }
0x1c9: {  	v61 =	vadd.f32 v58, v17;
	v10 =	vmul.f32 v11, v10;
	v62 =	vadd.f32 v59, v18  }
0x1ca: {  	v11 =	vadd.f32 v13, v15;
	v63 =	vadd.f32 v14, v60  }
0x1cb: {  	s31 =	sshll.u32 s1, $0x4;
	s1 =	sadd.s32 $0x1, s1;
	v9 =	vadd.f32 v9, v61;
	v10 =	vadd.f32 v10, v62  }
0x1cc: {  	p0 =	sne.s32 s1, $0x6  }
.Ltmp7:
0x1cd: {  	v11 =	vadd.f32 v63, v11;
	v9 =	vadd.f32 v10, v9;
	(pc) =	sbr.rel @p0 .LBB2_15-.Ltmp7, $4  }
0x1ce: {  	_ = 	snop  }
0x1cf: {  	v9 =	vadd.f32 v9, v11  }
0x1d0: {  	s14 =	sand.u32 $0x3FFFFFF0, s31  }
0x1d1: {  	s12 =	sadd.s32 $0x800, s12;
	s13 =	sadd.s32 $0x800, s13;
	[tilespmem:s14+$0x15600] =	vst v9  }
0x1d2: {  	s1 =	sadd.s32 s8, s11  }
0x1d3: {  	p0 =	seq.s32 s2, $0xE;
	s1 =	sshrl.u32 s1, $0x3  }
.Ltmp8:
0x1d4: {  	s1 =	sadd.s32 s3, s1;
	(pc) =	sbr.rel @p0 .LBB2_25-.Ltmp8, $4  }
0x1d5: {  	[hbm4b:s1+s4] =	stream.linear.scatter [tilespmem:s29], [sflag:$0x3], $0x60, $0x38;
	[tilespmem:$0x15680] =	vst v63  }
0x1d6: {  	_ =	swait.ge [sflag:s21], $0x60  }
0x1d7: {  	[sflag:s21] =	ssyncset.done $0x0  }
0x1d8: {  	[sflag:s21] =	ssyncadd.s32 $0xFFFFFFA0  }
0x1d9: {  	s1 =	rddreg [dreg:$0xa]  }
0x1da: {  	s1 =	sadd.s32 s11, s1  }
0x1db: {  	s11 =	sshll.u32 s1, $0x4  }
0x1dc: {  	s12 =	rddreg [dreg:$0x0];
	s11 =	sand.u32 $0x1FFFFC00, s11  }
0x1dd: {  	s12 =	sadd.s32 s12, s11;
	s11 =	simm.s32 $0x0  }
0x1de: {  	[tilespmem:s11], [sflag:$0x3] =	stream.linear.gather [hbm4b:s12+s11], $0x3000, $0x38;
	[tilespmem:$0x15680] =	vst v63  }
0x1df: {  	_ =	swait.ge [sflag:s21], $0x3000  }
0x1e0: {  	s1 =	sshrl.u32 s1, $0x3;
	[sflag:s21] =	ssyncset.done $0x0  }
0x1e1: {  	s13 =	simm.s32 $0x15000;
	s19 =	sadd.s32 s6, s1;
	[sflag:s21] =	ssyncadd.s32 $0xFFFFD000  }
0x1e2: {  	[tilespmem:s13], [sflag:$0x3] =	stream.linear.gather [hbm4b:s19+s11], $0x60, $0x38;
	[tilespmem:$0x15680] =	vst v63  }
0x1e3: {  	_ =	swait.ge [sflag:s21], $0x60  }
0x1e4: {  	[sflag:s21] =	ssyncset.done $0x0  }
0x1e5: {  	s22 =	sadd.s32 s7, s1;
	[sflag:s21] =	ssyncadd.s32 $0xFFFFFFA0  }
0x1e6: {  	[tilespmem:s23], [sflag:$0x3] =	stream.linear.gather [hbm4b:s22+s11], $0x60, $0x38;
	[tilespmem:$0x15680] =	vst v63  }
0x1e7: {  	_ =	swait.ge [sflag:s21], $0x60  }
0x1e8: {  	[sflag:s21] =	ssyncset.done $0x0  }
0x1e9: {  	s31 =	sadd.s32 s9, s1;
	[sflag:s21] =	ssyncadd.s32 $0xFFFFFFA0  }
0x1ea: {  	[tilespmem:s24], [sflag:$0x3] =	stream.linear.gather [hbm4b:s31+s11], $0x60, $0x38;
	[tilespmem:$0x15680] =	vst v63  }
0x1eb: {  	_ =	swait.ge [sflag:s21], $0x60  }
0x1ec: {  	[sflag:s21] =	ssyncset.done $0x0  }
0x1ed: {  	s1 =	sadd.s32 s10, s1;
	[sflag:s21] =	ssyncadd.s32 $0xFFFFFFA0  }
0x1ee: {  	[tilespmem:s25], [sflag:$0x3] =	stream.linear.gather [hbm4b:s1+s11], $0x60, $0x38;
	[tilespmem:$0x15680] =	vst v63  }
0x1ef: {  	_ =	swait.ge [sflag:s21], $0x60  }
0x1f0: {  	s14 =	simm.s32 $0x780;
	s15 =	simm.s32 $0xF780;
	[sflag:s21] =	ssyncset.done $0x0  }
0x1f1: {  	s12 =	simm.s32 $0x3040;
	s13 =	simm.s32 $0xF040;
	[sflag:s21] =	ssyncadd.s32 $0xFFFFFFA0  }
.LBB2_20:
0x1f2: {  	s1 =	sshll.u32 s11, $0x4  }
0x1f3: {  	v9 =	vld [tilespmem:s1+$0x15000]  }
0x1f4: {  	v10 =	vld [tilespmem:s1+$0x15080]  }
0x1f5: {  	v11 =	vld [tilespmem:s1+$0x15100]  }
0x1f6: {  	v12 =	vld [tilespmem:s1+$0x15180];
	_ =	sdelay $0x4  }
0x1f7: {  	v11 =	vsub.f32 v11, v9;
	v12 =	vsub.f32 v12, v10;
	_ =	sdelay $0x1  }
0x1f8: {  	v13 =	vmul.f32 v11, v11;
	v14 =	vmul.f32 v12, v12;
	_ =	sdelay $0x1  }
0x1f9: {  	v14 =	vadd.f32 v14, v13;
	_ =	sdelay $0x1  }
0x1fa: {  	v13 =	vshrl.u32 v14, $0x1;
	v15 =	vmul.f32 $5.000000000e-01, v14  }
0x1fb: {  	v13 =	vsub.s32 $0x5F3759DF, v13  }
0x1fc: {  	v16 =	vmul.f32 v13, v15;
	_ =	sdelay $0x1  }
0x1fd: {  	v16 =	vmul.f32 v13, v16;
	_ =	sdelay $0x1  }
0x1fe: {  	v16 =	vsub.f32 $1.500000000e+00, v16;
	_ =	sdelay $0x1  }
0x1ff: {  	v16 =	vmul.f32 v13, v16;
	_ =	sdelay $0x1  }
0x200: {  	v13 =	vmul.f32 v16, v15;
	_ =	sdelay $0x1  }
0x201: {  	v13 =	vmul.f32 v13, v16  }
0x202: {  	v17 =	vmov s1  }
0x203: {  	v18 =	vsub.f32 $1.500000000e+00, v13;
	v13 =	vshll.u32 v17, $0x7  }
0x204: {  	v13 =	vor.u32 v0, v13  }
0x205: {  	v16 =	vmul.f32 v18, v16;
	_ =	sdelay $0x1  }
0x206: {  	v15 =	vmul.f32 v16, v15;
	_ =	sdelay $0x1  }
0x207: {  	v17 =	vmul.f32 v15, v16;
	v15 =	vld.idx.msk [tilespmem:v13+s4+$0x0], $0xffff;
	_ =	sdelay $0x1  }
0x208: {  	v17 =	vsub.f32 $1.500000000e+00, v17;
	_ =	sdelay $0x1  }
0x209: {  	v16 =	vmul.f32 v17, v16  }
0x20a: {  	v17 =	vmul.f32 v15, v11;
	v18 =	vmul.f32 v12, v15;
	_ =	sdelay $0x1  }
0x20b: {  	s19 =	simm.s32 $0xFFFFFFF8;
	s18 =	smov.u32 s13;
	s1 =	smov.u32 s12;
	v14 =	vmul.f32 v16, v14;
	v21 =	vadd.f32 v17, v9;
	v18 =	vadd.f32 v18, v10  }
.LBB2_21:
0x20c: {  	v16 =	vor.u32 $0x1, v13;
	_ =	sdelay $0x2  }
0x20d: {  	v19 =	vor.u32 $0x2, v13  }
0x20e: {  	s16 =	simm.s32 $0x0  }
0x20f: {  	v16 =	vld.idx.msk [tilespmem:v16+s16+$0x0], $0xffff;
	_ =	sdelay $0x2  }
0x210: {  	v22 =	vld.idx.msk [tilespmem:v19+s16+$0x0], $0xffff;
	_ =	sdelay $0x1  }
0x211: {  	v17 =	vmul.f32 v16, v11;
	v20 =	vmul.f32 v16, v12;
	_ =	sdelay $0x1  }
0x212: {  	v17 =	vadd.f32 v17, v9;
	v20 =	vadd.f32 v20, v10  }
0x213: {  	v24 =	vmul.f32 v22, v11;
	v26 =	vmul.f32 v22, v12  }
0x214: {  	v21 =	vadd.f32 v17, v21;
	v18 =	vadd.f32 v20, v18  }
0x215: {  	v24 =	vadd.f32 v24, v9;
	v42 =	vadd.f32 v26, v10  }
0x216: {  	v19 =	vmul.f32 $5.000000000e-01, v21;
	v18 =	vmul.f32 $5.000000000e-01, v18  }
0x217: {  	v17 =	vadd.f32 v24, v17;
	v20 =	vadd.f32 v42, v20  }
0x218: {  	v21 =	vor.u32 $0x3, v13;
	v19 =	vsub.f32 v19, v7;
	v18 =	vsub.f32 v18, v8  }
0x219: {  	v17 =	vmul.f32 $5.000000000e-01, v17;
	v20 =	vmul.f32 $5.000000000e-01, v20  }
0x21a: {  	v23 =	vmul.f32 v19, v3;
	v25 =	vmul.f32 v18, v4  }
0x21b: {  	v17 =	vsub.f32 v17, v7;
	v19 =	vmul.f32 v19, v5;
	v18 =	vmul.f32 v18, v6  }
0x21c: {  	v20 =	vsub.f32 v20, v8  }
0x21d: {  	v28 =	vmul.f32 v17, v3;
	v23 =	vadd.f32 v25, v23;
	v19 =	vadd.f32 v18, v19;
	v18 =	vld.idx.msk [tilespmem:v21+s16+$0x0], $0xffff  }
0x21e: {  	v15 =	vsub.f32 v16, v15;
	v29 =	vmul.f32 v20, v4;
	v17 =	vmul.f32 v17, v5  }
0x21f: {  	v20 =	vmul.f32 v20, v6;
	v21 =	vadd.f32 $1.258291200e+07, v23;
	v19 =	vadd.f32 $1.258291200e+07, v19  }
0x220: {  	v48 =	vor.u32 $0x5, v13;
	v15 =	vmul.f32 v15, v14  }
0x221: {  	v17 =	vadd.f32 v20, v17;
	v21 =	vadd.s32 $0xB4C00000, v21;
	v19 =	vadd.s32 $0xB4C00000, v19  }
0x222: {  	v23 =	vmul.f32 v18, v11;
	v43 =	vmul.f32 v18, v12;
	v27 =	vor.u32 v19, v21  }
0x223: {  	v46 =	vadd.f32 $1.258291200e+07, v17;
	v21 =	vshll.u32 v21, $0x9;
	vm0 =	vlt.u32 v27, $0x200  }
0x224: {  	v19 =	vor.u32 v19, v21;
	v23 =	vadd.f32 v23, v9;
	v26 =	vadd.f32 v43, v10  }
0x225: {  	v17 =	vnsel vm0, $0x0, v19;
	v19 =	vnsel vm0, $0x0, v15;
	v15 =	vsub.f32 v22, v16  }
0x226: {  	v30 =	vor.u32 $0x4, v13;
	v16 =	vld.idx.msk [tilespmem:v48+s16+$0x0], $0xffff;
	v24 =	vadd.f32 v23, v24;
	v25 =	vadd.f32 v26, v42;
	_ =	sdelay $0x1  }
0x227: {  	v60 =	vor.u32 $0x6, v13;
	v20 =	vmul.f32 $5.000000000e-01, v24;
	v21 =	vmul.f32 $5.000000000e-01, v25  }
0x228: {  	v34 =	vor.u32 $0x7, v13;
	v44 =	vadd.f32 v29, v28;
	v22 =	vsub.f32 v18, v22  }
0x229: {  	v15 =	vmul.f32 v15, v14;
	v47 =	vsub.f32 v20, v7;
	v21 =	vsub.f32 v21, v8  }
0x22a: {  	v45 =	vadd.f32 $1.258291200e+07, v44;
	v22 =	vmul.f32 v22, v14;
	v58 =	vmul.f32 v16, v12;
	v20 =	vld.idx.msk [tilespmem:v30+s16+$0x0], $0xffff  }
0x22b: {  	v13 =	vadd.s32 $0x8, v13;
	v50 =	vmul.f32 v47, v3;
	v31 =	vmul.f32 v21, v4  }
0x22c: {  	v24 =	vadd.s32 $0xB4C00000, v45;
	v27 =	vmul.f32 v47, v5;
	v21 =	vmul.f32 v21, v6  }
0x22d: {  	v25 =	vadd.s32 $0xB4C00000, v46;
	v57 =	vmul.f32 v16, v11;
	v30 =	vadd.f32 v58, v10  }
0x22e: {  	v49 =	vor.u32 v25, v24;
	v51 =	vadd.f32 v31, v50;
	v21 =	vadd.f32 v21, v27  }
0x22f: {  	v27 =	vadd.f32 v57, v9;
	v52 =	vmul.f32 v20, v11;
	v53 =	vmul.f32 v20, v12  }
0x230: {  	v24 =	vshll.u32 v24, $0x9;
	v18 =	vsub.f32 v20, v18;
	v20 =	vsub.f32 v16, v20  }
0x231: {  	vm10 =	vlt.u32 v49, $0x200;
	v55 =	vadd.f32 v52, v9;
	v56 =	vadd.f32 v53, v10  }
0x232: {  	v29 =	vnsel vm10, $0x0, v15;
	v54 =	vadd.f32 $1.258291200e+07, v51;
	v15 =	vadd.f32 $1.258291200e+07, v21  }
0x233: {  	v24 =	vor.u32 v25, v24;
	v23 =	vadd.f32 v55, v23;
	v26 =	vadd.f32 v56, v26  }
0x234: {  	v21 =	vadd.s32 $0xB4C00000, v54;
	v15 =	vadd.s32 $0xB4C00000, v15;
	v25 =	vadd.f32 v27, v55  }
0x235: {  	v28 =	vadd.f32 v30, v56;
	v23 =	vmul.f32 $5.000000000e-01, v23;
	v26 =	vmul.f32 $5.000000000e-01, v26  }
0x236: {  	v59 =	vor.u32 v15, v21;
	v21 =	vshll.u32 v21, $0x9;
	v25 =	vmul.f32 $5.000000000e-01, v25  }
0x237: {  	v28 =	vmul.f32 $5.000000000e-01, v28;
	v23 =	vsub.f32 v23, v7;
	v26 =	vsub.f32 v26, v8  }
0x238: {  	v18 =	vmul.f32 v18, v14;
	v15 =	vor.u32 v15, v21;
	v21 =	vsub.f32 v25, v7  }
0x239: {  	v61 =	vsub.f32 v28, v8;
	v32 =	vmul.f32 v23, v3;
	v33 =	vmul.f32 v26, v4  }
0x23a: {  	vm11 =	vlt.u32 v59, $0x200;
	v28 =	vld.idx.msk [tilespmem:v60+s16+$0x0], $0xffff;
	v23 =	vmul.f32 v23, v5;
	v26 =	vmul.f32 v26, v6  }
0x23b: {  	v63 =	vnsel vm11, $0x0, v15;
	v15 =	vmul.f32 v21, v3;
	v39 =	vmul.f32 v61, v4  }
0x23c: {  	[tilespmem:s1+$0xFFFFFFC0] =	vst v17;
	v24 =	vnsel vm10, $0x0, v24;
	v21 =	vmul.f32 v21, v5;
	v25 =	vmul.f32 v61, v6  }
0x23d: {  	v17 =	vmul.f32 v20, v14;
	v32 =	vadd.f32 v33, v32;
	v23 =	vadd.f32 v26, v23;
	v33 =	vld.idx.msk [tilespmem:v34+s16+$0x0], $0xffff  }
0x23e: {  	v22 =	vnsel vm11, $0x0, v22;
	v15 =	vadd.f32 v39, v15;
	v21 =	vadd.f32 v25, v21  }
0x23f: {  	v40 =	vmul.f32 v28, v11;
	v16 =	vsub.f32 v28, v16;
	v62 =	vadd.f32 $1.258291200e+07, v32  }
0x240: {  	v41 =	vmul.f32 v28, v12;
	v23 =	vadd.f32 $1.258291200e+07, v23;
	v15 =	vadd.f32 $1.258291200e+07, v15  }
0x241: {  	v21 =	vadd.f32 $1.258291200e+07, v21;
	v42 =	vadd.f32 v40, v9;
	v26 =	vadd.s32 $0xB4C00000, v62  }
0x242: {  	v23 =	vadd.s32 $0xB4C00000, v23;
	v44 =	vmul.f32 v33, v11;
	v45 =	vmul.f32 v33, v12  }
0x243: {  	v43 =	vadd.f32 v41, v10;
	v35 =	vor.u32 v23, v26;
	v27 =	vadd.f32 v42, v27  }
0x244: {  	vm1 =	vlt.u32 v35, $0x200;
	v34 =	vadd.f32 v44, v9;
	v35 =	vadd.f32 v45, v10  }
0x245: {  	v16 =	vmul.f32 v16, v14;
	v36 =	vadd.s32 $0xB4C00000, v15;
	v30 =	vadd.f32 v43, v30  }
0x246: {  	v15 =	vmul.f32 $5.000000000e-01, v27;
	v25 =	vadd.f32 v34, v42;
	v47 =	vadd.f32 v35, v43  }
0x247: {  	v21 =	vadd.s32 $0xB4C00000, v21;
	v26 =	vshll.u32 v26, $0x9;
	v46 =	vmul.f32 $5.000000000e-01, v30  }
0x248: {  	v49 =	vsub.f32 v15, v7;
	v15 =	vld.idx.msk [tilespmem:v13+s16+$0x0], $0xffff;
	v25 =	vmul.f32 $5.000000000e-01, v25;
	v30 =	vmul.f32 $5.000000000e-01, v47  }
0x249: {  	[tilespmem:s1+$0xFFFFFFE0] =	vst v63;
	v48 =	vor.u32 v21, v36;
	v36 =	vshll.u32 v36, $0x9;
	v63 =	vsub.f32 v33, v28  }
0x24a: {  	v23 =	vor.u32 v23, v26;
	v25 =	vsub.f32 v25, v7;
	v30 =	vsub.f32 v30, v8  }
0x24b: {  	vm12 =	vlt.u32 v48, $0x200;
	v36 =	vor.u32 v21, v36;
	v23 =	vnsel vm1, $0x0, v23  }
0x24c: {  	v27 =	vsub.f32 v46, v8;
	v21 =	vmul.f32 v25, v3;
	v38 =	vmul.f32 v30, v4  }
0x24d: {  	v53 =	vnsel vm1, $0x0, v18;
	v50 =	vmul.f32 v49, v3;
	v52 =	vmul.f32 v15, v12  }
0x24e: {  	v37 =	vmul.f32 v27, v4;
	v51 =	vadd.f32 v38, v21;
	v21 =	vmul.f32 v15, v11  }
0x24f: {  	v32 =	vmul.f32 v49, v5;
	v27 =	vmul.f32 v27, v6;
	v18 =	vadd.f32 v52, v10  }
0x250: {  	v59 =	vnsel vm12, $0x0, v36;
	v26 =	vadd.f32 v37, v50;
	v21 =	vadd.f32 v21, v9  }
0x251: {  	v17 =	vnsel vm12, $0x0, v17;
	v27 =	vadd.f32 v27, v32;
	v35 =	vadd.f32 v18, v35  }
0x252: {  	v26 =	vadd.f32 $1.258291200e+07, v26;
	v25 =	vmul.f32 v25, v5;
	v34 =	vadd.f32 v21, v34  }
0x253: {  	[tilespmem:s1+$0x0] =	vst v59;
	v27 =	vadd.f32 $1.258291200e+07, v27;
	v30 =	vmul.f32 v30, v6;
	v56 =	vmul.f32 $5.000000000e-01, v35  }
0x254: {  	[tilespmem:s18+$0x0] =	vst v17;
	v17 =	vmul.f32 v63, v14;
	v26 =	vadd.s32 $0xB4C00000, v26;
	v55 =	vmul.f32 $5.000000000e-01, v34  }
0x255: {  	v27 =	vadd.s32 $0xB4C00000, v27;
	v25 =	vadd.f32 v30, v25;
	v58 =	vsub.f32 v56, v8  }
0x256: {  	v54 =	vor.u32 v27, v26;
	v20 =	vadd.f32 $1.258291200e+07, v51;
	v57 =	vsub.f32 v55, v7  }
0x257: {  	v25 =	vadd.f32 $1.258291200e+07, v25;
	v61 =	vmul.f32 v58, v4;
	v30 =	vmul.f32 v58, v6  }
0x258: {  	[tilespmem:s18+$0xFFFFFFC0] =	vst v19;
	v19 =	vshll.u32 v26, $0x9;
	v60 =	vmul.f32 v57, v3;
	v26 =	vmul.f32 v57, v5  }
0x259: {  	[tilespmem:s18+$0xFFFFFFE0] =	vst v22;
	vm13 =	vlt.u32 v54, $0x200;
	v20 =	vadd.s32 $0xB4C00000, v20;
	v25 =	vadd.s32 $0xB4C00000, v25  }
0x25a: {  	[tilespmem:s1+$0xFFFFFFF0] =	vst v23;
	v62 =	vor.u32 v25, v20;
	v22 =	vadd.f32 v61, v60;
	v23 =	vadd.f32 v30, v26  }
0x25b: {  	[tilespmem:s1+$0xFFFFFFD0] =	vst v24;
	v19 =	vor.u32 v27, v19;
	v20 =	vshll.u32 v20, $0x9;
	vm14 =	vlt.u32 v62, $0x200  }
0x25c: {  	[tilespmem:s18+$0xFFFFFFD0] =	vst v29;
	v20 =	vor.u32 v25, v20;
	v22 =	vadd.f32 $1.258291200e+07, v22;
	v23 =	vadd.f32 $1.258291200e+07, v23  }
0x25d: {  	s19 =	sadd.s32 $0x8, s19;
	[tilespmem:s18+$0xFFFFFFF0] =	vst v53;
	v19 =	vnsel vm13, $0x0, v19;
	v16 =	vnsel vm13, $0x0, v16;
	v20 =	vnsel vm14, $0x0, v20  }
0x25e: {  	p0 =	slt.u32 s19, $0x70;
	[tilespmem:s1+$0x10] =	vst v19;
	v19 =	vadd.s32 $0xB4C00000, v22;
	v22 =	vadd.s32 $0xB4C00000, v23;
	v23 =	vsub.f32 v15, v33  }
.Ltmp9:
0x25f: {  	[tilespmem:s18+$0x10] =	vst v16;
	v16 =	vnsel vm14, $0x0, v17;
	v17 =	vor.u32 v22, v19;
	v19 =	vshll.u32 v19, $0x9;
	(pc) =	sbr.rel @p0 .LBB2_21-.Ltmp9, $4  }
0x260: {  	[tilespmem:s1+$0x20] =	vst v20;
	vm15 =	vlt.u32 v17, $0x200;
	v17 =	vor.u32 v22, v19;
	v19 =	vmul.f32 v23, v14  }
0x261: {  	[tilespmem:s18+$0x20] =	vst v16;
	v16 =	vnsel vm15, $0x0, v17  }
0x262: {  	v17 =	vnsel vm15, $0x0, v19;
	[tilespmem:s1+$0x30] =	vst v16  }
0x263: {  	s22 =	simm.s32 $0x3000;
	s1 =	sadd.s32 $0x80, s1;
	[tilespmem:s18+$0x30] =	vst v17;
	s18 =	sadd.s32 $0x80, s18  }
0x264: {  	s1 =	smov.u32 s14  }
.LBB2_23:
0x265: {  	v13 =	vadd.s32 $0x1, v13;
	_ =	sdelay $0x4  }
0x266: {  	v16 =	vld.idx.msk [tilespmem:v13+s4+$0x0], $0xffff;
	_ =	sdelay $0x4  }
0x267: {  	v17 =	vmul.f32 v16, v11;
	v19 =	vmul.f32 v16, v12;
	_ =	sdelay $0x1  }
0x268: {  	v17 =	vadd.f32 v17, v9;
	v19 =	vadd.f32 v19, v10;
	_ =	sdelay $0x1  }
0x269: {  	v20 =	vadd.f32 v17, v21;
	v18 =	vadd.f32 v19, v18;
	_ =	sdelay $0x1  }
0x26a: {  	v20 =	vmul.f32 $5.000000000e-01, v20;
	v18 =	vmul.f32 $5.000000000e-01, v18;
	_ =	sdelay $0x1  }
0x26b: {  	v20 =	vsub.f32 v20, v7;
	v18 =	vsub.f32 v18, v8;
	_ =	sdelay $0x1  }
0x26c: {  	v21 =	vmul.f32 v20, v3;
	v22 =	vmul.f32 v18, v4  }
0x26d: {  	v20 =	vmul.f32 v20, v5;
	v18 =	vmul.f32 v18, v6;
	_ =	sdelay $0x1  }
0x26e: {  	v21 =	vadd.f32 v22, v21;
	v18 =	vadd.f32 v18, v20;
	_ =	sdelay $0x1  }
0x26f: {  	v20 =	vadd.f32 $1.258291200e+07, v21;
	v18 =	vadd.f32 $1.258291200e+07, v18  }
0x270: {  	v15 =	vsub.f32 v16, v15  }
0x271: {  	v20 =	vadd.s32 $0xB4C00000, v20;
	v18 =	vadd.s32 $0xB4C00000, v18  }
0x272: {  	p0 =	sne.s32 s16, $0x180;
	v15 =	vmul.f32 v15, v14;
	v21 =	vor.u32 v18, v20;
	v20 =	vshll.u32 v20, $0x9  }
.Ltmp10:
0x273: {  	vm0 =	vlt.u32 v21, $0x200;
	v18 =	vor.u32 v18, v20;
	(pc) =	sbr.rel @p0 .LBB2_23-.Ltmp10, $4  }
0x274: {  	s18 =	sand.u32 $0x3FFFFF80, s1;
	v18 =	vnsel vm0, $0x0, v18;
	v15 =	vnsel vm0, $0x0, v15  }
0x275: {  	s19 =	sshra.s32 s16, $0x2;
	s18 =	sadd.s32 s18, s22  }
0x276: {  	s31 =	sadd.s32 s19, s15;
	[tilespmem:s18+$0x0] =	vst v18  }
0x277: {  	s1 =	sadd.s32 $0x10, s1;
	s16 =	sadd.s32 $0x40, s16;
	s22 =	sadd.s32 $0x10, s22;
	v21 =	vmov v17;
	[tilespmem:s31+$0x0] =	vst v15;
	v18 =	vmov v19;
	v15 =	vmov v16  }
0x278: {  	s1 =	sshll.u32 s11, $0xB  }
0x279: {  	[tilespmem:s1+$0x37F0] =	vst v1;
	s16 =	sand.u32 $0x3FFFF800, s1  }
0x27a: {  	[tilespmem:s16+$0xF7F0] =	vst v2;
	s18 =	sadd.s32 $0x9000, s16;
	s16 =	sadd.s32 $0x3000, s16  }
0x27b: {  	[tilespmem:s18], [sflag:$0x1] =	stream.indirect.gather [hbm4b:s5+s26], $0x1, s16, s26, $0xb8;
	[tilespmem:$0x15680] =	vst v63  }
0x27c: {  	s22 =	sadd.s32 $0x9080, s1;
	s31 =	sadd.s32 $0x3080, s1  }
0x27d: {  	[tilespmem:s22], [sflag:$0x1] =	stream.indirect.gather [hbm4b:s5+s26], $0x1, s31, s26, $0xb8;
	[tilespmem:$0x15680] =	vst v63  }
0x27e: {  	s19 =	sadd.s32 $0x3100, s1;
	s18 =	sadd.s32 $0x9100, s1  }
0x27f: {  	[tilespmem:s18], [sflag:$0x1] =	stream.indirect.gather [hbm4b:s5+s26], $0x1, s19, s26, $0xb8;
	[tilespmem:$0x15680] =	vst v63  }
0x280: {  	s22 =	sadd.s32 $0x9180, s1;
	s31 =	sadd.s32 $0x3180, s1  }
0x281: {  	[tilespmem:s22], [sflag:$0x1] =	stream.indirect.gather [hbm4b:s5+s26], $0x1, s31, s26, $0xb8;
	[tilespmem:$0x15680] =	vst v63  }
0x282: {  	s18 =	sadd.s32 $0x9200, s1;
	s19 =	sadd.s32 $0x3200, s1  }
0x283: {  	[tilespmem:s18], [sflag:$0x1] =	stream.indirect.gather [hbm4b:s5+s26], $0x1, s19, s26, $0xb8;
	[tilespmem:$0x15680] =	vst v63  }
0x284: {  	s22 =	sadd.s32 $0x9280, s1;
	s31 =	sadd.s32 $0x3280, s1  }
0x285: {  	[tilespmem:s22], [sflag:$0x1] =	stream.indirect.gather [hbm4b:s5+s26], $0x1, s31, s26, $0xb8;
	[tilespmem:$0x15680] =	vst v63  }
0x286: {  	s18 =	sadd.s32 $0x9300, s1;
	s19 =	sadd.s32 $0x3300, s1  }
0x287: {  	[tilespmem:s18], [sflag:$0x1] =	stream.indirect.gather [hbm4b:s5+s26], $0x1, s19, s26, $0xb8;
	[tilespmem:$0x15680] =	vst v63  }
0x288: {  	s22 =	sadd.s32 $0x9380, s1;
	s31 =	sadd.s32 $0x3380, s1  }
0x289: {  	[tilespmem:s22], [sflag:$0x1] =	stream.indirect.gather [hbm4b:s5+s26], $0x1, s31, s26, $0xb8;
	[tilespmem:$0x15680] =	vst v63  }
0x28a: {  	s18 =	sadd.s32 $0x9400, s1;
	s19 =	sadd.s32 $0x3400, s1  }
0x28b: {  	[tilespmem:s18], [sflag:$0x1] =	stream.indirect.gather [hbm4b:s5+s26], $0x1, s19, s26, $0xb8;
	[tilespmem:$0x15680] =	vst v63  }
0x28c: {  	s22 =	sadd.s32 $0x9480, s1;
	s31 =	sadd.s32 $0x3480, s1  }
0x28d: {  	[tilespmem:s22], [sflag:$0x1] =	stream.indirect.gather [hbm4b:s5+s26], $0x1, s31, s26, $0xb8;
	[tilespmem:$0x15680] =	vst v63  }
0x28e: {  	s18 =	sadd.s32 $0x9500, s1;
	s19 =	sadd.s32 $0x3500, s1  }
0x28f: {  	[tilespmem:s18], [sflag:$0x1] =	stream.indirect.gather [hbm4b:s5+s26], $0x1, s19, s26, $0xb8;
	[tilespmem:$0x15680] =	vst v63  }
0x290: {  	s22 =	sadd.s32 $0x9580, s1;
	s31 =	sadd.s32 $0x3580, s1  }
0x291: {  	[tilespmem:s22], [sflag:$0x1] =	stream.indirect.gather [hbm4b:s5+s26], $0x1, s31, s26, $0xb8;
	[tilespmem:$0x15680] =	vst v63  }
0x292: {  	s11 =	sadd.s32 $0x1, s11;
	s18 =	sadd.s32 $0x9600, s1;
	s19 =	sadd.s32 $0x3600, s1  }
0x293: {  	[tilespmem:s18], [sflag:$0x1] =	stream.indirect.gather [hbm4b:s5+s26], $0x1, s19, s26, $0xb8;
	[tilespmem:$0x15680] =	vst v63  }
0x294: {  	p0 =	sne.s32 s11, $0x6;
	s22 =	sadd.s32 $0x9680, s1;
	s31 =	sadd.s32 $0x3680, s1  }
0x295: {  	[tilespmem:s22], [sflag:$0x1] =	stream.indirect.gather [hbm4b:s5+s26], $0x1, s31, s26, $0xb8;
	[tilespmem:$0x15680] =	vst v63  }
.Ltmp11:
0x296: {  	s12 =	sadd.s32 $0x800, s12;
	s13 =	sadd.s32 $0x800, s13;
	(pc) =	sbr.rel @p0 .LBB2_20-.Ltmp11, $4  }
0x297: {  	s14 =	sadd.s32 $0x800, s14;
	s19 =	sadd.s32 $0x9700, s1;
	s22 =	sadd.s32 $0x3700, s1  }
0x298: {  	[tilespmem:s19], [sflag:$0x1] =	stream.indirect.gather [hbm4b:s5+s26], $0x1, s22, s26, $0xb8;
	[tilespmem:$0x15680] =	vst v63  }
0x299: {  	s15 =	sadd.s32 $0x800, s15;
	s31 =	sadd.s32 $0x9780, s1;
	s1 =	sadd.s32 $0x3780, s1  }
0x29a: {  	[tilespmem:s31], [sflag:$0x1] =	stream.indirect.gather [hbm4b:s5+s26], $0x1, s1, s26, $0xb8;
	[tilespmem:$0x15680] =	vst v63  }
.LBB2_25:
0x29b: {  	_ =	swait.ge [sflag:s30], $0x3000  }
0x29c: {  	s1 =	simm.s32 $0x0;
	[sflag:s30] =	ssyncset.done $0x0  }
0x29d: {  	s11 =	simm.s32 $0xC040;
	s12 =	simm.s32 $0x12070;
	[sflag:s30] =	ssyncadd.s32 $0xFFFFD000  }
.LBB2_26:
0x29e: {  	v10 =	vmov s11  }
0x29f: {  	v11 =	vmov s12;
	_ =	sdelay $0x2  }
0x2a0: {  	s13 =	simm.s32 $0x0  }
0x2a1: {  	v21 =	vld.idx.msk [tilespmem:v10+s13+$0x0 ss:$0x1], $0xffff  }
0x2a2: {  	v13 =	vld.idx.msk [tilespmem:v11+s13+$0xFFFFFFD0 ss:$0x1], $0xffff  }
0x2a3: {  	v14 =	vld.idx.msk [tilespmem:v10+s13+$0x10 ss:$0x1], $0xffff  }
0x2a4: {  	v15 =	vld.idx.msk [tilespmem:v11+s13+$0xFFFFFFE0 ss:$0x1], $0xffff  }
0x2a5: {  	v9 =	vld.idx.msk [tilespmem:v10+s13+$0x20 ss:$0x1], $0xffff  }
0x2a6: {  	v12 =	vld.idx.msk [tilespmem:v11+s13+$0xFFFFFFF0 ss:$0x1], $0xffff  }
0x2a7: {  	v20 =	vld.idx.msk [tilespmem:v10+s13+$0xFFFFFFC0 ss:$0x1], $0xffff  }
0x2a8: {  	v22 =	vld.idx.msk [tilespmem:v11+s13+$0xFFFFFF90 ss:$0x1], $0xffff  }
0x2a9: {  	v23 =	vld.idx.msk [tilespmem:v10+s13+$0xFFFFFFD0 ss:$0x1], $0xffff  }
0x2aa: {  	v25 =	vld.idx.msk [tilespmem:v11+s13+$0xFFFFFFA0 ss:$0x1], $0xffff  }
0x2ab: {  	v24 =	vld.idx.msk [tilespmem:v10+s13+$0xFFFFFFE0 ss:$0x1], $0xffff  }
0x2ac: {  	v16 =	vimm.f32 $0.0e+00;
	v26 =	vld.idx.msk [tilespmem:v11+s13+$0xFFFFFFB0 ss:$0x1], $0xffff  }
0x2ad: {  	s14 =	simm.s32 $0x200;
	v19 =	vimm.f32 $0.0e+00;
	v17 =	vimm.f32 $0.0e+00;
	v18 =	vimm.f32 $0.0e+00;
	v27 =	vld.idx.msk [tilespmem:v10+s13+$0xFFFFFFF0 ss:$0x1], $0xffff  }
.LBB2_27:
0x2ae: {  	p0 =	sne.s32 s14, $0x1E00;
	v28 =	vld.idx.msk [tilespmem:v11+s13+$0xFFFFFFC0 ss:$0x1], $0xffff  }
0x2af: {  	v29 =	vld.idx.msk [tilespmem:v10+s13+$0x30 ss:$0x1], $0xffff  }
0x2b0: {  	v30 =	vld.idx.msk [tilespmem:v11+s13+$0x0 ss:$0x1], $0xffff;
	s13 =	sshra.s32 s14, $0x2  }
0x2b1: {  	v31 =	vld.idx.msk [tilespmem:v10+s13+$0x0 ss:$0x1], $0xffff  }
0x2b2: {  	v21 =	vmul.f32 v13, v21;
	v32 =	vmul.f32 v15, v14;
	v13 =	vld.idx.msk [tilespmem:v11+s13+$0xFFFFFFD0 ss:$0x1], $0xffff  }
0x2b3: {  	v20 =	vmul.f32 v22, v20;
	v22 =	vmul.f32 v25, v23;
	v14 =	vld.idx.msk [tilespmem:v10+s13+$0x10 ss:$0x1], $0xffff  }
0x2b4: {  	v23 =	vmul.f32 v26, v24;
	v24 =	vmul.f32 v28, v27;
	v15 =	vld.idx.msk [tilespmem:v11+s13+$0xFFFFFFE0 ss:$0x1], $0xffff  }
0x2b5: {  	v25 =	vmul.f32 v12, v9;
	v16 =	vadd.f32 v20, v16;
	v19 =	vadd.f32 v22, v19;
	v9 =	vld.idx.msk [tilespmem:v10+s13+$0x20 ss:$0x1], $0xffff  }
0x2b6: {  	v17 =	vadd.f32 v23, v17;
	v18 =	vadd.f32 v24, v18;
	v23 =	vmul.f32 v30, v29;
	v12 =	vld.idx.msk [tilespmem:v11+s13+$0xFFFFFFF0 ss:$0x1], $0xffff  }
0x2b7: {  	v16 =	vadd.f32 v21, v16;
	v19 =	vadd.f32 v32, v19;
	v21 =	vmov v31;
	v20 =	vld.idx.msk [tilespmem:v10+s13+$0xFFFFFFC0 ss:$0x1], $0xffff  }
0x2b8: {  	v17 =	vadd.f32 v25, v17;
	v18 =	vadd.f32 v23, v18;
	v22 =	vld.idx.msk [tilespmem:v11+s13+$0xFFFFFF90 ss:$0x1], $0xffff  }
.Ltmp12:
0x2b9: {  	v23 =	vld.idx.msk [tilespmem:v10+s13+$0xFFFFFFD0 ss:$0x1], $0xffff;
	(pc) =	sbr.rel @p0 .LBB2_27-.Ltmp12, $4  }
0x2ba: {  	v25 =	vld.idx.msk [tilespmem:v11+s13+$0xFFFFFFA0 ss:$0x1], $0xffff  }
0x2bb: {  	v24 =	vld.idx.msk [tilespmem:v10+s13+$0xFFFFFFE0 ss:$0x1], $0xffff  }
0x2bc: {  	v26 =	vld.idx.msk [tilespmem:v11+s13+$0xFFFFFFB0 ss:$0x1], $0xffff  }
0x2bd: {  	s14 =	sadd.s32 $0x200, s14;
	v27 =	vld.idx.msk [tilespmem:v10+s13+$0xFFFFFFF0 ss:$0x1], $0xffff  }
0x2be: {  	_ =	sdelay $0x3  }
0x2bf: {  	v28 =	vld.idx.msk [tilespmem:v11+s13+$0xFFFFFFC0 ss:$0x1], $0xffff  }
0x2c0: {  	v10 =	vld.idx.msk [tilespmem:v10+s13+$0x30 ss:$0x1], $0xffff  }
0x2c1: {  	v11 =	vld.idx.msk [tilespmem:v11+s13+$0x0 ss:$0x1], $0xffff  }
0x2c2: {  	v13 =	vmul.f32 v13, v21;
	v14 =	vmul.f32 v15, v14  }
0x2c3: {  	v56 =	vmul.f32 v22, v20;
	v57 =	vmul.f32 v25, v23  }
0x2c4: {  	v58 =	vmul.f32 v26, v24;
	v59 =	vmul.f32 v28, v27  }
0x2c5: {  	v9 =	vmul.f32 v12, v9;
	v15 =	vadd.f32 v56, v16;
	v60 =	vadd.f32 v57, v19  }
0x2c6: {  	v61 =	vadd.f32 v58, v17;
	v10 =	vmul.f32 v11, v10;
	v62 =	vadd.f32 v59, v18  }
0x2c7: {  	v11 =	vadd.f32 v13, v15;
	v63 =	vadd.f32 v14, v60  }
0x2c8: {  	s31 =	sshll.u32 s1, $0x4;
	s1 =	sadd.s32 $0x1, s1;
	v9 =	vadd.f32 v9, v61;
	v10 =	vadd.f32 v10, v62  }
0x2c9: {  	p0 =	sne.s32 s1, $0x6  }
.Ltmp13:
0x2ca: {  	v11 =	vadd.f32 v63, v11;
	v9 =	vadd.f32 v10, v9;
	(pc) =	sbr.rel @p0 .LBB2_26-.Ltmp13, $4  }
0x2cb: {  	_ = 	snop  }
0x2cc: {  	v9 =	vadd.f32 v9, v11  }
0x2cd: {  	s13 =	sand.u32 $0x3FFFFFF0, s31  }
0x2ce: {  	s11 =	sadd.s32 $0x800, s11;
	s12 =	sadd.s32 $0x800, s12;
	[tilespmem:s13+$0x15600] =	vst v9  }
0x2cf: {  	s2 =	sadd.s32 $0x1, s2  }
0x2d0: {  	p0 =	sne.s32 s2, $0xF  }
.Ltmp14:
0x2d1: {  	s1 =	sadd.s32 s3, s20;
	(pc) =	sbr.rel @p0 .LBB2_8-.Ltmp14, $4  }
0x2d2: {  	[hbm4b:s1+s4] =	stream.linear.scatter [tilespmem:s29], [sflag:$0x3], $0x60, $0x38;
	[tilespmem:$0x15680] =	vst v63  }
0x2d3: {  	_ =	swait.ge [sflag:s21], $0x60  }
0x2d4: {  	[sflag:s21] =	ssyncset.done $0x0  }
0x2d5: {  	[sflag:s21] =	ssyncadd.s32 $0xFFFFFFA0  }
0x2d6: {  	s1 =	rddreg [dreg:$0xc]  }
0x2d7: {  	s0 =	rddreg [dreg:$0xb];
	s1 =	sadd.s32 $0x1, s1  }
0x2d8: {  	p0 =	sne.s32 s1, s0  }
.Ltmp15:
0x2d9: {  	_ = 	snop;
	(pc) =	sbr.rel @p0 .LBB2_1-.Ltmp15, $1  }
0x2da: {  	_ =	sdelay $0x3  }
0x2db: {  	_ =	sfence.sel $0x180000  }
0x2dc: {  	[bflag:$0x0] =	sbarrier.arrive $0xFFFF  }
0x2dd: {  	_ =	strace $0x90000047  }
0x2de: {  	s0 =	stileid.u32;
	[bflag:$0x2] =	sbarrier.arrive $0xFFFF  }
0x2df: {  	p0 =	sne.s32 s0, $0x0;
	s0 =	rddreg [dreg:$0x3]  }
0x2e0: {  	s0 =	sadd.s32 @!p0 $0x100000, s0  }
0x2e1: {  	[sflag:s0] =	ssyncadd.tile.s32 @!p0 $0x1;
	_ =	shalt  }
.Lfunc_end2:
_tile_overlayer_lowered:
.L_overlay_start_2:
0x2e2: {  	(tag) =	ssettag $0x2  }
0x2e3: {  	s0 =	rddreg [dreg:$0x0];
	s2 =	stileid.u32  }
0x2e4: {  	s1 =	rddreg [dreg:$0x1];
	p0 =	sne.s32 s2, $0x0  }
0x2e5: {  	s3 =	rddreg [dreg:$0x2];
	[bflag:$0x3] =	sbarrier.arrive $0xFFFF;
	s2 =	simm.s32 @!p0 $0x1C03  }
0x2e6: {  	[timem:s3], [sflag:s2] =	dma.local @!p0 [hbm:s0], s1  }
0x2e7: {  	s0 =	simm.s32 @!p0 $0x3  }
0x2e8: {  	_ =	swait.ge @!p0 [sflag:s0], s1  }
0x2e9: {  	s1 =	ssub.s32 @!p0 $0x0, s1;
	[sflag:s0] =	ssyncset.done @!p0 $0x0  }
0x2ea: {  	[sflag:s0] =	ssyncadd.s32 @!p0 s1  }
0x2eb: {  	[bflag:$0x3] =	sbarrier.arrive $0xFFFF  }
0x2ec: {  	_ =	shalt  }

</sc_bundles>
